<compile_context>
chip_gen: v7x
topology: tpu7x:2x2x1
jax: 0.10.2.dev20260603
libtpu: 0.0.44.dev20260713+nightly
codegen_flags: <defaults>
</compile_context>

<pallas_src>
import jax
import jax.numpy as jnp
from jax import lax
from jax.experimental import pallas as pl
from jax.experimental.pallas import tpu as pltpu
from jax.experimental.pallas import tpu_sc as plsc

_N = 10000
_E = 320000
_D = 64
_G = 64
_FIN = 242
_FALL = 652

_NPAD = 10240
_DUMMY = 10200
_CH = 128
_NCH = 157
_EP = 16 * _NCH * _CH
_RP = 200
_NB = _N // (2 * _RP)


def _seg_body(ys, src_h, dst_h, agg, src_v, dst_v, rows0, rows1, acc,
              sem_i, sem0, sem1):
    c = lax.axis_index("c")
    s = lax.axis_index("s")
    cp_si = pltpu.async_copy(src_h.at[c, s], src_v, sem_i)
    cp_di = pltpu.async_copy(dst_h.at[c, s], dst_v, sem_i)

    @pl.loop(0, _CH)
    def _zero(r):
        for q in range(_D // 16):
            rows0[r, pl.ds(q * 16, 16)] = jnp.zeros((16,), jnp.float32)

    for k in range(_NPAD // 16 // _CH):
        pltpu.sync_copy(rows0, acc.at[pl.ds((s * 5 + k) * _CH, _CH)])
    cp_si.wait()
    cp_di.wait()
    plsc.subcore_barrier()

    @pl.loop(0, _NCH)
    def _edges(j):
        pltpu.async_copy(ys.at[src_v.at[j]], rows0, sem0).wait()
        pltpu.sync_copy(rows0, acc.at[dst_v.at[j]], add=True)

    plsc.subcore_barrier()
    rpt = _NPAD // 16
    pltpu.sync_copy(acc.at[pl.ds(s * rpt, rpt)],
                    agg.at[c, pl.ds(s * rpt, rpt)])


def _seg_sum(ys2, src_idx, dst_idx):
    mesh = plsc.VectorSubcoreMesh(core_axis_name="c", subcore_axis_name="s",
                                  num_cores=2, num_subcores=16)
    kern = pl.kernel(
        _seg_body,
        out_type=jax.ShapeDtypeStruct((2, _NPAD, _D), jnp.float32),
        mesh=mesh,
        scratch_types=[
            pltpu.VMEM((_NCH, _CH), jnp.int32),
            pltpu.VMEM((_NCH, _CH), jnp.int32),
            pltpu.VMEM((_CH, _D), jnp.float32),
            pltpu.VMEM((_CH, _D), jnp.float32),
            pltpu.VMEM_SHARED((_NPAD, _D), jnp.float32),
            pltpu.SemaphoreType.DMA,
            pltpu.SemaphoreType.DMA,
            pltpu.SemaphoreType.DMA,
        ],
        compiler_params=pltpu.CompilerParams(use_tc_tiling_on_sc=False),
    )
    return kern(ys2, src_idx, dst_idx)


def _idx_body(s_ref, d_ref, so_ref, do_ref):
    rows = _E // _CH
    so_ref[0, :rows, :] = s_ref[0]
    so_ref[0, rows:, :] = jnp.zeros((_EP // _CH - rows, _CH), jnp.int32)
    do_ref[0, :rows, :] = d_ref[0]
    do_ref[0, rows:, :] = jnp.full((_EP // _CH - rows, _CH), _DUMMY, jnp.int32)


def _idx_prep(srcs, dsts):
    rows = _E // _CH
    return pl.pallas_call(
        _idx_body,
        grid=(2,),
        in_specs=[
            pl.BlockSpec((1, rows, _CH), lambda i: (i, 0, 0)),
            pl.BlockSpec((1, rows, _CH), lambda i: (i, 0, 0)),
        ],
        out_specs=[
            pl.BlockSpec((1, _EP // _CH, _CH), lambda i: (i, 0, 0)),
            pl.BlockSpec((1, _EP // _CH, _CH), lambda i: (i, 0, 0)),
        ],
        out_shape=[
            jax.ShapeDtypeStruct((2, _EP // _CH, _CH), jnp.int32),
            jax.ShapeDtypeStruct((2, _EP // _CH, _CH), jnp.int32),
        ],
    )(srcs, dsts)


def _lin2_body(h_ref, ab_ref, w_ref, o_ref):
    k = h_ref.shape[1] // 2
    a = ab_ref[0:1, :]
    b = ab_ref[1:2, :]
    he = h_ref[:, :k] * a + b
    ho = h_ref[:, k:] * a + b
    w = w_ref[...]
    o_ref[0] = jnp.dot(he, w, preferred_element_type=jnp.float32)
    o_ref[1] = jnp.dot(ho, w, preferred_element_type=jnp.float32)


def _lin2(h, ab, w):
    k = w.shape[0]
    return pl.pallas_call(
        _lin2_body,
        grid=(_NB,),
        in_specs=[
            pl.BlockSpec((_RP, 2 * k), lambda i: (i, 0)),
            pl.BlockSpec((2, k), lambda i: (0, 0)),
            pl.BlockSpec((k, 2 * _D), lambda i: (0, 0)),
        ],
        out_specs=pl.BlockSpec((2, _RP, 2 * _D), lambda i: (0, i, 0)),
        out_shape=jax.ShapeDtypeStruct((2, _N // 2, 2 * _D), jnp.float32),
    )(h, ab, w)


def _post_body(ys_ref, s1_ref, s2_ref, eb_ref, b1_ref, w2_ref, b2_ref,
               wm1_ref, bm1_ref, wm2_ref, bm2_ref, gb_ref,
               r_ref, ab_ref, stat_ref):
    i = pl.program_id(0)
    scat_e = jnp.concatenate([s1_ref[0][:, :_D], s2_ref[0][:, :_D]], axis=1)
    scat_o = jnp.concatenate([s1_ref[0][:, _D:], s2_ref[0][:, _D:]], axis=1)
    eb = eb_ref[...]
    b1 = b1_ref[...]
    w2 = w2_ref[...]
    b2 = b2_ref[...]
    wm1 = wm1_ref[...]
    bm1 = bm1_ref[...]
    wm2 = wm2_ref[...]
    bm2 = bm2_ref[...]

    def half(ys, scat):
        z = jnp.maximum(ys * eb + scat + b1, 0.0)
        u = jnp.maximum(
            jnp.dot(z, w2, preferred_element_type=jnp.float32) + b2, 0.0)
        v = jnp.maximum(
            jnp.dot(u, wm1, preferred_element_type=jnp.float32) + bm1, 0.0)
        return jnp.dot(v, wm2, preferred_element_type=jnp.float32) + bm2

    re = half(ys_ref[0], scat_e)
    ro = half(ys_ref[1], scat_o)
    r_ref[...] = jnp.concatenate([re, ro], axis=1)

    @pl.when(i == 0)
    def _():
        stat_ref[...] = jnp.zeros_like(stat_ref)

    stat_ref[0:1, :] += (jnp.sum(re, axis=0, keepdims=True)
                         + jnp.sum(ro, axis=0, keepdims=True))
    stat_ref[1:2, :] += (jnp.sum(re * re, axis=0, keepdims=True)
                         + jnp.sum(ro * ro, axis=0, keepdims=True))

    @pl.when(i == _NB - 1)
    def _():
        mu = stat_ref[0:1, :] * (1.0 / _N)
        var = stat_ref[1:2, :] * (1.0 / _N) - mu * mu
        a = gb_ref[0:1, :] * lax.rsqrt(var + 1e-5)
        ab_ref[0:1, :] = a
        ab_ref[1:2, :] = gb_ref[1:2, :] - mu * a


def _post(ys, agg, eb, b1r, w2bd, b2r, wm1, bm1r, wm2, bm2r, gb):
    return pl.pallas_call(
        _post_body,
        grid=(_NB,),
        in_specs=[
            pl.BlockSpec((2, _RP, 2 * _D), lambda i: (0, i, 0)),
            pl.BlockSpec((1, _RP, 2 * _D), lambda i: (0, i, 0)),
            pl.BlockSpec((1, _RP, 2 * _D), lambda i: (1, i, 0)),
            pl.BlockSpec((1, 2 * _D), lambda i: (0, 0)),
            pl.BlockSpec((1, 2 * _D), lambda i: (0, 0)),
            pl.BlockSpec((2 * _D, 2 * _D), lambda i: (0, 0)),
            pl.BlockSpec((1, 2 * _D), lambda i: (0, 0)),
            pl.BlockSpec((2 * _D, _D), lambda i: (0, 0)),
            pl.BlockSpec((1, _D), lambda i: (0, 0)),
            pl.BlockSpec((_D, _D), lambda i: (0, 0)),
            pl.BlockSpec((1, _D), lambda i: (0, 0)),
            pl.BlockSpec((2, _D), lambda i: (0, 0)),
        ],
        out_specs=[
            pl.BlockSpec((_RP, 2 * _D), lambda i: (i, 0)),
            pl.BlockSpec((2, _D), lambda i: (0, 0)),
        ],
        out_shape=[
            jax.ShapeDtypeStruct((_N // 2, 2 * _D), jnp.float32),
            jax.ShapeDtypeStruct((2, _D), jnp.float32),
        ],
        scratch_shapes=[pltpu.VMEM((2, _D), jnp.float32)],
    )(ys, agg, agg, eb, b1r, w2bd, b2r, wm1, bm1r, wm2, bm2r, gb)


def _pool_body(b2_ref, bp_ref, r1_ref, r2_ref, r3_ref, r4_ref,
               p_ref, cnt_ref):
    i = pl.program_id(0)

    @pl.when(i == 0)
    def _():
        p_ref[...] = jnp.zeros_like(p_ref)
        cnt_ref[...] = jnp.zeros_like(cnt_ref)

    dn = (((0,), (0,)), ((), ()))
    iota2 = lax.broadcasted_iota(jnp.int32, (2 * _RP, _G), 1)
    iota1 = lax.broadcasted_iota(jnp.int32, (_RP, _G), 1)
    oh = (iota2 == b2_ref[:, 0:1]).astype(jnp.float32)
    ohe = (iota1 == bp_ref[:, 0:1]).astype(jnp.float32)
    oho = (iota1 == bp_ref[:, 2:3]).astype(jnp.float32)
    for l, rref in enumerate((r1_ref, r2_ref, r3_ref, r4_ref)):
        rp = rref[...]
        p_ref[:, l * _D:(l + 1) * _D] += (
            lax.dot_general(ohe, rp[:, :_D], dn,
                            preferred_element_type=jnp.float32)
            + lax.dot_general(oho, rp[:, _D:], dn,
                              preferred_element_type=jnp.float32))
    ones8 = jnp.ones((2 * _RP, 8), jnp.float32)
    cnt_ref[...] += lax.dot_general(
        oh, ones8, dn, preferred_element_type=jnp.float32)


def _pool(batch2, bp, r1, r2, r3, r4):
    rspec = pl.BlockSpec((_RP, 2 * _D), lambda i: (i, 0))
    return pl.pallas_call(
        _pool_body,
        grid=(_NB,),
        in_specs=[
            pl.BlockSpec((2 * _RP, 2), lambda i: (i, 0)),
            pl.BlockSpec((_RP, 4), lambda i: (i, 0)),
            rspec, rspec, rspec, rspec,
        ],
        out_specs=[
            pl.BlockSpec((_G, 4 * _D), lambda i: (0, 0)),
            pl.BlockSpec((_G, 8), lambda i: (0, 0)),
        ],
        out_shape=[
            jax.ShapeDtypeStruct((_G, 4 * _D), jnp.float32),
            jax.ShapeDtypeStruct((_G, 8), jnp.float32),
        ],
    )(batch2, bp, r1, r2, r3, r4)


def _poolx_body(b2_ref, xa_ref, pa_ref, cnt_ref):
    i = pl.program_id(0)

    @pl.when(i == 0)
    def _():
        pa_ref[...] = jnp.zeros_like(pa_ref)
        cnt_ref[...] = jnp.zeros_like(cnt_ref)

    dn = (((0,), (0,)), ((), ()))
    iota2 = lax.broadcasted_iota(jnp.int32, (2 * _RP, _G), 1)
    oha = (iota2 == b2_ref[:, 1:2]).astype(jnp.float32)
    pa_ref[...] += lax.dot_general(
        oha, xa_ref[...], dn, preferred_element_type=jnp.float32)
    ones8 = jnp.ones((2 * _RP, 8), jnp.float32)
    cnt_ref[...] += lax.dot_general(
        oha, ones8, dn, preferred_element_type=jnp.float32)


def _poolx(batch2, xap):
    fa = xap.shape[1]
    return pl.pallas_call(
        _poolx_body,
        grid=(_NB,),
        in_specs=[
            pl.BlockSpec((2 * _RP, 2), lambda i: (i, 0)),
            pl.BlockSpec((2 * _RP, fa), lambda i: (i, 0)),
        ],
        out_specs=[
            pl.BlockSpec((_G, fa), lambda i: (0, 0)),
            pl.BlockSpec((_G, 8), lambda i: (0, 0)),
        ],
        out_shape=[
            jax.ShapeDtypeStruct((_G, fa), jnp.float32),
            jax.ShapeDtypeStruct((_G, 8), jnp.float32),
        ],
    )(batch2, xap)


def _final_body(p_ref, pa_ref, cb_ref, ca_ref, a_ref, b_ref, w1a_ref,
                w1b_ref, fb1_ref, w2_ref, fb2_ref, w3_ref, fb3_ref, w4_ref,
                fb4_ref, o_ref):
    ca = ca_ref[:, 0:1]
    cb = cb_ref[:, 0:1]
    mask = (ca > 0.0).astype(jnp.float32)
    avg = p_ref[...] / jnp.maximum(ca, 1.0)
    xg = (avg * a_ref[...] + b_ref[...]) * mask
    xag = pa_ref[...] / jnp.maximum(cb, 1.0)
    z = jnp.maximum(
        jnp.dot(xg, w1a_ref[...], preferred_element_type=jnp.float32)
        + jnp.dot(xag, w1b_ref[...], preferred_element_type=jnp.float32)
        + fb1_ref[...], 0.0)
    z = jnp.maximum(
        jnp.dot(z, w2_ref[...], preferred_element_type=jnp.float32)
        + fb2_ref[...], 0.0)
    z = jnp.maximum(
        jnp.dot(z, w3_ref[...], preferred_element_type=jnp.float32)
        + fb3_ref[...], 0.0)
    o_ref[...] = (jnp.dot(z, w4_ref[...], preferred_element_type=jnp.float32)
                  + fb4_ref[...])


def _final(p, pa, cb, ca, arow, brow, w1a, w1b, fb1, w2, fb2, w3, fb3, w4,
           fb4):
    fa = pa.shape[1]
    full = lambda shape: pl.BlockSpec(shape, lambda: tuple(0 for _ in shape))
    return pl.pallas_call(
        _final_body,
        grid=(),
        in_specs=[
            full((_G, 4 * _D)), full((_G, fa)), full((_G, 8)), full((_G, 8)),
            full((1, 4 * _D)), full((1, 4 * _D)),
            full((4 * _D, _D)), full((fa, _D)), full((1, _D)),
            full((_D, _D)), full((1, _D)),
            full((_D, _D)), full((1, _D)),
            full((_D, 2 * _D)), full((1, 2 * _D)),
        ],
        out_specs=full((_G, 2 * _D)),
        out_shape=jax.ShapeDtypeStruct((_G, 2 * _D), jnp.float32),
    )(p, pa, cb, ca, arow, brow, w1a, w1b, fb1, w2, fb2, w3, fb3, w4, fb4)


def kernel(x, x_all, edge_index_1, edge_index_2, batch, batch_all, params):
    f32 = jnp.float32
    p = params

    def prep(ei, off):
        n = ei[0]
        src = n + off + (n % 2) * (_N - 1)
        return src.reshape(_E // _CH, _CH), ei[1].reshape(_E // _CH, _CH)

    s1, d1 = prep(edge_index_1, 0)
    s2, d2 = prep(edge_index_2, 1)
    src_idx, dst_idx = _idx_prep(jnp.stack([s1, s2]), jnp.stack([d1, d2]))
    src_idx = src_idx.reshape(2, 16, _NCH, _CH)
    dst_idx = dst_idx.reshape(2, 16, _NCH, _CH)

    xp = jnp.pad(x, ((0, 0), (0, 256 - _FIN))).reshape(_N // 2, 512)
    xap = x_all
    batch2 = jnp.stack([batch, batch_all], axis=1)
    bp = batch2.reshape(_N // 2, 4)

    pa, cnta = _poolx(batch2, xap)

    h = xp
    ab = jnp.concatenate(
        [jnp.ones((1, 256), f32), jnp.zeros((1, 256), f32)], axis=0)
    a_parts, b_parts, rs = [], [], []
    for L in range(1, 5):
        c1 = p["conv%d_1" % L]
        c2 = p["conv%d_2" % L]
        m = p["mlp%d" % L]
        bn = p["bn%d" % L]
        w1 = jnp.concatenate([c1["W1"], c2["W1"]], axis=1)
        if L == 1:
            w1 = jnp.pad(w1, ((0, 256 - _FIN), (0, 0)))
        ysp = _lin2(h, ab, w1)
        agg = _seg_sum(ysp.reshape(2 * _N, _D), src_idx, dst_idx)
        agg = agg.reshape(2, _NPAD // 2, 2 * _D)
        eb = jnp.concatenate([jnp.full((1, _D), 1.0 + c1["eps"], f32),
                              jnp.full((1, _D), 1.0 + c2["eps"], f32)], axis=1)
        b1r = jnp.concatenate([c1["b1"], c2["b1"]]).reshape(1, 2 * _D)
        w2bd = (jnp.zeros((2 * _D, 2 * _D), f32)
                .at[:_D, :_D].set(c1["W2"]).at[_D:, _D:].set(c2["W2"]))
        b2r = jnp.concatenate([c1["b2"], c2["b2"]]).reshape(1, 2 * _D)
        gb = jnp.stack([bn["gamma"], bn["beta"]])
        r, ab = _post(ysp, agg, eb, b1r, w2bd, b2r,
                      m["W1"], m["b1"].reshape(1, _D),
                      m["W2"], m["b2"].reshape(1, _D), gb)
        a_parts.append(ab[0:1, :])
        b_parts.append(ab[1:2, :])
        rs.append(r)
        h = r

    pg, cntb = _pool(batch2, bp, rs[0], rs[1], rs[2], rs[3])
    arow = jnp.concatenate(a_parts, axis=1)
    brow = jnp.concatenate(b_parts, axis=1)
    w1a = p["fc1"]["W"][:4 * _D]
    w1b = p["fc1"]["W"][4 * _D:]
    fb1 = p["fc1"]["b"].reshape(1, _D)
    w4 = jnp.pad(p["fc4"]["W"], ((0, 0), (0, 2 * _D - 1)))
    fb4 = jnp.pad(p["fc4"]["b"], (0, 2 * _D - 1)).reshape(1, 2 * _D)
    out = _final(pg, pa, cnta, cntb, arow, brow, w1a, w1b, fb1,
                 p["fc2"]["W"], p["fc2"]["b"].reshape(1, _D),
                 p["fc3"]["W"], p["fc3"]["b"].reshape(1, _D), w4, fb4)
    return out[:, 0]

# --- scband reference (transcript-rebuilt; emitter-appended) ---
"""Pipeline reference for scband-net-gin-53549652247067 (READ-ONLY COPY).

The authoritative reference and input builder live on the scoring server;
editing this copy changes nothing except your own understanding.
"""

import jax, jax.numpy as jnp
import numpy as np

N = 10000
E = 320000
DIM = 64
G = 64
F_IN = 242
F_ALL = 652

def _lin(key, fi, fo):
    k1, k2 = jax.random.split(key)
    b = 1.0 / np.sqrt(fi)
    W = jax.random.uniform(k1, (fi, fo), minval=-b, maxval=b, dtype=jnp.float32)
    bb = jax.random.uniform(k2, (fo,), minval=-b, maxval=b, dtype=jnp.float32)
    return W, bb

def _gin_params(key, fi, d):
    k1, k2 = jax.random.split(key)
    W1, b1 = _lin(k1, fi, d)
    W2, b2 = _lin(k2, d, d)
    return {"eps": jnp.zeros((), jnp.float32), "W1": W1, "b1": b1, "W2": W2, "b2": b2}

def _mlp_params(key, fi, d):
    k1, k2 = jax.random.split(key)
    W1, b1 = _lin(k1, fi, d)
    W2, b2 = _lin(k2, d, d)
    return {"W1": W1, "b1": b1, "W2": W2, "b2": b2}

def setup_inputs(seed: int = 0):
    key = jax.random.key(seed)
    ks = jax.random.split(key, 32)
    x = jax.random.normal(ks[0], (N, F_IN), dtype=jnp.float32)
    x_all = jax.random.normal(ks[1], (N, F_ALL), dtype=jnp.float32)
    edge_index_1 = jax.random.randint(ks[2], (2, E), 0, N, dtype=jnp.int32)
    edge_index_2 = jax.random.randint(ks[3], (2, E), 0, N, dtype=jnp.int32)
    batch = jnp.sort(jax.random.randint(ks[4], (N,), 0, G, dtype=jnp.int32))
    batch_all = jnp.sort(jax.random.randint(ks[5], (N,), 0, G, dtype=jnp.int32))
    params = {}
    i = 6
    for L in range(1, 5):
        fi = F_IN if L == 1 else DIM
        params["conv%d_1" % L] = _gin_params(ks[i], fi, DIM); i += 1
        params["conv%d_2" % L] = _gin_params(ks[i], fi, DIM); i += 1
        params["mlp%d" % L] = _mlp_params(ks[i], 2 * DIM, DIM); i += 1
        params["bn%d" % L] = {"gamma": jnp.ones((DIM,), jnp.float32), "beta": jnp.zeros((DIM,), jnp.float32)}
    W, b = _lin(ks[i], 4 * DIM + F_ALL, DIM); params["fc1"] = {"W": W, "b": b}; i += 1
    W, b = _lin(ks[i], DIM, DIM); params["fc2"] = {"W": W, "b": b}; i += 1
    W, b = _lin(ks[i], DIM, DIM); params["fc3"] = {"W": W, "b": b}; i += 1
    W, b = _lin(ks[i], DIM, 1); params["fc4"] = {"W": W, "b": b}
    return {"x": x, "x_all": x_all, "edge_index_1": edge_index_1, "edge_index_2": edge_index_2, "batch": batch, "batch_all": batch_all, "params": params}

def _gin(x, ei, p):
    agg = jax.ops.segment_sum(x[ei[0]], ei[1], num_segments=N)
    h = (1.0 + p["eps"]) * x + agg
    h = jnp.maximum(h @ p["W1"] + p["b1"], 0.0)
    return h @ p["W2"] + p["b2"]

def _mlp(x, p):
    h = jnp.maximum(x @ p["W1"] + p["b1"], 0.0)
    return h @ p["W2"] + p["b2"]

def _bn(x, p):
    mu = jnp.mean(x, axis=0)
    var = jnp.var(x, axis=0)
    return (x - mu) / jnp.sqrt(var + 1e-5) * p["gamma"] + p["beta"]

def _mean_pool(x, seg, num):
    s = jax.ops.segment_sum(x, seg, num_segments=num)
    c = jax.ops.segment_sum(jnp.ones((x.shape[0],), x.dtype), seg, num_segments=num)
    return s / jnp.maximum(c, 1.0)[:, None]

def _forward(x, x_all, edge_index_1, edge_index_2, batch, batch_all, params):
    h = x
    reps = []
    for L in range(1, 5):
        x1 = jnp.maximum(_gin(h, edge_index_1, params["conv%d_1" % L]), 0.0)
        x2 = jnp.maximum(_gin(h, edge_index_2, params["conv%d_2" % L]), 0.0)
        r = _mlp(jnp.concatenate([x1, x2], axis=-1), params["mlp%d" % L])
        r = _bn(r, params["bn%d" % L])
        reps.append(r)
        h = r
    xc = jnp.concatenate(reps, axis=-1)
    xg = _mean_pool(xc, batch, G)
    xag = _mean_pool(x_all, batch_all, G)
    z = jnp.concatenate([xg, xag], axis=-1)
    z = jnp.maximum(z @ params["fc1"]["W"] + params["fc1"]["b"], 0.0)
    z = jnp.maximum(z @ params["fc2"]["W"] + params["fc2"]["b"], 0.0)
    z = jnp.maximum(z @ params["fc3"]["W"] + params["fc3"]["b"], 0.0)
    z = z @ params["fc4"]["W"] + params["fc4"]["b"]
    return z.reshape(-1)

def reference(x, x_all, edge_index_1, edge_index_2, batch, batch_all, params):
    return _forward(x, x_all, edge_index_1, edge_index_2, batch, batch_all, params)

if __name__ == "__main__":
    import jax
    _d = setup_inputs()
    print(jax.jit(kernel)(*tuple(_d.values())))

</pallas_src>

<mosaic_0001>
#map = affine_map<(d0, d1) -> (0, 0)>
#map1 = affine_map<(d0, d1) -> (0, 0, 0, 0)>
#map2 = affine_map<(d0, d1) -> (0, 0, 0)>
module attributes {stable_mosaic.version = 14 : i64} {
  func.func @_seg_body(%arg0: i32, %arg1: i32, %arg2: memref<20000x64xf32, #tpu.memory_space<hbm>>, %arg3: memref<2x16x157x128xi32, #tpu.memory_space<hbm>>, %arg4: memref<2x16x157x128xi32, #tpu.memory_space<hbm>>, %arg5: memref<2x10240x64xf32, #tpu.memory_space<hbm>>, %arg6: memref<157x128xi32, #tpu.memory_space<vmem>>, %arg7: memref<157x128xi32, #tpu.memory_space<vmem>>, %arg8: memref<128x64xf32, #tpu.memory_space<vmem>>, %arg9: memref<128x64xf32, #tpu.memory_space<vmem>>, %arg10: memref<10240x64xf32, #tpu.memory_space<vmem_shared>>, %arg11: memref<!tpu.dma_semaphore, #tpu.memory_space<semaphore_mem>>, %arg12: memref<!tpu.dma_semaphore, #tpu.memory_space<semaphore_mem>>, %arg13: memref<!tpu.dma_semaphore, #tpu.memory_space<semaphore_mem>>) attributes {dimension_semantics = [#tpu.dimension_semantics<core_parallel>, #tpu.dimension_semantics<subcore_parallel>], iteration_bounds = array<i64: 2, 16>, scalar_prefetch = 0 : i64, scratch_operands = 8 : i64, tpu.core_type = #tpu.core_type<sc_vector_subcore>, window_params = [{transform_indices = #map}, {transform_indices = #map1}, {transform_indices = #map1}, {transform_indices = #map2}]} {
    %dma_start3A = arith.constant 0 : i32
    %dma_start3A_0 = arith.constant 0 : i32
    %dma_start3A_1 = tpu.memref_slice %arg3[%arg0, %arg1, %dma_start3A, %dma_start3A_0] : memref<2x16x157x128xi32, #tpu.memory_space<hbm>> -> memref<1x1x157x128xi32, #tpu.memory_space<hbm>>
    %dma_start3A_2 = tpu.memref_squeeze %dma_start3A_1 : memref<1x1x157x128xi32, #tpu.memory_space<hbm>> -> memref<157x128xi32, #tpu.memory_space<hbm>>
    %dma_start3A_3 = arith.constant 0 : i32
    %dma_start3A_4 = arith.constant 0 : i32
    %dma_start3A_5 = tpu.memref_slice %arg3[%arg0, %arg1, %dma_start3A_3, %dma_start3A_4] : memref<2x16x157x128xi32, #tpu.memory_space<hbm>> -> memref<1x1x157x128xi32, #tpu.memory_space<hbm>>
    %dma_start3A_6 = tpu.memref_squeeze %dma_start3A_5 : memref<1x1x157x128xi32, #tpu.memory_space<hbm>> -> memref<157x128xi32, #tpu.memory_space<hbm>>
    tpu.enqueue_dma source(%dma_start3A_6 : memref<157x128xi32, #tpu.memory_space<hbm>>) target(%arg6 : memref<157x128xi32, #tpu.memory_space<vmem>>) target_semaphore(%arg11 : memref<!tpu.dma_semaphore, #tpu.memory_space<semaphore_mem>>)
    %dma_start3A_7 = arith.constant 0 : i32
    %dma_start3A_8 = arith.constant 0 : i32
    %dma_start3A_9 = tpu.memref_slice %arg4[%arg0, %arg1, %dma_start3A_7, %dma_start3A_8] : memref<2x16x157x128xi32, #tpu.memory_space<hbm>> -> memref<1x1x157x128xi32, #tpu.memory_space<hbm>>
    %dma_start3A_10 = tpu.memref_squeeze %dma_start3A_9 : memref<1x1x157x128xi32, #tpu.memory_space<hbm>> -> memref<157x128xi32, #tpu.memory_space<hbm>>
    %dma_start3A_11 = arith.constant 0 : i32
    %dma_start3A_12 = arith.constant 0 : i32
    %dma_start3A_13 = tpu.memref_slice %arg4[%arg0, %arg1, %dma_start3A_11, %dma_start3A_12] : memref<2x16x157x128xi32, #tpu.memory_space<hbm>> -> memref<1x1x157x128xi32, #tpu.memory_space<hbm>>
    %dma_start3A_14 = tpu.memref_squeeze %dma_start3A_13 : memref<1x1x157x128xi32, #tpu.memory_space<hbm>> -> memref<157x128xi32, #tpu.memory_space<hbm>>
    tpu.enqueue_dma source(%dma_start3A_14 : memref<157x128xi32, #tpu.memory_space<hbm>>) target(%arg7 : memref<157x128xi32, #tpu.memory_space<vmem>>) target_semaphore(%arg11 : memref<!tpu.dma_semaphore, #tpu.memory_space<semaphore_mem>>)
    %scan3A = arith.constant 0 : i32
    %scan3A_15 = arith.constant 128 : i32
    %scan3A_16 = arith.addi %scan3A, %scan3A_15 : i32
    %scan3A_17 = arith.constant 1 : i32
    scf.for %scan3A_72 = %scan3A to %scan3A_16 step %scan3A_17  : i32 {
      %mul3A_73 = arith.constant 1 : i32
      %mul3A_74 = arith.muli %scan3A_72, %mul3A_73 : i32
      %add3A_75 = arith.constant 0 : i32
      %add3A_76 = arith.addi %add3A_75, %mul3A_74 : i32
      %broadcast_in_dim3A = arith.constant 0.000000e+00 : f32
      %broadcast_in_dim3A_77 = vector.broadcast %broadcast_in_dim3A : f32 to vector<16xf32>
      %swap3A = arith.index_cast %add3A_76 : i32 to index
      %swap3A_78 = arith.constant 0 : index
      %swap3A_79 = tpu.vector_load %arg8[%swap3A, %swap3A_78] {strides = array<i32>} : memref<128x64xf32, #tpu.memory_space<vmem>>, vector<1x16xf32>,
      %swap3A_80 = vector.shape_cast %swap3A_79 : vector<1x16xf32> to vector<16xf32>
      %swap3A_81 = vector.shape_cast %broadcast_in_dim3A_77 : vector<16xf32> to vector<1x16xf32>
      tpu.vector_store %arg8[%swap3A, %swap3A_78], %swap3A_81 {strides = array<i32>} : memref<128x64xf32, #tpu.memory_space<vmem>>, vector<1x16xf32>,
      %broadcast_in_dim3A_82 = arith.constant 0.000000e+00 : f32
      %broadcast_in_dim3A_83 = vector.broadcast %broadcast_in_dim3A_82 : f32 to vector<16xf32>
      %swap3A_84 = arith.index_cast %add3A_76 : i32 to index
      %swap3A_85 = arith.constant 16 : index
      %swap3A_86 = tpu.vector_load %arg8[%swap3A_84, %swap3A_85] {strides = array<i32>} : memref<128x64xf32, #tpu.memory_space<vmem>>, vector<1x16xf32>,
      %swap3A_87 = vector.shape_cast %swap3A_86 : vector<1x16xf32> to vector<16xf32>
      %swap3A_88 = vector.shape_cast %broadcast_in_dim3A_83 : vector<16xf32> to vector<1x16xf32>
      tpu.vector_store %arg8[%swap3A_84, %swap3A_85], %swap3A_88 {strides = array<i32>} : memref<128x64xf32, #tpu.memory_space<vmem>>, vector<1x16xf32>,
      %broadcast_in_dim3A_89 = arith.constant 0.000000e+00 : f32
      %broadcast_in_dim3A_90 = vector.broadcast %broadcast_in_dim3A_89 : f32 to vector<16xf32>
      %swap3A_91 = arith.index_cast %add3A_76 : i32 to index
      %swap3A_92 = arith.constant 32 : index
      %swap3A_93 = tpu.vector_load %arg8[%swap3A_91, %swap3A_92] {strides = array<i32>} : memref<128x64xf32, #tpu.memory_space<vmem>>, vector<1x16xf32>,
      %swap3A_94 = vector.shape_cast %swap3A_93 : vector<1x16xf32> to vector<16xf32>
      %swap3A_95 = vector.shape_cast %broadcast_in_dim3A_90 : vector<16xf32> to vector<1x16xf32>
      tpu.vector_store %arg8[%swap3A_91, %swap3A_92], %swap3A_95 {strides = array<i32>} : memref<128x64xf32, #tpu.memory_space<vmem>>, vector<1x16xf32>,
      %broadcast_in_dim3A_96 = arith.constant 0.000000e+00 : f32
      %broadcast_in_dim3A_97 = vector.broadcast %broadcast_in_dim3A_96 : f32 to vector<16xf32>
      %swap3A_98 = arith.index_cast %add3A_76 : i32 to index
      %swap3A_99 = arith.constant 48 : index
      %swap3A_100 = tpu.vector_load %arg8[%swap3A_98, %swap3A_99] {strides = array<i32>} : memref<128x64xf32, #tpu.memory_space<vmem>>, vector<1x16xf32>,
      %swap3A_101 = vector.shape_cast %swap3A_100 : vector<1x16xf32> to vector<16xf32>
      %swap3A_102 = vector.shape_cast %broadcast_in_dim3A_97 : vector<16xf32> to vector<1x16xf32>
      tpu.vector_store %arg8[%swap3A_98, %swap3A_99], %swap3A_102 {strides = array<i32>} : memref<128x64xf32, #tpu.memory_space<vmem>>, vector<1x16xf32>,
    }
    %scan3A_18 = arith.constant 128 : i32
    %mul3A = arith.constant 5 : i32
    %mul3A_19 = arith.muli %arg1, %mul3A : i32
    %add3A = arith.constant 0 : i32
    %add3A_20 = arith.addi %mul3A_19, %add3A : i32
    %mul3A_21 = arith.constant 128 : i32
    %mul3A_22 = arith.muli %add3A_20, %mul3A_21 : i32
    "tpu.region"() ({
      %run_scoped3A = tpu.sem_alloc : memref<!tpu.dma_semaphore, #tpu.memory_space<semaphore_mem>>
      %dma_start3A_72 = arith.constant 0 : i32
      %dma_start3A_73 = tpu.memref_slice %arg10[%mul3A_22, %dma_start3A_72] : memref<10240x64xf32, #tpu.memory_space<vmem_shared>> -> memref<128x64xf32, #tpu.memory_space<vmem_shared>>
      %dma_start3A_74 = arith.constant 0 : i32
      %dma_start3A_75 = tpu.memref_slice %arg10[%mul3A_22, %dma_start3A_74] : memref<10240x64xf32, #tpu.memory_space<vmem_shared>> -> memref<128x64xf32, #tpu.memory_space<vmem_shared>>
      tpu.enqueue_dma source(%arg8 : memref<128x64xf32, #tpu.memory_space<vmem>>) target(%dma_start3A_75 : memref<128x64xf32, #tpu.memory_space<vmem_shared>>) target_semaphore(%run_scoped3A : memref<!tpu.dma_semaphore, #tpu.memory_space<semaphore_mem>>)
      %dma_wait3A_76 = arith.constant 0 : i32
      %dma_wait3A_77 = tpu.memref_slice %arg10[%mul3A_22, %dma_wait3A_76] : memref<10240x64xf32, #tpu.memory_space<vmem_shared>> -> memref<128x64xf32, #tpu.memory_space<vmem_shared>>
      %dma_wait3A_78 = arith.constant 0 : i32
      %dma_wait3A_79 = tpu.memref_slice %arg10[%mul3A_22, %dma_wait3A_78] : memref<10240x64xf32, #tpu.memory_space<vmem_shared>> -> memref<128x64xf32, #tpu.memory_space<vmem_shared>>
      tpu.wait_dma2 semaphore(%run_scoped3A : memref<!tpu.dma_semaphore, #tpu.memory_space<semaphore_mem>>) src(%arg8 : memref<128x64xf32, #tpu.memory_space<vmem>>) dst(%dma_wait3A_79 : memref<128x64xf32, #tpu.memory_space<vmem_shared>>)
      tpu.yield
    }) : () -> ()
    %mul3A_23 = arith.constant 5 : i32
    %mul3A_24 = arith.muli %arg1, %mul3A_23 : i32
    %add3A_25 = arith.constant 1 : i32
    %add3A_26 = arith.addi %mul3A_24, %add3A_25 : i32
    %mul3A_27 = arith.constant 128 : i32
    %mul3A_28 = arith.muli %add3A_26, %mul3A_27 : i32
    "tpu.region"() ({
      %run_scoped3A = tpu.sem_alloc : memref<!tpu.dma_semaphore, #tpu.memory_space<semaphore_mem>>
      %dma_start3A_72 = arith.constant 0 : i32
      %dma_start3A_73 = tpu.memref_slice %arg10[%mul3A_28, %dma_start3A_72] : memref<10240x64xf32, #tpu.memory_space<vmem_shared>> -> memref<128x64xf32, #tpu.memory_space<vmem_shared>>
      %dma_start3A_74 = arith.constant 0 : i32
      %dma_start3A_75 = tpu.memref_slice %arg10[%mul3A_28, %dma_start3A_74] : memref<10240x64xf32, #tpu.memory_space<vmem_shared>> -> memref<128x64xf32, #tpu.memory_space<vmem_shared>>
      tpu.enqueue_dma source(%arg8 : memref<128x64xf32, #tpu.memory_space<vmem>>) target(%dma_start3A_75 : memref<128x64xf32, #tpu.memory_space<vmem_shared>>) target_semaphore(%run_scoped3A : memref<!tpu.dma_semaphore, #tpu.memory_space<semaphore_mem>>)
      %dma_wait3A_76 = arith.constant 0 : i32
      %dma_wait3A_77 = tpu.memref_slice %arg10[%mul3A_28, %dma_wait3A_76] : memref<10240x64xf32, #tpu.memory_space<vmem_shared>> -> memref<128x64xf32, #tpu.memory_space<vmem_shared>>
      %dma_wait3A_78 = arith.constant 0 : i32
      %dma_wait3A_79 = tpu.memref_slice %arg10[%mul3A_28, %dma_wait3A_78] : memref<10240x64xf32, #tpu.memory_space<vmem_shared>> -> memref<128x64xf32, #tpu.memory_space<vmem_shared>>
      tpu.wait_dma2 semaphore(%run_scoped3A : memref<!tpu.dma_semaphore, #tpu.memory_space<semaphore_mem>>) src(%arg8 : memref<128x64xf32, #tpu.memory_space<vmem>>) dst(%dma_wait3A_79 : memref<128x64xf32, #tpu.memory_space<vmem_shared>>)
      tpu.yield
    }) : () -> ()
    %mul3A_29 = arith.constant 5 : i32
    %mul3A_30 = arith.muli %arg1, %mul3A_29 : i32
    %add3A_31 = arith.constant 2 : i32
    %add3A_32 = arith.addi %mul3A_30, %add3A_31 : i32
    %mul3A_33 = arith.constant 128 : i32
    %mul3A_34 = arith.muli %add3A_32, %mul3A_33 : i32
    "tpu.region"() ({
      %run_scoped3A = tpu.sem_alloc : memref<!tpu.dma_semaphore, #tpu.memory_space<semaphore_mem>>
      %dma_start3A_72 = arith.constant 0 : i32
      %dma_start3A_73 = tpu.memref_slice %arg10[%mul3A_34, %dma_start3A_72] : memref<10240x64xf32, #tpu.memory_space<vmem_shared>> -> memref<128x64xf32, #tpu.memory_space<vmem_shared>>
      %dma_start3A_74 = arith.constant 0 : i32
      %dma_start3A_75 = tpu.memref_slice %arg10[%mul3A_34, %dma_start3A_74] : memref<10240x64xf32, #tpu.memory_space<vmem_shared>> -> memref<128x64xf32, #tpu.memory_space<vmem_shared>>
      tpu.enqueue_dma source(%arg8 : memref<128x64xf32, #tpu.memory_space<vmem>>) target(%dma_start3A_75 : memref<128x64xf32, #tpu.memory_space<vmem_shared>>) target_semaphore(%run_scoped3A : memref<!tpu.dma_semaphore, #tpu.memory_space<semaphore_mem>>)
      %dma_wait3A_76 = arith.constant 0 : i32
      %dma_wait3A_77 = tpu.memref_slice %arg10[%mul3A_34, %dma_wait3A_76] : memref<10240x64xf32, #tpu.memory_space<vmem_shared>> -> memref<128x64xf32, #tpu.memory_space<vmem_shared>>
      %dma_wait3A_78 = arith.constant 0 : i32
      %dma_wait3A_79 = tpu.memref_slice %arg10[%mul3A_34, %dma_wait3A_78] : memref<10240x64xf32, #tpu.memory_space<vmem_shared>> -> memref<128x64xf32, #tpu.memory_space<vmem_shared>>
      tpu.wait_dma2 semaphore(%run_scoped3A : memref<!tpu.dma_semaphore, #tpu.memory_space<semaphore_mem>>) src(%arg8 : memref<128x64xf32, #tpu.memory_space<vmem>>) dst(%dma_wait3A_79 : memref<128x64xf32, #tpu.memory_space<vmem_shared>>)
      tpu.yield
    }) : () -> ()
    %mul3A_35 = arith.constant 5 : i32
    %mul3A_36 = arith.muli %arg1, %mul3A_35 : i32
    %add3A_37 = arith.constant 3 : i32
    %add3A_38 = arith.addi %mul3A_36, %add3A_37 : i32
    %mul3A_39 = arith.constant 128 : i32
    %mul3A_40 = arith.muli %add3A_38, %mul3A_39 : i32
    "tpu.region"() ({
      %run_scoped3A = tpu.sem_alloc : memref<!tpu.dma_semaphore, #tpu.memory_space<semaphore_mem>>
      %dma_start3A_72 = arith.constant 0 : i32
      %dma_start3A_73 = tpu.memref_slice %arg10[%mul3A_40, %dma_start3A_72] : memref<10240x64xf32, #tpu.memory_space<vmem_shared>> -> memref<128x64xf32, #tpu.memory_space<vmem_shared>>
      %dma_start3A_74 = arith.constant 0 : i32
      %dma_start3A_75 = tpu.memref_slice %arg10[%mul3A_40, %dma_start3A_74] : memref<10240x64xf32, #tpu.memory_space<vmem_shared>> -> memref<128x64xf32, #tpu.memory_space<vmem_shared>>
      tpu.enqueue_dma source(%arg8 : memref<128x64xf32, #tpu.memory_space<vmem>>) target(%dma_start3A_75 : memref<128x64xf32, #tpu.memory_space<vmem_shared>>) target_semaphore(%run_scoped3A : memref<!tpu.dma_semaphore, #tpu.memory_space<semaphore_mem>>)
      %dma_wait3A_76 = arith.constant 0 : i32
      %dma_wait3A_77 = tpu.memref_slice %arg10[%mul3A_40, %dma_wait3A_76] : memref<10240x64xf32, #tpu.memory_space<vmem_shared>> -> memref<128x64xf32, #tpu.memory_space<vmem_shared>>
      %dma_wait3A_78 = arith.constant 0 : i32
      %dma_wait3A_79 = tpu.memref_slice %arg10[%mul3A_40, %dma_wait3A_78] : memref<10240x64xf32, #tpu.memory_space<vmem_shared>> -> memref<128x64xf32, #tpu.memory_space<vmem_shared>>
      tpu.wait_dma2 semaphore(%run_scoped3A : memref<!tpu.dma_semaphore, #tpu.memory_space<semaphore_mem>>) src(%arg8 : memref<128x64xf32, #tpu.memory_space<vmem>>) dst(%dma_wait3A_79 : memref<128x64xf32, #tpu.memory_space<vmem_shared>>)
      tpu.yield
    }) : () -> ()
    %mul3A_41 = arith.constant 5 : i32
    %mul3A_42 = arith.muli %arg1, %mul3A_41 : i32
    %add3A_43 = arith.constant 4 : i32
    %add3A_44 = arith.addi %mul3A_42, %add3A_43 : i32
    %mul3A_45 = arith.constant 128 : i32
    %mul3A_46 = arith.muli %add3A_44, %mul3A_45 : i32
    "tpu.region"() ({
      %run_scoped3A = tpu.sem_alloc : memref<!tpu.dma_semaphore, #tpu.memory_space<semaphore_mem>>
      %dma_start3A_72 = arith.constant 0 : i32
      %dma_start3A_73 = tpu.memref_slice %arg10[%mul3A_46, %dma_start3A_72] : memref<10240x64xf32, #tpu.memory_space<vmem_shared>> -> memref<128x64xf32, #tpu.memory_space<vmem_shared>>
      %dma_start3A_74 = arith.constant 0 : i32
      %dma_start3A_75 = tpu.memref_slice %arg10[%mul3A_46, %dma_start3A_74] : memref<10240x64xf32, #tpu.memory_space<vmem_shared>> -> memref<128x64xf32, #tpu.memory_space<vmem_shared>>
      tpu.enqueue_dma source(%arg8 : memref<128x64xf32, #tpu.memory_space<vmem>>) target(%dma_start3A_75 : memref<128x64xf32, #tpu.memory_space<vmem_shared>>) target_semaphore(%run_scoped3A : memref<!tpu.dma_semaphore, #tpu.memory_space<semaphore_mem>>)
      %dma_wait3A_76 = arith.constant 0 : i32
      %dma_wait3A_77 = tpu.memref_slice %arg10[%mul3A_46, %dma_wait3A_76] : memref<10240x64xf32, #tpu.memory_space<vmem_shared>> -> memref<128x64xf32, #tpu.memory_space<vmem_shared>>
      %dma_wait3A_78 = arith.constant 0 : i32
      %dma_wait3A_79 = tpu.memref_slice %arg10[%mul3A_46, %dma_wait3A_78] : memref<10240x64xf32, #tpu.memory_space<vmem_shared>> -> memref<128x64xf32, #tpu.memory_space<vmem_shared>>
      tpu.wait_dma2 semaphore(%run_scoped3A : memref<!tpu.dma_semaphore, #tpu.memory_space<semaphore_mem>>) src(%arg8 : memref<128x64xf32, #tpu.memory_space<vmem>>) dst(%dma_wait3A_79 : memref<128x64xf32, #tpu.memory_space<vmem_shared>>)
      tpu.yield
    }) : () -> ()
    %dma_wait3A = arith.constant 0 : i32
    %dma_wait3A_47 = arith.constant 0 : i32
    %dma_wait3A_48 = tpu.memref_slice %arg3[%arg0, %arg1, %dma_wait3A, %dma_wait3A_47] : memref<2x16x157x128xi32, #tpu.memory_space<hbm>> -> memref<1x1x157x128xi32, #tpu.memory_space<hbm>>
    %dma_wait3A_49 = tpu.memref_squeeze %dma_wait3A_48 : memref<1x1x157x128xi32, #tpu.memory_space<hbm>> -> memref<157x128xi32, #tpu.memory_space<hbm>>
    %dma_wait3A_50 = arith.constant 0 : i32
    %dma_wait3A_51 = arith.constant 0 : i32
    %dma_wait3A_52 = tpu.memref_slice %arg3[%arg0, %arg1, %dma_wait3A_50, %dma_wait3A_51] : memref<2x16x157x128xi32, #tpu.memory_space<hbm>> -> memref<1x1x157x128xi32, #tpu.memory_space<hbm>>
    %dma_wait3A_53 = tpu.memref_squeeze %dma_wait3A_52 : memref<1x1x157x128xi32, #tpu.memory_space<hbm>> -> memref<157x128xi32, #tpu.memory_space<hbm>>
    tpu.wait_dma2 semaphore(%arg11 : memref<!tpu.dma_semaphore, #tpu.memory_space<semaphore_mem>>) src(%dma_wait3A_53 : memref<157x128xi32, #tpu.memory_space<hbm>>) dst(%arg6 : memref<157x128xi32, #tpu.memory_space<vmem>>)
    %dma_wait3A_54 = arith.constant 0 : i32
    %dma_wait3A_55 = arith.constant 0 : i32
    %dma_wait3A_56 = tpu.memref_slice %arg4[%arg0, %arg1, %dma_wait3A_54, %dma_wait3A_55] : memref<2x16x157x128xi32, #tpu.memory_space<hbm>> -> memref<1x1x157x128xi32, #tpu.memory_space<hbm>>
    %dma_wait3A_57 = tpu.memref_squeeze %dma_wait3A_56 : memref<1x1x157x128xi32, #tpu.memory_space<hbm>> -> memref<157x128xi32, #tpu.memory_space<hbm>>
    %dma_wait3A_58 = arith.constant 0 : i32
    %dma_wait3A_59 = arith.constant 0 : i32
    %dma_wait3A_60 = tpu.memref_slice %arg4[%arg0, %arg1, %dma_wait3A_58, %dma_wait3A_59] : memref<2x16x157x128xi32, #tpu.memory_space<hbm>> -> memref<1x1x157x128xi32, #tpu.memory_space<hbm>>
    %dma_wait3A_61 = tpu.memref_squeeze %dma_wait3A_60 : memref<1x1x157x128xi32, #tpu.memory_space<hbm>> -> memref<157x128xi32, #tpu.memory_space<hbm>>
    tpu.wait_dma2 semaphore(%arg11 : memref<!tpu.dma_semaphore, #tpu.memory_space<semaphore_mem>>) src(%dma_wait3A_61 : memref<157x128xi32, #tpu.memory_space<hbm>>) dst(%arg7 : memref<157x128xi32, #tpu.memory_space<vmem>>)
    %barrier3A = arith.constant 0 : index
    tpu.barrier barrier_id(%barrier3A)
    %scan3A_62 = arith.constant 0 : i32
    %scan3A_63 = arith.constant 157 : i32
    %scan3A_64 = arith.addi %scan3A_62, %scan3A_63 : i32
    %scan3A_65 = arith.constant 1 : i32
    scf.for %scan3A_72 = %scan3A_62 to %scan3A_64 step %scan3A_65  : i32 {
      %mul3A_73 = arith.constant 1 : i32
      %mul3A_74 = arith.muli %scan3A_72, %mul3A_73 : i32
      %add3A_75 = arith.constant 0 : i32
      %add3A_76 = arith.addi %add3A_75, %mul3A_74 : i32
      %dma_start3A_77 = arith.constant 0 : i32
      %dma_start3A_78 = tpu.memref_slice %arg6[%add3A_76, %dma_start3A_77] : memref<157x128xi32, #tpu.memory_space<vmem>> -> memref<1x128xi32, #tpu.memory_space<vmem>>
      %dma_start3A_79 = tpu.memref_squeeze %dma_start3A_78 : memref<1x128xi32, #tpu.memory_space<vmem>> -> memref<128xi32, #tpu.memory_space<vmem>>
      %dma_start3A_80 = arith.constant 0 : i32
      %dma_start3A_81 = arith.constant 0 : i32
      %dma_start3A_82 = tpu.memref_slice %arg2[%dma_start3A_80, %dma_start3A_81] : memref<20000x64xf32, #tpu.memory_space<hbm>> -> memref<20000x64xf32, #tpu.memory_space<hbm>>
      tpu.enqueue_indirect_dma source(%dma_start3A_82 : memref<20000x64xf32, #tpu.memory_space<hbm>>) target(%arg8 : memref<128x64xf32, #tpu.memory_space<vmem>>) offsets(%dma_start3A_79 : memref<128xi32, #tpu.memory_space<vmem>>) semaphore(%arg12 : memref<!tpu.dma_semaphore, #tpu.memory_space<semaphore_mem>>)
      %dma_wait3A_83 = arith.constant 0 : i32
      %dma_wait3A_84 = tpu.memref_slice %arg6[%add3A_76, %dma_wait3A_83] : memref<157x128xi32, #tpu.memory_space<vmem>> -> memref<1x128xi32, #tpu.memory_space<vmem>>
      %dma_wait3A_85 = tpu.memref_squeeze %dma_wait3A_84 : memref<1x128xi32, #tpu.memory_space<vmem>> -> memref<128xi32, #tpu.memory_space<vmem>>
      %dma_wait3A_86 = arith.constant 0 : i32
      %dma_wait3A_87 = arith.constant 0 : i32
      %dma_wait3A_88 = tpu.memref_slice %arg2[%dma_wait3A_86, %dma_wait3A_87] : memref<20000x64xf32, #tpu.memory_space<hbm>> -> memref<20000x64xf32, #tpu.memory_space<hbm>>
      tpu.wait_indirect_dma semaphore(%arg12 : memref<!tpu.dma_semaphore, #tpu.memory_space<semaphore_mem>>) src(%dma_wait3A_88 : memref<20000x64xf32, #tpu.memory_space<hbm>>) dst(%arg8 : memref<128x64xf32, #tpu.memory_space<vmem>>)
      "tpu.region"() ({
        %run_scoped3A = tpu.sem_alloc : memref<!tpu.dma_semaphore, #tpu.memory_space<semaphore_mem>>
        %dma_start3A_89 = arith.constant 0 : i32
        %dma_start3A_90 = tpu.memref_slice %arg7[%add3A_76, %dma_start3A_89] : memref<157x128xi32, #tpu.memory_space<vmem>> -> memref<1x128xi32, #tpu.memory_space<vmem>>
        %dma_start3A_91 = tpu.memref_squeeze %dma_start3A_90 : memref<1x128xi32, #tpu.memory_space<vmem>> -> memref<128xi32, #tpu.memory_space<vmem>>
        %dma_start3A_92 = arith.constant 0 : i32
        %dma_start3A_93 = arith.constant 0 : i32
        %dma_start3A_94 = tpu.memref_slice %arg10[%dma_start3A_92, %dma_start3A_93] : memref<10240x64xf32, #tpu.memory_space<vmem_shared>> -> memref<10240x64xf32, #tpu.memory_space<vmem_shared>>
        tpu.enqueue_indirect_dma source(%arg8 : memref<128x64xf32, #tpu.memory_space<vmem>>) target(%dma_start3A_94 : memref<10240x64xf32, #tpu.memory_space<vmem_shared>>) offsets(%dma_start3A_91 : memref<128xi32, #tpu.memory_space<vmem>>) semaphore(%run_scoped3A : memref<!tpu.dma_semaphore, #tpu.memory_space<semaphore_mem>>) {add = true}
        %dma_wait3A_95 = arith.constant 0 : i32
        %dma_wait3A_96 = tpu.memref_slice %arg7[%add3A_76, %dma_wait3A_95] : memref<157x128xi32, #tpu.memory_space<vmem>> -> memref<1x128xi32, #tpu.memory_space<vmem>>
        %dma_wait3A_97 = tpu.memref_squeeze %dma_wait3A_96 : memref<1x128xi32, #tpu.memory_space<vmem>> -> memref<128xi32, #tpu.memory_space<vmem>>
        %dma_wait3A_98 = arith.constant 0 : i32
        %dma_wait3A_99 = arith.constant 0 : i32
        %dma_wait3A_100 = tpu.memref_slice %arg10[%dma_wait3A_98, %dma_wait3A_99] : memref<10240x64xf32, #tpu.memory_space<vmem_shared>> -> memref<10240x64xf32, #tpu.memory_space<vmem_shared>>
        tpu.wait_indirect_dma semaphore(%run_scoped3A : memref<!tpu.dma_semaphore, #tpu.memory_space<semaphore_mem>>) src(%arg8 : memref<128x64xf32, #tpu.memory_space<vmem>>) dst(%dma_wait3A_100 : memref<10240x64xf32, #tpu.memory_space<vmem_shared>>)
        tpu.yield
      }) : () -> ()
    }
    %scan3A_66 = arith.constant 157 : i32
    %barrier3A_67 = arith.constant 0 : index
    tpu.barrier barrier_id(%barrier3A_67)
    %mul3A_68 = arith.constant 640 : i32
    %mul3A_69 = arith.muli %arg1, %mul3A_68 : i32
    %mul3A_70 = arith.constant 640 : i32
    %mul3A_71 = arith.muli %arg1, %mul3A_70 : i32
    "tpu.region"() ({
      %run_scoped3A = tpu.sem_alloc : memref<!tpu.dma_semaphore, #tpu.memory_space<semaphore_mem>>
      %dma_start3A_72 = arith.constant 0 : i32
      %dma_start3A_73 = tpu.memref_slice %arg5[%arg0, %mul3A_71, %dma_start3A_72] : memref<2x10240x64xf32, #tpu.memory_space<hbm>> -> memref<1x640x64xf32, #tpu.memory_space<hbm>>
      %dma_start3A_74 = tpu.memref_squeeze %dma_start3A_73 : memref<1x640x64xf32, #tpu.memory_space<hbm>> -> memref<640x64xf32, #tpu.memory_space<hbm>>
      %dma_start3A_75 = arith.constant 0 : i32
      %dma_start3A_76 = tpu.memref_slice %arg10[%mul3A_69, %dma_start3A_75] : memref<10240x64xf32, #tpu.memory_space<vmem_shared>> -> memref<640x64xf32, #tpu.memory_space<vmem_shared>>
      tpu.enqueue_dma source(%dma_start3A_76 : memref<640x64xf32, #tpu.memory_space<vmem_shared>>) target(%dma_start3A_74 : memref<640x64xf32, #tpu.memory_space<hbm>>) target_semaphore(%run_scoped3A : memref<!tpu.dma_semaphore, #tpu.memory_space<semaphore_mem>>)
      %dma_wait3A_77 = arith.constant 0 : i32
      %dma_wait3A_78 = tpu.memref_slice %arg5[%arg0, %mul3A_71, %dma_wait3A_77] : memref<2x10240x64xf32, #tpu.memory_space<hbm>> -> memref<1x640x64xf32, #tpu.memory_space<hbm>>
      %dma_wait3A_79 = tpu.memref_squeeze %dma_wait3A_78 : memref<1x640x64xf32, #tpu.memory_space<hbm>> -> memref<640x64xf32, #tpu.memory_space<hbm>>
      %dma_wait3A_80 = arith.constant 0 : i32
      %dma_wait3A_81 = tpu.memref_slice %arg10[%mul3A_69, %dma_wait3A_80] : memref<10240x64xf32, #tpu.memory_space<vmem_shared>> -> memref<640x64xf32, #tpu.memory_space<vmem_shared>>
      tpu.wait_dma2 semaphore(%run_scoped3A : memref<!tpu.dma_semaphore, #tpu.memory_space<semaphore_mem>>) src(%dma_wait3A_81 : memref<640x64xf32, #tpu.memory_space<vmem_shared>>) dst(%dma_wait3A_79 : memref<640x64xf32, #tpu.memory_space<hbm>>)
      tpu.yield
    }) : () -> ()
    return
  }
}

#map = affine_map<(d0, d1) -> (0, 0)>
#map1 = affine_map<(d0, d1) -> (0, 0, 0, 0)>
#map2 = affine_map<(d0, d1) -> (0, 0, 0)>
module attributes {stable_mosaic.version = 14 : i64} {
  func.func @_seg_body(%arg0: i32, %arg1: i32, %arg2: memref<20000x64xf32, #tpu.memory_space<hbm>>, %arg3: memref<2x16x157x128xi32, #tpu.memory_space<hbm>>, %arg4: memref<2x16x157x128xi32, #tpu.memory_space<hbm>>, %arg5: memref<2x10240x64xf32, #tpu.memory_space<hbm>>, %arg6: memref<157x128xi32, #tpu.memory_space<vmem>>, %arg7: memref<157x128xi32, #tpu.memory_space<vmem>>, %arg8: memref<128x64xf32, #tpu.memory_space<vmem>>, %arg9: memref<128x64xf32, #tpu.memory_space<vmem>>, %arg10: memref<10240x64xf32, #tpu.memory_space<vmem_shared>>, %arg11: memref<!tpu.dma_semaphore, #tpu.memory_space<semaphore_mem>>, %arg12: memref<!tpu.dma_semaphore, #tpu.memory_space<semaphore_mem>>, %arg13: memref<!tpu.dma_semaphore, #tpu.memory_space<semaphore_mem>>) attributes {dimension_semantics = [#tpu.dimension_semantics<core_parallel>, #tpu.dimension_semantics<subcore_parallel>], iteration_bounds = array<i64: 2, 16>, scalar_prefetch = 0 : i64, scratch_operands = 8 : i64, tpu.core_type = #tpu.core_type<sc_vector_subcore>, window_params = [{transform_indices = #map}, {transform_indices = #map1}, {transform_indices = #map1}, {transform_indices = #map2}]} {
    %dma_start3A = arith.constant 0 : i32
    %dma_start3A_0 = arith.constant 0 : i32
    %dma_start3A_1 = tpu.memref_slice %arg3[%arg0, %arg1, %dma_start3A, %dma_start3A_0] : memref<2x16x157x128xi32, #tpu.memory_space<hbm>> -> memref<1x1x157x128xi32, #tpu.memory_space<hbm>>
    %dma_start3A_2 = tpu.memref_squeeze %dma_start3A_1 : memref<1x1x157x128xi32, #tpu.memory_space<hbm>> -> memref<157x128xi32, #tpu.memory_space<hbm>>
    %dma_start3A_3 = arith.constant 0 : i32
    %dma_start3A_4 = arith.constant 0 : i32
    %dma_start3A_5 = tpu.memref_slice %arg3[%arg0, %arg1, %dma_start3A_3, %dma_start3A_4] : memref<2x16x157x128xi32, #tpu.memory_space<hbm>> -> memref<1x1x157x128xi32, #tpu.memory_space<hbm>>
    %dma_start3A_6 = tpu.memref_squeeze %dma_start3A_5 : memref<1x1x157x128xi32, #tpu.memory_space<hbm>> -> memref<157x128xi32, #tpu.memory_space<hbm>>
    tpu.enqueue_dma source(%dma_start3A_6 : memref<157x128xi32, #tpu.memory_space<hbm>>) target(%arg6 : memref<157x128xi32, #tpu.memory_space<vmem>>) target_semaphore(%arg11 : memref<!tpu.dma_semaphore, #tpu.memory_space<semaphore_mem>>)
    %dma_start3A_7 = arith.constant 0 : i32
    %dma_start3A_8 = arith.constant 0 : i32
    %dma_start3A_9 = tpu.memref_slice %arg4[%arg0, %arg1, %dma_start3A_7, %dma_start3A_8] : memref<2x16x157x128xi32, #tpu.memory_space<hbm>> -> memref<1x1x157x128xi32, #tpu.memory_space<hbm>>
    %dma_start3A_10 = tpu.memref_squeeze %dma_start3A_9 : memref<1x1x157x128xi32, #tpu.memory_space<hbm>> -> memref<157x128xi32, #tpu.memory_space<hbm>>
    %dma_start3A_11 = arith.constant 0 : i32
    %dma_start3A_12 = arith.constant 0 : i32
    %dma_start3A_13 = tpu.memref_slice %arg4[%arg0, %arg1, %dma_start3A_11, %dma_start3A_12] : memref<2x16x157x128xi32, #tpu.memory_space<hbm>> -> memref<1x1x157x128xi32, #tpu.memory_space<hbm>>
    %dma_start3A_14 = tpu.memref_squeeze %dma_start3A_13 : memref<1x1x157x128xi32, #tpu.memory_space<hbm>> -> memref<157x128xi32, #tpu.memory_space<hbm>>
    tpu.enqueue_dma source(%dma_start3A_14 : memref<157x128xi32, #tpu.memory_space<hbm>>) target(%arg7 : memref<157x128xi32, #tpu.memory_space<vmem>>) target_semaphore(%arg11 : memref<!tpu.dma_semaphore, #tpu.memory_space<semaphore_mem>>)
    %scan3A = arith.constant 0 : i32
    %scan3A_15 = arith.constant 128 : i32
    %scan3A_16 = arith.addi %scan3A, %scan3A_15 : i32
    %scan3A_17 = arith.constant 1 : i32
    scf.for %scan3A_72 = %scan3A to %scan3A_16 step %scan3A_17  : i32 {
      %mul3A_73 = arith.constant 1 : i32
      %mul3A_74 = arith.muli %scan3A_72, %mul3A_73 : i32
      %add3A_75 = arith.constant 0 : i32
      %add3A_76 = arith.addi %add3A_75, %mul3A_74 : i32
      %broadcast_in_dim3A = arith.constant 0.000000e+00 : f32
      %broadcast_in_dim3A_77 = vector.broadcast %broadcast_in_dim3A : f32 to vector<16xf32>
      %swap3A = arith.index_cast %add3A_76 : i32 to index
      %swap3A_78 = arith.constant 0 : index
      %swap3A_79 = tpu.vector_load %arg8[%swap3A, %swap3A_78] {strides = array<i32>} : memref<128x64xf32, #tpu.memory_space<vmem>>, vector<1x16xf32>,
      %swap3A_80 = vector.shape_cast %swap3A_79 : vector<1x16xf32> to vector<16xf32>
      %swap3A_81 = vector.shape_cast %broadcast_in_dim3A_77 : vector<16xf32> to vector<1x16xf32>
      tpu.vector_store %arg8[%swap3A, %swap3A_78], %swap3A_81 {strides = array<i32>} : memref<128x64xf32, #tpu.memory_space<vmem>>, vector<1x16xf32>,
      %broadcast_in_dim3A_82 = arith.constant 0.000000e+00 : f32
      %broadcast_in_dim3A_83 = vector.broadcast %broadcast_in_dim3A_82 : f32 to vector<16xf32>
      %swap3A_84 = arith.index_cast %add3A_76 : i32 to index
      %swap3A_85 = arith.constant 16 : index
      %swap3A_86 = tpu.vector_load %arg8[%swap3A_84, %swap3A_85] {strides = array<i32>} : memref<128x64xf32, #tpu.memory_space<vmem>>, vector<1x16xf32>,
      %swap3A_87 = vector.shape_cast %swap3A_86 : vector<1x16xf32> to vector<16xf32>
      %swap3A_88 = vector.shape_cast %broadcast_in_dim3A_83 : vector<16xf32> to vector<1x16xf32>
      tpu.vector_store %arg8[%swap3A_84, %swap3A_85], %swap3A_88 {strides = array<i32>} : memref<128x64xf32, #tpu.memory_space<vmem>>, vector<1x16xf32>,
      %broadcast_in_dim3A_89 = arith.constant 0.000000e+00 : f32
      %broadcast_in_dim3A_90 = vector.broadcast %broadcast_in_dim3A_89 : f32 to vector<16xf32>
      %swap3A_91 = arith.index_cast %add3A_76 : i32 to index
      %swap3A_92 = arith.constant 32 : index
      %swap3A_93 = tpu.vector_load %arg8[%swap3A_91, %swap3A_92] {strides = array<i32>} : memref<128x64xf32, #tpu.memory_space<vmem>>, vector<1x16xf32>,
      %swap3A_94 = vector.shape_cast %swap3A_93 : vector<1x16xf32> to vector<16xf32>
      %swap3A_95 = vector.shape_cast %broadcast_in_dim3A_90 : vector<16xf32> to vector<1x16xf32>
      tpu.vector_store %arg8[%swap3A_91, %swap3A_92], %swap3A_95 {strides = array<i32>} : memref<128x64xf32, #tpu.memory_space<vmem>>, vector<1x16xf32>,
      %broadcast_in_dim3A_96 = arith.constant 0.000000e+00 : f32
      %broadcast_in_dim3A_97 = vector.broadcast %broadcast_in_dim3A_96 : f32 to vector<16xf32>
      %swap3A_98 = arith.index_cast %add3A_76 : i32 to index
      %swap3A_99 = arith.constant 48 : index
      %swap3A_100 = tpu.vector_load %arg8[%swap3A_98, %swap3A_99] {strides = array<i32>} : memref<128x64xf32, #tpu.memory_space<vmem>>, vector<1x16xf32>,
      %swap3A_101 = vector.shape_cast %swap3A_100 : vector<1x16xf32> to vector<16xf32>
      %swap3A_102 = vector.shape_cast %broadcast_in_dim3A_97 : vector<16xf32> to vector<1x16xf32>
      tpu.vector_store %arg8[%swap3A_98, %swap3A_99], %swap3A_102 {strides = array<i32>} : memref<128x64xf32, #tpu.memory_space<vmem>>, vector<1x16xf32>,
    }
    %scan3A_18 = arith.constant 128 : i32
    %mul3A = arith.constant 5 : i32
    %mul3A_19 = arith.muli %arg1, %mul3A : i32
    %add3A = arith.constant 0 : i32
    %add3A_20 = arith.addi %mul3A_19, %add3A : i32
    %mul3A_21 = arith.constant 128 : i32
    %mul3A_22 = arith.muli %add3A_20, %mul3A_21 : i32
    "tpu.region"() ({
      %run_scoped3A = tpu.sem_alloc : memref<!tpu.dma_semaphore, #tpu.memory_space<semaphore_mem>>
      %dma_start3A_72 = arith.constant 0 : i32
      %dma_start3A_73 = tpu.memref_slice %arg10[%mul3A_22, %dma_start3A_72] : memref<10240x64xf32, #tpu.memory_space<vmem_shared>> -> memref<128x64xf32, #tpu.memory_space<vmem_shared>>
      %dma_start3A_74 = arith.constant 0 : i32
      %dma_start3A_75 = tpu.memref_slice %arg10[%mul3A_22, %dma_start3A_74] : memref<10240x64xf32, #tpu.memory_space<vmem_shared>> -> memref<128x64xf32, #tpu.memory_space<vmem_shared>>
      tpu.enqueue_dma source(%arg8 : memref<128x64xf32, #tpu.memory_space<vmem>>) target(%dma_start3A_75 : memref<128x64xf32, #tpu.memory_space<vmem_shared>>) target_semaphore(%run_scoped3A : memref<!tpu.dma_semaphore, #tpu.memory_space<semaphore_mem>>)
      %dma_wait3A_76 = arith.constant 0 : i32
      %dma_wait3A_77 = tpu.memref_slice %arg10[%mul3A_22, %dma_wait3A_76] : memref<10240x64xf32, #tpu.memory_space<vmem_shared>> -> memref<128x64xf32, #tpu.memory_space<vmem_shared>>
      %dma_wait3A_78 = arith.constant 0 : i32
      %dma_wait3A_79 = tpu.memref_slice %arg10[%mul3A_22, %dma_wait3A_78] : memref<10240x64xf32, #tpu.memory_space<vmem_shared>> -> memref<128x64xf32, #tpu.memory_space<vmem_shared>>
      tpu.wait_dma2 semaphore(%run_scoped3A : memref<!tpu.dma_semaphore, #tpu.memory_space<semaphore_mem>>) src(%arg8 : memref<128x64xf32, #tpu.memory_space<vmem>>) dst(%dma_wait3A_79 : memref<128x64xf32, #tpu.memory_space<vmem_shared>>)
      tpu.yield
    }) : () -> ()
    %mul3A_23 = arith.constant 5 : i32
    %mul3A_24 = arith.muli %arg1, %mul3A_23 : i32
    %add3A_25 = arith.constant 1 : i32
    %add3A_26 = arith.addi %mul3A_24, %add3A_25 : i32
    %mul3A_27 = arith.constant 128 : i32
    %mul3A_28 = arith.muli %add3A_26, %mul3A_27 : i32
    "tpu.region"() ({
      %run_scoped3A = tpu.sem_alloc : memref<!tpu.dma_semaphore, #tpu.memory_space<semaphore_mem>>
      %dma_start3A_72 = arith.constant 0 : i32
      %dma_start3A_73 = tpu.memref_slice %arg10[%mul3A_28, %dma_start3A_72] : memref<10240x64xf32, #tpu.memory_space<vmem_shared>> -> memref<128x64xf32, #tpu.memory_space<vmem_shared>>
      %dma_start3A_74 = arith.constant 0 : i32
      %dma_start3A_75 = tpu.memref_slice %arg10[%mul3A_28, %dma_start3A_74] : memref<10240x64xf32, #tpu.memory_space<vmem_shared>> -> memref<128x64xf32, #tpu.memory_space<vmem_shared>>
      tpu.enqueue_dma source(%arg8 : memref<128x64xf32, #tpu.memory_space<vmem>>) target(%dma_start3A_75 : memref<128x64xf32, #tpu.memory_space<vmem_shared>>) target_semaphore(%run_scoped3A : memref<!tpu.dma_semaphore, #tpu.memory_space<semaphore_mem>>)
      %dma_wait3A_76 = arith.constant 0 : i32
      %dma_wait3A_77 = tpu.memref_slice %arg10[%mul3A_28, %dma_wait3A_76] : memref<10240x64xf32, #tpu.memory_space<vmem_shared>> -> memref<128x64xf32, #tpu.memory_space<vmem_shared>>
      %dma_wait3A_78 = arith.constant 0 : i32
      %dma_wait3A_79 = tpu.memref_slice %arg10[%mul3A_28, %dma_wait3A_78] : memref<10240x64xf32, #tpu.memory_space<vmem_shared>> -> memref<128x64xf32, #tpu.memory_space<vmem_shared>>
      tpu.wait_dma2 semaphore(%run_scoped3A : memref<!tpu.dma_semaphore, #tpu.memory_space<semaphore_mem>>) src(%arg8 : memref<128x64xf32, #tpu.memory_space<vmem>>) dst(%dma_wait3A_79 : memref<128x64xf32, #tpu.memory_space<vmem_shared>>)
      tpu.yield
    }) : () -> ()
    %mul3A_29 = arith.constant 5 : i32
    %mul3A_30 = arith.muli %arg1, %mul3A_29 : i32
    %add3A_31 = arith.constant 2 : i32
    %add3A_32 = arith.addi %mul3A_30, %add3A_31 : i32
    %mul3A_33 = arith.constant 128 : i32
    %mul3A_34 = arith.muli %add3A_32, %mul3A_33 : i32
    "tpu.region"() ({
      %run_scoped3A = tpu.sem_alloc : memref<!tpu.dma_semaphore, #tpu.memory_space<semaphore_mem>>
      %dma_start3A_72 = arith.constant 0 : i32
      %dma_start3A_73 = tpu.memref_slice %arg10[%mul3A_34, %dma_start3A_72] : memref<10240x64xf32, #tpu.memory_space<vmem_shared>> -> memref<128x64xf32, #tpu.memory_space<vmem_shared>>
      %dma_start3A_74 = arith.constant 0 : i32
      %dma_start3A_75 = tpu.memref_slice %arg10[%mul3A_34, %dma_start3A_74] : memref<10240x64xf32, #tpu.memory_space<vmem_shared>> -> memref<128x64xf32, #tpu.memory_space<vmem_shared>>
      tpu.enqueue_dma source(%arg8 : memref<128x64xf32, #tpu.memory_space<vmem>>) target(%dma_start3A_75 : memref<128x64xf32, #tpu.memory_space<vmem_shared>>) target_semaphore(%run_scoped3A : memref<!tpu.dma_semaphore, #tpu.memory_space<semaphore_mem>>)
      %dma_wait3A_76 = arith.constant 0 : i32
      %dma_wait3A_77 = tpu.memref_slice %arg10[%mul3A_34, %dma_wait3A_76] : memref<10240x64xf32, #tpu.memory_space<vmem_shared>> -> memref<128x64xf32, #tpu.memory_space<vmem_shared>>
      %dma_wait3A_78 = arith.constant 0 : i32
      %dma_wait3A_79 = tpu.memref_slice %arg10[%mul3A_34, %dma_wait3A_78] : memref<10240x64xf32, #tpu.memory_space<vmem_shared>> -> memref<128x64xf32, #tpu.memory_space<vmem_shared>>
      tpu.wait_dma2 semaphore(%run_scoped3A : memref<!tpu.dma_semaphore, #tpu.memory_space<semaphore_mem>>) src(%arg8 : memref<128x64xf32, #tpu.memory_space<vmem>>) dst(%dma_wait3A_79 : memref<128x64xf32, #tpu.memory_space<vmem_shared>>)
      tpu.yield
    }) : () -> ()
    %mul3A_35 = arith.constant 5 : i32
    %mul3A_36 = arith.muli %arg1, %mul3A_35 : i32
    %add3A_37 = arith.constant 3 : i32
    %add3A_38 = arith.addi %mul3A_36, %add3A_37 : i32
    %mul3A_39 = arith.constant 128 : i32
    %mul3A_40 = arith.muli %add3A_38, %mul3A_39 : i32
    "tpu.region"() ({
      %run_scoped3A = tpu.sem_alloc : memref<!tpu.dma_semaphore, #tpu.memory_space<semaphore_mem>>
      %dma_start3A_72 = arith.constant 0 : i32
      %dma_start3A_73 = tpu.memref_slice %arg10[%mul3A_40, %dma_start3A_72] : memref<10240x64xf32, #tpu.memory_space<vmem_shared>> -> memref<128x64xf32, #tpu.memory_space<vmem_shared>>
      %dma_start3A_74 = arith.constant 0 : i32
      %dma_start3A_75 = tpu.memref_slice %arg10[%mul3A_40, %dma_start3A_74] : memref<10240x64xf32, #tpu.memory_space<vmem_shared>> -> memref<128x64xf32, #tpu.memory_space<vmem_shared>>
      tpu.enqueue_dma source(%arg8 : memref<128x64xf32, #tpu.memory_space<vmem>>) target(%dma_start3A_75 : memref<128x64xf32, #tpu.memory_space<vmem_shared>>) target_semaphore(%run_scoped3A : memref<!tpu.dma_semaphore, #tpu.memory_space<semaphore_mem>>)
      %dma_wait3A_76 = arith.constant 0 : i32
      %dma_wait3A_77 = tpu.memref_slice %arg10[%mul3A_40, %dma_wait3A_76] : memref<10240x64xf32, #tpu.memory_space<vmem_shared>> -> memref<128x64xf32, #tpu.memory_space<vmem_shared>>
      %dma_wait3A_78 = arith.constant 0 : i32
      %dma_wait3A_79 = tpu.memref_slice %arg10[%mul3A_40, %dma_wait3A_78] : memref<10240x64xf32, #tpu.memory_space<vmem_shared>> -> memref<128x64xf32, #tpu.memory_space<vmem_shared>>
      tpu.wait_dma2 semaphore(%run_scoped3A : memref<!tpu.dma_semaphore, #tpu.memory_space<semaphore_mem>>) src(%arg8 : memref<128x64xf32, #tpu.memory_space<vmem>>) dst(%dma_wait3A_79 : memref<128x64xf32, #tpu.memory_space<vmem_shared>>)
      tpu.yield
    }) : () -> ()
    %mul3A_41 = arith.constant 5 : i32
    %mul3A_42 = arith.muli %arg1, %mul3A_41 : i32
    %add3A_43 = arith.constant 4 : i32
    %add3A_44 = arith.addi %mul3A_42, %add3A_43 : i32
    %mul3A_45 = arith.constant 128 : i32
    %mul3A_46 = arith.muli %add3A_44, %mul3A_45 : i32
    "tpu.region"() ({
      %run_scoped3A = tpu.sem_alloc : memref<!tpu.dma_semaphore, #tpu.memory_space<semaphore_mem>>
      %dma_start3A_72 = arith.constant 0 : i32
      %dma_start3A_73 = tpu.memref_slice %arg10[%mul3A_46, %dma_start3A_72] : memref<10240x64xf32, #tpu.memory_space<vmem_shared>> -> memref<128x64xf32, #tpu.memory_space<vmem_shared>>
      %dma_start3A_74 = arith.constant 0 : i32
      %dma_start3A_75 = tpu.memref_slice %arg10[%mul3A_46, %dma_start3A_74] : memref<10240x64xf32, #tpu.memory_space<vmem_shared>> -> memref<128x64xf32, #tpu.memory_space<vmem_shared>>
      tpu.enqueue_dma source(%arg8 : memref<128x64xf32, #tpu.memory_space<vmem>>) target(%dma_start3A_75 : memref<128x64xf32, #tpu.memory_space<vmem_shared>>) target_semaphore(%run_scoped3A : memref<!tpu.dma_semaphore, #tpu.memory_space<semaphore_mem>>)
      %dma_wait3A_76 = arith.constant 0 : i32
      %dma_wait3A_77 = tpu.memref_slice %arg10[%mul3A_46, %dma_wait3A_76] : memref<10240x64xf32, #tpu.memory_space<vmem_shared>> -> memref<128x64xf32, #tpu.memory_space<vmem_shared>>
      %dma_wait3A_78 = arith.constant 0 : i32
      %dma_wait3A_79 = tpu.memref_slice %arg10[%mul3A_46, %dma_wait3A_78] : memref<10240x64xf32, #tpu.memory_space<vmem_shared>> -> memref<128x64xf32, #tpu.memory_space<vmem_shared>>
      tpu.wait_dma2 semaphore(%run_scoped3A : memref<!tpu.dma_semaphore, #tpu.memory_space<semaphore_mem>>) src(%arg8 : memref<128x64xf32, #tpu.memory_space<vmem>>) dst(%dma_wait3A_79 : memref<128x64xf32, #tpu.memory_space<vmem_shared>>)
      tpu.yield
    }) : () -> ()
    %dma_wait3A = arith.constant 0 : i32
    %dma_wait3A_47 = arith.constant 0 : i32
    %dma_wait3A_48 = tpu.memref_slice %arg3[%arg0, %arg1, %dma_wait3A, %dma_wait3A_47] : memref<2x16x157x128xi32, #tpu.memory_space<hbm>> -> memref<1x1x157x128xi32, #tpu.memory_space<hbm>>
    %dma_wait3A_49 = tpu.memref_squeeze %dma_wait3A_48 : memref<1x1x157x128xi32, #tpu.memory_space<hbm>> -> memref<157x128xi32, #tpu.memory_space<hbm>>
    %dma_wait3A_50 = arith.constant 0 : i32
    %dma_wait3A_51 = arith.constant 0 : i32
    %dma_wait3A_52 = tpu.memref_slice %arg3[%arg0, %arg1, %dma_wait3A_50, %dma_wait3A_51] : memref<2x16x157x128xi32, #tpu.memory_space<hbm>> -> memref<1x1x157x128xi32, #tpu.memory_space<hbm>>
    %dma_wait3A_53 = tpu.memref_squeeze %dma_wait3A_52 : memref<1x1x157x128xi32, #tpu.memory_space<hbm>> -> memref<157x128xi32, #tpu.memory_space<hbm>>
    tpu.wait_dma2 semaphore(%arg11 : memref<!tpu.dma_semaphore, #tpu.memory_space<semaphore_mem>>) src(%dma_wait3A_53 : memref<157x128xi32, #tpu.memory_space<hbm>>) dst(%arg6 : memref<157x128xi32, #tpu.memory_space<vmem>>)
    %dma_wait3A_54 = arith.constant 0 : i32
    %dma_wait3A_55 = arith.constant 0 : i32
    %dma_wait3A_56 = tpu.memref_slice %arg4[%arg0, %arg1, %dma_wait3A_54, %dma_wait3A_55] : memref<2x16x157x128xi32, #tpu.memory_space<hbm>> -> memref<1x1x157x128xi32, #tpu.memory_space<hbm>>
    %dma_wait3A_57 = tpu.memref_squeeze %dma_wait3A_56 : memref<1x1x157x128xi32, #tpu.memory_space<hbm>> -> memref<157x128xi32, #tpu.memory_space<hbm>>
    %dma_wait3A_58 = arith.constant 0 : i32
    %dma_wait3A_59 = arith.constant 0 : i32
    %dma_wait3A_60 = tpu.memref_slice %arg4[%arg0, %arg1, %dma_wait3A_58, %dma_wait3A_59] : memref<2x16x157x128xi32, #tpu.memory_space<hbm>> -> memref<1x1x157x128xi32, #tpu.memory_space<hbm>>
    %dma_wait3A_61 = tpu.memref_squeeze %dma_wait3A_60 : memref<1x1x157x128xi32, #tpu.memory_space<hbm>> -> memref<157x128xi32, #tpu.memory_space<hbm>>
    tpu.wait_dma2 semaphore(%arg11 : memref<!tpu.dma_semaphore, #tpu.memory_space<semaphore_mem>>) src(%dma_wait3A_61 : memref<157x128xi32, #tpu.memory_space<hbm>>) dst(%arg7 : memref<157x128xi32, #tpu.memory_space<vmem>>)
    %barrier3A = arith.constant 0 : index
    tpu.barrier barrier_id(%barrier3A)
    %scan3A_62 = arith.constant 0 : i32
    %scan3A_63 = arith.constant 157 : i32
    %scan3A_64 = arith.addi %scan3A_62, %scan3A_63 : i32
    %scan3A_65 = arith.constant 1 : i32
    scf.for %scan3A_72 = %scan3A_62 to %scan3A_64 step %scan3A_65  : i32 {
      %mul3A_73 = arith.constant 1 : i32
      %mul3A_74 = arith.muli %scan3A_72, %mul3A_73 : i32
      %add3A_75 = arith.constant 0 : i32
      %add3A_76 = arith.addi %add3A_75, %mul3A_74 : i32
      %dma_start3A_77 = arith.constant 0 : i32
      %dma_start3A_78 = tpu.memref_slice %arg6[%add3A_76, %dma_start3A_77] : memref<157x128xi32, #tpu.memory_space<vmem>> -> memref<1x128xi32, #tpu.memory_space<vmem>>
      %dma_start3A_79 = tpu.memref_squeeze %dma_start3A_78 : memref<1x128xi32, #tpu.memory_space<vmem>> -> memref<128xi32, #tpu.memory_space<vmem>>
      %dma_start3A_80 = arith.constant 0 : i32
      %dma_start3A_81 = arith.constant 0 : i32
      %dma_start3A_82 = tpu.memref_slice %arg2[%dma_start3A_80, %dma_start3A_81] : memref<20000x64xf32, #tpu.memory_space<hbm>> -> memref<20000x64xf32, #tpu.memory_space<hbm>>
      tpu.enqueue_indirect_dma source(%dma_start3A_82 : memref<20000x64xf32, #tpu.memory_space<hbm>>) target(%arg8 : memref<128x64xf32, #tpu.memory_space<vmem>>) offsets(%dma_start3A_79 : memref<128xi32, #tpu.memory_space<vmem>>) semaphore(%arg12 : memref<!tpu.dma_semaphore, #tpu.memory_space<semaphore_mem>>)
      %dma_wait3A_83 = arith.constant 0 : i32
      %dma_wait3A_84 = tpu.memref_slice %arg6[%add3A_76, %dma_wait3A_83] : memref<157x128xi32, #tpu.memory_space<vmem>> -> memref<1x128xi32, #tpu.memory_space<vmem>>
      %dma_wait3A_85 = tpu.memref_squeeze %dma_wait3A_84 : memref<1x128xi32, #tpu.memory_space<vmem>> -> memref<128xi32, #tpu.memory_space<vmem>>
      %dma_wait3A_86 = arith.constant 0 : i32
      %dma_wait3A_87 = arith.constant 0 : i32
      %dma_wait3A_88 = tpu.memref_slice %arg2[%dma_wait3A_86, %dma_wait3A_87] : memref<20000x64xf32, #tpu.memory_space<hbm>> -> memref<20000x64xf32, #tpu.memory_space<hbm>>
      tpu.wait_indirect_dma semaphore(%arg12 : memref<!tpu.dma_semaphore, #tpu.memory_space<semaphore_mem>>) src(%dma_wait3A_88 : memref<20000x64xf32, #tpu.memory_space<hbm>>) dst(%arg8 : memref<128x64xf32, #tpu.memory_space<vmem>>)
      "tpu.region"() ({
        %run_scoped3A = tpu.sem_alloc : memref<!tpu.dma_semaphore, #tpu.memory_space<semaphore_mem>>
        %dma_start3A_89 = arith.constant 0 : i32
        %dma_start3A_90 = tpu.memref_slice %arg7[%add3A_76, %dma_start3A_89] : memref<157x128xi32, #tpu.memory_space<vmem>> -> memref<1x128xi32, #tpu.memory_space<vmem>>
        %dma_start3A_91 = tpu.memref_squeeze %dma_start3A_90 : memref<1x128xi32, #tpu.memory_space<vmem>> -> memref<128xi32, #tpu.memory_space<vmem>>
        %dma_start3A_92 = arith.constant 0 : i32
        %dma_start3A_93 = arith.constant 0 : i32
        %dma_start3A_94 = tpu.memref_slice %arg10[%dma_start3A_92, %dma_start3A_93] : memref<10240x64xf32, #tpu.memory_space<vmem_shared>> -> memref<10240x64xf32, #tpu.memory_space<vmem_shared>>
        tpu.enqueue_indirect_dma source(%arg8 : memref<128x64xf32, #tpu.memory_space<vmem>>) target(%dma_start3A_94 : memref<10240x64xf32, #tpu.memory_space<vmem_shared>>) offsets(%dma_start3A_91 : memref<128xi32, #tpu.memory_space<vmem>>) semaphore(%run_scoped3A : memref<!tpu.dma_semaphore, #tpu.memory_space<semaphore_mem>>) {add = true}
        %dma_wait3A_95 = arith.constant 0 : i32
        %dma_wait3A_96 = tpu.memref_slice %arg7[%add3A_76, %dma_wait3A_95] : memref<157x128xi32, #tpu.memory_space<vmem>> -> memref<1x128xi32, #tpu.memory_space<vmem>>
        %dma_wait3A_97 = tpu.memref_squeeze %dma_wait3A_96 : memref<1x128xi32, #tpu.memory_space<vmem>> -> memref<128xi32, #tpu.memory_space<vmem>>
        %dma_wait3A_98 = arith.constant 0 : i32
        %dma_wait3A_99 = arith.constant 0 : i32
        %dma_wait3A_100 = tpu.memref_slice %arg10[%dma_wait3A_98, %dma_wait3A_99] : memref<10240x64xf32, #tpu.memory_space<vmem_shared>> -> memref<10240x64xf32, #tpu.memory_space<vmem_shared>>
        tpu.wait_indirect_dma semaphore(%run_scoped3A : memref<!tpu.dma_semaphore, #tpu.memory_space<semaphore_mem>>) src(%arg8 : memref<128x64xf32, #tpu.memory_space<vmem>>) dst(%dma_wait3A_100 : memref<10240x64xf32, #tpu.memory_space<vmem_shared>>)
        tpu.yield
      }) : () -> ()
    }
    %scan3A_66 = arith.constant 157 : i32
    %barrier3A_67 = arith.constant 0 : index
    tpu.barrier barrier_id(%barrier3A_67)
    %mul3A_68 = arith.constant 640 : i32
    %mul3A_69 = arith.muli %arg1, %mul3A_68 : i32
    %mul3A_70 = arith.constant 640 : i32
    %mul3A_71 = arith.muli %arg1, %mul3A_70 : i32
    "tpu.region"() ({
      %run_scoped3A = tpu.sem_alloc : memref<!tpu.dma_semaphore, #tpu.memory_space<semaphore_mem>>
      %dma_start3A_72 = arith.constant 0 : i32
      %dma_start3A_73 = tpu.memref_slice %arg5[%arg0, %mul3A_71, %dma_start3A_72] : memref<2x10240x64xf32, #tpu.memory_space<hbm>> -> memref<1x640x64xf32, #tpu.memory_space<hbm>>
      %dma_start3A_74 = tpu.memref_squeeze %dma_start3A_73 : memref<1x640x64xf32, #tpu.memory_space<hbm>> -> memref<640x64xf32, #tpu.memory_space<hbm>>
      %dma_start3A_75 = arith.constant 0 : i32
      %dma_start3A_76 = tpu.memref_slice %arg10[%mul3A_69, %dma_start3A_75] : memref<10240x64xf32, #tpu.memory_space<vmem_shared>> -> memref<640x64xf32, #tpu.memory_space<vmem_shared>>
      tpu.enqueue_dma source(%dma_start3A_76 : memref<640x64xf32, #tpu.memory_space<vmem_shared>>) target(%dma_start3A_74 : memref<640x64xf32, #tpu.memory_space<hbm>>) target_semaphore(%run_scoped3A : memref<!tpu.dma_semaphore, #tpu.memory_space<semaphore_mem>>)
      %dma_wait3A_77 = arith.constant 0 : i32
      %dma_wait3A_78 = tpu.memref_slice %arg5[%arg0, %mul3A_71, %dma_wait3A_77] : memref<2x10240x64xf32, #tpu.memory_space<hbm>> -> memref<1x640x64xf32, #tpu.memory_space<hbm>>
      %dma_wait3A_79 = tpu.memref_squeeze %dma_wait3A_78 : memref<1x640x64xf32, #tpu.memory_space<hbm>> -> memref<640x64xf32, #tpu.memory_space<hbm>>
      %dma_wait3A_80 = arith.constant 0 : i32
      %dma_wait3A_81 = tpu.memref_slice %arg10[%mul3A_69, %dma_wait3A_80] : memref<10240x64xf32, #tpu.memory_space<vmem_shared>> -> memref<640x64xf32, #tpu.memory_space<vmem_shared>>
      tpu.wait_dma2 semaphore(%run_scoped3A : memref<!tpu.dma_semaphore, #tpu.memory_space<semaphore_mem>>) src(%dma_wait3A_81 : memref<640x64xf32, #tpu.memory_space<vmem_shared>>) dst(%dma_wait3A_79 : memref<640x64xf32, #tpu.memory_space<hbm>>)
      tpu.yield
    }) : () -> ()
    return
  }
}

#map = affine_map<(d0, d1) -> (0, 0)>
#map1 = affine_map<(d0, d1) -> (0, 0, 0, 0)>
#map2 = affine_map<(d0, d1) -> (0, 0, 0)>
module attributes {stable_mosaic.version = 14 : i64} {
  func.func @_seg_body(%arg0: i32, %arg1: i32, %arg2: memref<20000x64xf32, #tpu.memory_space<hbm>>, %arg3: memref<2x16x157x128xi32, #tpu.memory_space<hbm>>, %arg4: memref<2x16x157x128xi32, #tpu.memory_space<hbm>>, %arg5: memref<2x10240x64xf32, #tpu.memory_space<hbm>>, %arg6: memref<157x128xi32, #tpu.memory_space<vmem>>, %arg7: memref<157x128xi32, #tpu.memory_space<vmem>>, %arg8: memref<128x64xf32, #tpu.memory_space<vmem>>, %arg9: memref<128x64xf32, #tpu.memory_space<vmem>>, %arg10: memref<10240x64xf32, #tpu.memory_space<vmem_shared>>, %arg11: memref<!tpu.dma_semaphore, #tpu.memory_space<semaphore_mem>>, %arg12: memref<!tpu.dma_semaphore, #tpu.memory_space<semaphore_mem>>, %arg13: memref<!tpu.dma_semaphore, #tpu.memory_space<semaphore_mem>>) attributes {dimension_semantics = [#tpu.dimension_semantics<core_parallel>, #tpu.dimension_semantics<subcore_parallel>], iteration_bounds = array<i64: 2, 16>, scalar_prefetch = 0 : i64, scratch_operands = 8 : i64, tpu.core_type = #tpu.core_type<sc_vector_subcore>, window_params = [{transform_indices = #map}, {transform_indices = #map1}, {transform_indices = #map1}, {transform_indices = #map2}]} {
    %dma_start3A = arith.constant 0 : i32
    %dma_start3A_0 = arith.constant 0 : i32
    %dma_start3A_1 = tpu.memref_slice %arg3[%arg0, %arg1, %dma_start3A, %dma_start3A_0] : memref<2x16x157x128xi32, #tpu.memory_space<hbm>> -> memref<1x1x157x128xi32, #tpu.memory_space<hbm>>
    %dma_start3A_2 = tpu.memref_squeeze %dma_start3A_1 : memref<1x1x157x128xi32, #tpu.memory_space<hbm>> -> memref<157x128xi32, #tpu.memory_space<hbm>>
    %dma_start3A_3 = arith.constant 0 : i32
    %dma_start3A_4 = arith.constant 0 : i32
    %dma_start3A_5 = tpu.memref_slice %arg3[%arg0, %arg1, %dma_start3A_3, %dma_start3A_4] : memref<2x16x157x128xi32, #tpu.memory_space<hbm>> -> memref<1x1x157x128xi32, #tpu.memory_space<hbm>>
    %dma_start3A_6 = tpu.memref_squeeze %dma_start3A_5 : memref<1x1x157x128xi32, #tpu.memory_space<hbm>> -> memref<157x128xi32, #tpu.memory_space<hbm>>
    tpu.enqueue_dma source(%dma_start3A_6 : memref<157x128xi32, #tpu.memory_space<hbm>>) target(%arg6 : memref<157x128xi32, #tpu.memory_space<vmem>>) target_semaphore(%arg11 : memref<!tpu.dma_semaphore, #tpu.memory_space<semaphore_mem>>)
    %dma_start3A_7 = arith.constant 0 : i32
    %dma_start3A_8 = arith.constant 0 : i32
    %dma_start3A_9 = tpu.memref_slice %arg4[%arg0, %arg1, %dma_start3A_7, %dma_start3A_8] : memref<2x16x157x128xi32, #tpu.memory_space<hbm>> -> memref<1x1x157x128xi32, #tpu.memory_space<hbm>>
    %dma_start3A_10 = tpu.memref_squeeze %dma_start3A_9 : memref<1x1x157x128xi32, #tpu.memory_space<hbm>> -> memref<157x128xi32, #tpu.memory_space<hbm>>
    %dma_start3A_11 = arith.constant 0 : i32
    %dma_start3A_12 = arith.constant 0 : i32
    %dma_start3A_13 = tpu.memref_slice %arg4[%arg0, %arg1, %dma_start3A_11, %dma_start3A_12] : memref<2x16x157x128xi32, #tpu.memory_space<hbm>> -> memref<1x1x157x128xi32, #tpu.memory_space<hbm>>
    %dma_start3A_14 = tpu.memref_squeeze %dma_start3A_13 : memref<1x1x157x128xi32, #tpu.memory_space<hbm>> -> memref<157x128xi32, #tpu.memory_space<hbm>>
    tpu.enqueue_dma source(%dma_start3A_14 : memref<157x128xi32, #tpu.memory_space<hbm>>) target(%arg7 : memref<157x128xi32, #tpu.memory_space<vmem>>) target_semaphore(%arg11 : memref<!tpu.dma_semaphore, #tpu.memory_space<semaphore_mem>>)
    %scan3A = arith.constant 0 : i32
    %scan3A_15 = arith.constant 128 : i32
    %scan3A_16 = arith.addi %scan3A, %scan3A_15 : i32
    %scan3A_17 = arith.constant 1 : i32
    scf.for %scan3A_72 = %scan3A to %scan3A_16 step %scan3A_17  : i32 {
      %mul3A_73 = arith.constant 1 : i32
      %mul3A_74 = arith.muli %scan3A_72, %mul3A_73 : i32
      %add3A_75 = arith.constant 0 : i32
      %add3A_76 = arith.addi %add3A_75, %mul3A_74 : i32
      %broadcast_in_dim3A = arith.constant 0.000000e+00 : f32
      %broadcast_in_dim3A_77 = vector.broadcast %broadcast_in_dim3A : f32 to vector<16xf32>
      %swap3A = arith.index_cast %add3A_76 : i32 to index
      %swap3A_78 = arith.constant 0 : index
      %swap3A_79 = tpu.vector_load %arg8[%swap3A, %swap3A_78] {strides = array<i32>} : memref<128x64xf32, #tpu.memory_space<vmem>>, vector<1x16xf32>,
      %swap3A_80 = vector.shape_cast %swap3A_79 : vector<1x16xf32> to vector<16xf32>
      %swap3A_81 = vector.shape_cast %broadcast_in_dim3A_77 : vector<16xf32> to vector<1x16xf32>
      tpu.vector_store %arg8[%swap3A, %swap3A_78], %swap3A_81 {strides = array<i32>} : memref<128x64xf32, #tpu.memory_space<vmem>>, vector<1x16xf32>,
      %broadcast_in_dim3A_82 = arith.constant 0.000000e+00 : f32
      %broadcast_in_dim3A_83 = vector.broadcast %broadcast_in_dim3A_82 : f32 to vector<16xf32>
      %swap3A_84 = arith.index_cast %add3A_76 : i32 to index
      %swap3A_85 = arith.constant 16 : index
      %swap3A_86 = tpu.vector_load %arg8[%swap3A_84, %swap3A_85] {strides = array<i32>} : memref<128x64xf32, #tpu.memory_space<vmem>>, vector<1x16xf32>,
      %swap3A_87 = vector.shape_cast %swap3A_86 : vector<1x16xf32> to vector<16xf32>
      %swap3A_88 = vector.shape_cast %broadcast_in_dim3A_83 : vector<16xf32> to vector<1x16xf32>
      tpu.vector_store %arg8[%swap3A_84, %swap3A_85], %swap3A_88 {strides = array<i32>} : memref<128x64xf32, #tpu.memory_space<vmem>>, vector<1x16xf32>,
      %broadcast_in_dim3A_89 = arith.constant 0.000000e+00 : f32
      %broadcast_in_dim3A_90 = vector.broadcast %broadcast_in_dim3A_89 : f32 to vector<16xf32>
      %swap3A_91 = arith.index_cast %add3A_76 : i32 to index
      %swap3A_92 = arith.constant 32 : index
      %swap3A_93 = tpu.vector_load %arg8[%swap3A_91, %swap3A_92] {strides = array<i32>} : memref<128x64xf32, #tpu.memory_space<vmem>>, vector<1x16xf32>,
      %swap3A_94 = vector.shape_cast %swap3A_93 : vector<1x16xf32> to vector<16xf32>
      %swap3A_95 = vector.shape_cast %broadcast_in_dim3A_90 : vector<16xf32> to vector<1x16xf32>
      tpu.vector_store %arg8[%swap3A_91, %swap3A_92], %swap3A_95 {strides = array<i32>} : memref<128x64xf32, #tpu.memory_space<vmem>>, vector<1x16xf32>,
      %broadcast_in_dim3A_96 = arith.constant 0.000000e+00 : f32
      %broadcast_in_dim3A_97 = vector.broadcast %broadcast_in_dim3A_96 : f32 to vector<16xf32>
      %swap3A_98 = arith.index_cast %add3A_76 : i32 to index
      %swap3A_99 = arith.constant 48 : index
      %swap3A_100 = tpu.vector_load %arg8[%swap3A_98, %swap3A_99] {strides = array<i32>} : memref<128x64xf32, #tpu.memory_space<vmem>>, vector<1x16xf32>,
      %swap3A_101 = vector.shape_cast %swap3A_100 : vector<1x16xf32> to vector<16xf32>
      %swap3A_102 = vector.shape_cast %broadcast_in_dim3A_97 : vector<16xf32> to vector<1x16xf32>
      tpu.vector_store %arg8[%swap3A_98, %swap3A_99], %swap3A_102 {strides = array<i32>} : memref<128x64xf32, #tpu.memory_space<vmem>>, vector<1x16xf32>,
    }
    %scan3A_18 = arith.constant 128 : i32
    %mul3A = arith.constant 5 : i32
    %mul3A_19 = arith.muli %arg1, %mul3A : i32
    %add3A = arith.constant 0 : i32
    %add3A_20 = arith.addi %mul3A_19, %add3A : i32
    %mul3A_21 = arith.constant 128 : i32
    %mul3A_22 = arith.muli %add3A_20, %mul3A_21 : i32
    "tpu.region"() ({
      %run_scoped3A = tpu.sem_alloc : memref<!tpu.dma_semaphore, #tpu.memory_space<semaphore_mem>>
      %dma_start3A_72 = arith.constant 0 : i32
      %dma_start3A_73 = tpu.memref_slice %arg10[%mul3A_22, %dma_start3A_72] : memref<10240x64xf32, #tpu.memory_space<vmem_shared>> -> memref<128x64xf32, #tpu.memory_space<vmem_shared>>
      %dma_start3A_74 = arith.constant 0 : i32
      %dma_start3A_75 = tpu.memref_slice %arg10[%mul3A_22, %dma_start3A_74] : memref<10240x64xf32, #tpu.memory_space<vmem_shared>> -> memref<128x64xf32, #tpu.memory_space<vmem_shared>>
      tpu.enqueue_dma source(%arg8 : memref<128x64xf32, #tpu.memory_space<vmem>>) target(%dma_start3A_75 : memref<128x64xf32, #tpu.memory_space<vmem_shared>>) target_semaphore(%run_scoped3A : memref<!tpu.dma_semaphore, #tpu.memory_space<semaphore_mem>>)
      %dma_wait3A_76 = arith.constant 0 : i32
      %dma_wait3A_77 = tpu.memref_slice %arg10[%mul3A_22, %dma_wait3A_76] : memref<10240x64xf32, #tpu.memory_space<vmem_shared>> -> memref<128x64xf32, #tpu.memory_space<vmem_shared>>
      %dma_wait3A_78 = arith.constant 0 : i32
      %dma_wait3A_79 = tpu.memref_slice %arg10[%mul3A_22, %dma_wait3A_78] : memref<10240x64xf32, #tpu.memory_space<vmem_shared>> -> memref<128x64xf32, #tpu.memory_space<vmem_shared>>
      tpu.wait_dma2 semaphore(%run_scoped3A : memref<!tpu.dma_semaphore, #tpu.memory_space<semaphore_mem>>) src(%arg8 : memref<128x64xf32, #tpu.memory_space<vmem>>) dst(%dma_wait3A_79 : memref<128x64xf32, #tpu.memory_space<vmem_shared>>)
      tpu.yield
    }) : () -> ()
    %mul3A_23 = arith.constant 5 : i32
    %mul3A_24 = arith.muli %arg1, %mul3A_23 : i32
    %add3A_25 = arith.constant 1 : i32
    %add3A_26 = arith.addi %mul3A_24, %add3A_25 : i32
    %mul3A_27 = arith.constant 128 : i32
    %mul3A_28 = arith.muli %add3A_26, %mul3A_27 : i32
    "tpu.region"() ({
      %run_scoped3A = tpu.sem_alloc : memref<!tpu.dma_semaphore, #tpu.memory_space<semaphore_mem>>
      %dma_start3A_72 = arith.constant 0 : i32
      %dma_start3A_73 = tpu.memref_slice %arg10[%mul3A_28, %dma_start3A_72] : memref<10240x64xf32, #tpu.memory_space<vmem_shared>> -> memref<128x64xf32, #tpu.memory_space<vmem_shared>>
      %dma_start3A_74 = arith.constant 0 : i32
      %dma_start3A_75 = tpu.memref_slice %arg10[%mul3A_28, %dma_start3A_74] : memref<10240x64xf32, #tpu.memory_space<vmem_shared>> -> memref<128x64xf32, #tpu.memory_space<vmem_shared>>
      tpu.enqueue_dma source(%arg8 : memref<128x64xf32, #tpu.memory_space<vmem>>) target(%dma_start3A_75 : memref<128x64xf32, #tpu.memory_space<vmem_shared>>) target_semaphore(%run_scoped3A : memref<!tpu.dma_semaphore, #tpu.memory_space<semaphore_mem>>)
      %dma_wait3A_76 = arith.constant 0 : i32
      %dma_wait3A_77 = tpu.memref_slice %arg10[%mul3A_28, %dma_wait3A_76] : memref<10240x64xf32, #tpu.memory_space<vmem_shared>> -> memref<128x64xf32, #tpu.memory_space<vmem_shared>>
      %dma_wait3A_78 = arith.constant 0 : i32
      %dma_wait3A_79 = tpu.memref_slice %arg10[%mul3A_28, %dma_wait3A_78] : memref<10240x64xf32, #tpu.memory_space<vmem_shared>> -> memref<128x64xf32, #tpu.memory_space<vmem_shared>>
      tpu.wait_dma2 semaphore(%run_scoped3A : memref<!tpu.dma_semaphore, #tpu.memory_space<semaphore_mem>>) src(%arg8 : memref<128x64xf32, #tpu.memory_space<vmem>>) dst(%dma_wait3A_79 : memref<128x64xf32, #tpu.memory_space<vmem_shared>>)
      tpu.yield
    }) : () -> ()
    %mul3A_29 = arith.constant 5 : i32
    %mul3A_30 = arith.muli %arg1, %mul3A_29 : i32
    %add3A_31 = arith.constant 2 : i32
    %add3A_32 = arith.addi %mul3A_30, %add3A_31 : i32
    %mul3A_33 = arith.constant 128 : i32
    %mul3A_34 = arith.muli %add3A_32, %mul3A_33 : i32
    "tpu.region"() ({
      %run_scoped3A = tpu.sem_alloc : memref<!tpu.dma_semaphore, #tpu.memory_space<semaphore_mem>>
      %dma_start3A_72 = arith.constant 0 : i32
      %dma_start3A_73 = tpu.memref_slice %arg10[%mul3A_34, %dma_start3A_72] : memref<10240x64xf32, #tpu.memory_space<vmem_shared>> -> memref<128x64xf32, #tpu.memory_space<vmem_shared>>
      %dma_start3A_74 = arith.constant 0 : i32
      %dma_start3A_75 = tpu.memref_slice %arg10[%mul3A_34, %dma_start3A_74] : memref<10240x64xf32, #tpu.memory_space<vmem_shared>> -> memref<128x64xf32, #tpu.memory_space<vmem_shared>>
      tpu.enqueue_dma source(%arg8 : memref<128x64xf32, #tpu.memory_space<vmem>>) target(%dma_start3A_75 : memref<128x64xf32, #tpu.memory_space<vmem_shared>>) target_semaphore(%run_scoped3A : memref<!tpu.dma_semaphore, #tpu.memory_space<semaphore_mem>>)
      %dma_wait3A_76 = arith.constant 0 : i32
      %dma_wait3A_77 = tpu.memref_slice %arg10[%mul3A_34, %dma_wait3A_76] : memref<10240x64xf32, #tpu.memory_space<vmem_shared>> -> memref<128x64xf32, #tpu.memory_space<vmem_shared>>
      %dma_wait3A_78 = arith.constant 0 : i32
      %dma_wait3A_79 = tpu.memref_slice %arg10[%mul3A_34, %dma_wait3A_78] : memref<10240x64xf32, #tpu.memory_space<vmem_shared>> -> memref<128x64xf32, #tpu.memory_space<vmem_shared>>
      tpu.wait_dma2 semaphore(%run_scoped3A : memref<!tpu.dma_semaphore, #tpu.memory_space<semaphore_mem>>) src(%arg8 : memref<128x64xf32, #tpu.memory_space<vmem>>) dst(%dma_wait3A_79 : memref<128x64xf32, #tpu.memory_space<vmem_shared>>)
      tpu.yield
    }) : () -> ()
    %mul3A_35 = arith.constant 5 : i32
    %mul3A_36 = arith.muli %arg1, %mul3A_35 : i32
    %add3A_37 = arith.constant 3 : i32
    %add3A_38 = arith.addi %mul3A_36, %add3A_37 : i32
    %mul3A_39 = arith.constant 128 : i32
    %mul3A_40 = arith.muli %add3A_38, %mul3A_39 : i32
    "tpu.region"() ({
      %run_scoped3A = tpu.sem_alloc : memref<!tpu.dma_semaphore, #tpu.memory_space<semaphore_mem>>
      %dma_start3A_72 = arith.constant 0 : i32
      %dma_start3A_73 = tpu.memref_slice %arg10[%mul3A_40, %dma_start3A_72] : memref<10240x64xf32, #tpu.memory_space<vmem_shared>> -> memref<128x64xf32, #tpu.memory_space<vmem_shared>>
      %dma_start3A_74 = arith.constant 0 : i32
      %dma_start3A_75 = tpu.memref_slice %arg10[%mul3A_40, %dma_start3A_74] : memref<10240x64xf32, #tpu.memory_space<vmem_shared>> -> memref<128x64xf32, #tpu.memory_space<vmem_shared>>
      tpu.enqueue_dma source(%arg8 : memref<128x64xf32, #tpu.memory_space<vmem>>) target(%dma_start3A_75 : memref<128x64xf32, #tpu.memory_space<vmem_shared>>) target_semaphore(%run_scoped3A : memref<!tpu.dma_semaphore, #tpu.memory_space<semaphore_mem>>)
      %dma_wait3A_76 = arith.constant 0 : i32
      %dma_wait3A_77 = tpu.memref_slice %arg10[%mul3A_40, %dma_wait3A_76] : memref<10240x64xf32, #tpu.memory_space<vmem_shared>> -> memref<128x64xf32, #tpu.memory_space<vmem_shared>>
      %dma_wait3A_78 = arith.constant 0 : i32
      %dma_wait3A_79 = tpu.memref_slice %arg10[%mul3A_40, %dma_wait3A_78] : memref<10240x64xf32, #tpu.memory_space<vmem_shared>> -> memref<128x64xf32, #tpu.memory_space<vmem_shared>>
      tpu.wait_dma2 semaphore(%run_scoped3A : memref<!tpu.dma_semaphore, #tpu.memory_space<semaphore_mem>>) src(%arg8 : memref<128x64xf32, #tpu.memory_space<vmem>>) dst(%dma_wait3A_79 : memref<128x64xf32, #tpu.memory_space<vmem_shared>>)
      tpu.yield
    }) : () -> ()
    %mul3A_41 = arith.constant 5 : i32
    %mul3A_42 = arith.muli %arg1, %mul3A_41 : i32
    %add3A_43 = arith.constant 4 : i32
    %add3A_44 = arith.addi %mul3A_42, %add3A_43 : i32
    %mul3A_45 = arith.constant 128 : i32
    %mul3A_46 = arith.muli %add3A_44, %mul3A_45 : i32
    "tpu.region"() ({
      %run_scoped3A = tpu.sem_alloc : memref<!tpu.dma_semaphore, #tpu.memory_space<semaphore_mem>>
      %dma_start3A_72 = arith.constant 0 : i32
      %dma_start3A_73 = tpu.memref_slice %arg10[%mul3A_46, %dma_start3A_72] : memref<10240x64xf32, #tpu.memory_space<vmem_shared>> -> memref<128x64xf32, #tpu.memory_space<vmem_shared>>
      %dma_start3A_74 = arith.constant 0 : i32
      %dma_start3A_75 = tpu.memref_slice %arg10[%mul3A_46, %dma_start3A_74] : memref<10240x64xf32, #tpu.memory_space<vmem_shared>> -> memref<128x64xf32, #tpu.memory_space<vmem_shared>>
      tpu.enqueue_dma source(%arg8 : memref<128x64xf32, #tpu.memory_space<vmem>>) target(%dma_start3A_75 : memref<128x64xf32, #tpu.memory_space<vmem_shared>>) target_semaphore(%run_scoped3A : memref<!tpu.dma_semaphore, #tpu.memory_space<semaphore_mem>>)
      %dma_wait3A_76 = arith.constant 0 : i32
      %dma_wait3A_77 = tpu.memref_slice %arg10[%mul3A_46, %dma_wait3A_76] : memref<10240x64xf32, #tpu.memory_space<vmem_shared>> -> memref<128x64xf32, #tpu.memory_space<vmem_shared>>
      %dma_wait3A_78 = arith.constant 0 : i32
      %dma_wait3A_79 = tpu.memref_slice %arg10[%mul3A_46, %dma_wait3A_78] : memref<10240x64xf32, #tpu.memory_space<vmem_shared>> -> memref<128x64xf32, #tpu.memory_space<vmem_shared>>
      tpu.wait_dma2 semaphore(%run_scoped3A : memref<!tpu.dma_semaphore, #tpu.memory_space<semaphore_mem>>) src(%arg8 : memref<128x64xf32, #tpu.memory_space<vmem>>) dst(%dma_wait3A_79 : memref<128x64xf32, #tpu.memory_space<vmem_shared>>)
      tpu.yield
    }) : () -> ()
    %dma_wait3A = arith.constant 0 : i32
    %dma_wait3A_47 = arith.constant 0 : i32
    %dma_wait3A_48 = tpu.memref_slice %arg3[%arg0, %arg1, %dma_wait3A, %dma_wait3A_47] : memref<2x16x157x128xi32, #tpu.memory_space<hbm>> -> memref<1x1x157x128xi32, #tpu.memory_space<hbm>>
    %dma_wait3A_49 = tpu.memref_squeeze %dma_wait3A_48 : memref<1x1x157x128xi32, #tpu.memory_space<hbm>> -> memref<157x128xi32, #tpu.memory_space<hbm>>
    %dma_wait3A_50 = arith.constant 0 : i32
    %dma_wait3A_51 = arith.constant 0 : i32
    %dma_wait3A_52 = tpu.memref_slice %arg3[%arg0, %arg1, %dma_wait3A_50, %dma_wait3A_51] : memref<2x16x157x128xi32, #tpu.memory_space<hbm>> -> memref<1x1x157x128xi32, #tpu.memory_space<hbm>>
    %dma_wait3A_53 = tpu.memref_squeeze %dma_wait3A_52 : memref<1x1x157x128xi32, #tpu.memory_space<hbm>> -> memref<157x128xi32, #tpu.memory_space<hbm>>
    tpu.wait_dma2 semaphore(%arg11 : memref<!tpu.dma_semaphore, #tpu.memory_space<semaphore_mem>>) src(%dma_wait3A_53 : memref<157x128xi32, #tpu.memory_space<hbm>>) dst(%arg6 : memref<157x128xi32, #tpu.memory_space<vmem>>)
    %dma_wait3A_54 = arith.constant 0 : i32
    %dma_wait3A_55 = arith.constant 0 : i32
    %dma_wait3A_56 = tpu.memref_slice %arg4[%arg0, %arg1, %dma_wait3A_54, %dma_wait3A_55] : memref<2x16x157x128xi32, #tpu.memory_space<hbm>> -> memref<1x1x157x128xi32, #tpu.memory_space<hbm>>
    %dma_wait3A_57 = tpu.memref_squeeze %dma_wait3A_56 : memref<1x1x157x128xi32, #tpu.memory_space<hbm>> -> memref<157x128xi32, #tpu.memory_space<hbm>>
    %dma_wait3A_58 = arith.constant 0 : i32
    %dma_wait3A_59 = arith.constant 0 : i32
    %dma_wait3A_60 = tpu.memref_slice %arg4[%arg0, %arg1, %dma_wait3A_58, %dma_wait3A_59] : memref<2x16x157x128xi32, #tpu.memory_space<hbm>> -> memref<1x1x157x128xi32, #tpu.memory_space<hbm>>
    %dma_wait3A_61 = tpu.memref_squeeze %dma_wait3A_60 : memref<1x1x157x128xi32, #tpu.memory_space<hbm>> -> memref<157x128xi32, #tpu.memory_space<hbm>>
    tpu.wait_dma2 semaphore(%arg11 : memref<!tpu.dma_semaphore, #tpu.memory_space<semaphore_mem>>) src(%dma_wait3A_61 : memref<157x128xi32, #tpu.memory_space<hbm>>) dst(%arg7 : memref<157x128xi32, #tpu.memory_space<vmem>>)
    %barrier3A = arith.constant 0 : index
    tpu.barrier barrier_id(%barrier3A)
    %scan3A_62 = arith.constant 0 : i32
    %scan3A_63 = arith.constant 157 : i32
    %scan3A_64 = arith.addi %scan3A_62, %scan3A_63 : i32
    %scan3A_65 = arith.constant 1 : i32
    scf.for %scan3A_72 = %scan3A_62 to %scan3A_64 step %scan3A_65  : i32 {
      %mul3A_73 = arith.constant 1 : i32
      %mul3A_74 = arith.muli %scan3A_72, %mul3A_73 : i32
      %add3A_75 = arith.constant 0 : i32
      %add3A_76 = arith.addi %add3A_75, %mul3A_74 : i32
      %dma_start3A_77 = arith.constant 0 : i32
      %dma_start3A_78 = tpu.memref_slice %arg6[%add3A_76, %dma_start3A_77] : memref<157x128xi32, #tpu.memory_space<vmem>> -> memref<1x128xi32, #tpu.memory_space<vmem>>
      %dma_start3A_79 = tpu.memref_squeeze %dma_start3A_78 : memref<1x128xi32, #tpu.memory_space<vmem>> -> memref<128xi32, #tpu.memory_space<vmem>>
      %dma_start3A_80 = arith.constant 0 : i32
      %dma_start3A_81 = arith.constant 0 : i32
      %dma_start3A_82 = tpu.memref_slice %arg2[%dma_start3A_80, %dma_start3A_81] : memref<20000x64xf32, #tpu.memory_space<hbm>> -> memref<20000x64xf32, #tpu.memory_space<hbm>>
      tpu.enqueue_indirect_dma source(%dma_start3A_82 : memref<20000x64xf32, #tpu.memory_space<hbm>>) target(%arg8 : memref<128x64xf32, #tpu.memory_space<vmem>>) offsets(%dma_start3A_79 : memref<128xi32, #tpu.memory_space<vmem>>) semaphore(%arg12 : memref<!tpu.dma_semaphore, #tpu.memory_space<semaphore_mem>>)
      %dma_wait3A_83 = arith.constant 0 : i32
      %dma_wait3A_84 = tpu.memref_slice %arg6[%add3A_76, %dma_wait3A_83] : memref<157x128xi32, #tpu.memory_space<vmem>> -> memref<1x128xi32, #tpu.memory_space<vmem>>
      %dma_wait3A_85 = tpu.memref_squeeze %dma_wait3A_84 : memref<1x128xi32, #tpu.memory_space<vmem>> -> memref<128xi32, #tpu.memory_space<vmem>>
      %dma_wait3A_86 = arith.constant 0 : i32
      %dma_wait3A_87 = arith.constant 0 : i32
      %dma_wait3A_88 = tpu.memref_slice %arg2[%dma_wait3A_86, %dma_wait3A_87] : memref<20000x64xf32, #tpu.memory_space<hbm>> -> memref<20000x64xf32, #tpu.memory_space<hbm>>
      tpu.wait_indirect_dma semaphore(%arg12 : memref<!tpu.dma_semaphore, #tpu.memory_space<semaphore_mem>>) src(%dma_wait3A_88 : memref<20000x64xf32, #tpu.memory_space<hbm>>) dst(%arg8 : memref<128x64xf32, #tpu.memory_space<vmem>>)
      "tpu.region"() ({
        %run_scoped3A = tpu.sem_alloc : memref<!tpu.dma_semaphore, #tpu.memory_space<semaphore_mem>>
        %dma_start3A_89 = arith.constant 0 : i32
        %dma_start3A_90 = tpu.memref_slice %arg7[%add3A_76, %dma_start3A_89] : memref<157x128xi32, #tpu.memory_space<vmem>> -> memref<1x128xi32, #tpu.memory_space<vmem>>
        %dma_start3A_91 = tpu.memref_squeeze %dma_start3A_90 : memref<1x128xi32, #tpu.memory_space<vmem>> -> memref<128xi32, #tpu.memory_space<vmem>>
        %dma_start3A_92 = arith.constant 0 : i32
        %dma_start3A_93 = arith.constant 0 : i32
        %dma_start3A_94 = tpu.memref_slice %arg10[%dma_start3A_92, %dma_start3A_93] : memref<10240x64xf32, #tpu.memory_space<vmem_shared>> -> memref<10240x64xf32, #tpu.memory_space<vmem_shared>>
        tpu.enqueue_indirect_dma source(%arg8 : memref<128x64xf32, #tpu.memory_space<vmem>>) target(%dma_start3A_94 : memref<10240x64xf32, #tpu.memory_space<vmem_shared>>) offsets(%dma_start3A_91 : memref<128xi32, #tpu.memory_space<vmem>>) semaphore(%run_scoped3A : memref<!tpu.dma_semaphore, #tpu.memory_space<semaphore_mem>>) {add = true}
        %dma_wait3A_95 = arith.constant 0 : i32
        %dma_wait3A_96 = tpu.memref_slice %arg7[%add3A_76, %dma_wait3A_95] : memref<157x128xi32, #tpu.memory_space<vmem>> -> memref<1x128xi32, #tpu.memory_space<vmem>>
        %dma_wait3A_97 = tpu.memref_squeeze %dma_wait3A_96 : memref<1x128xi32, #tpu.memory_space<vmem>> -> memref<128xi32, #tpu.memory_space<vmem>>
        %dma_wait3A_98 = arith.constant 0 : i32
        %dma_wait3A_99 = arith.constant 0 : i32
        %dma_wait3A_100 = tpu.memref_slice %arg10[%dma_wait3A_98, %dma_wait3A_99] : memref<10240x64xf32, #tpu.memory_space<vmem_shared>> -> memref<10240x64xf32, #tpu.memory_space<vmem_shared>>
        tpu.wait_indirect_dma semaphore(%run_scoped3A : memref<!tpu.dma_semaphore, #tpu.memory_space<semaphore_mem>>) src(%arg8 : memref<128x64xf32, #tpu.memory_space<vmem>>) dst(%dma_wait3A_100 : memref<10240x64xf32, #tpu.memory_space<vmem_shared>>)
        tpu.yield
      }) : () -> ()
    }
    %scan3A_66 = arith.constant 157 : i32
    %barrier3A_67 = arith.constant 0 : index
    tpu.barrier barrier_id(%barrier3A_67)
    %mul3A_68 = arith.constant 640 : i32
    %mul3A_69 = arith.muli %arg1, %mul3A_68 : i32
    %mul3A_70 = arith.constant 640 : i32
    %mul3A_71 = arith.muli %arg1, %mul3A_70 : i32
    "tpu.region"() ({
      %run_scoped3A = tpu.sem_alloc : memref<!tpu.dma_semaphore, #tpu.memory_space<semaphore_mem>>
      %dma_start3A_72 = arith.constant 0 : i32
      %dma_start3A_73 = tpu.memref_slice %arg5[%arg0, %mul3A_71, %dma_start3A_72] : memref<2x10240x64xf32, #tpu.memory_space<hbm>> -> memref<1x640x64xf32, #tpu.memory_space<hbm>>
      %dma_start3A_74 = tpu.memref_squeeze %dma_start3A_73 : memref<1x640x64xf32, #tpu.memory_space<hbm>> -> memref<640x64xf32, #tpu.memory_space<hbm>>
      %dma_start3A_75 = arith.constant 0 : i32
      %dma_start3A_76 = tpu.memref_slice %arg10[%mul3A_69, %dma_start3A_75] : memref<10240x64xf32, #tpu.memory_space<vmem_shared>> -> memref<640x64xf32, #tpu.memory_space<vmem_shared>>
      tpu.enqueue_dma source(%dma_start3A_76 : memref<640x64xf32, #tpu.memory_space<vmem_shared>>) target(%dma_start3A_74 : memref<640x64xf32, #tpu.memory_space<hbm>>) target_semaphore(%run_scoped3A : memref<!tpu.dma_semaphore, #tpu.memory_space<semaphore_mem>>)
      %dma_wait3A_77 = arith.constant 0 : i32
      %dma_wait3A_78 = tpu.memref_slice %arg5[%arg0, %mul3A_71, %dma_wait3A_77] : memref<2x10240x64xf32, #tpu.memory_space<hbm>> -> memref<1x640x64xf32, #tpu.memory_space<hbm>>
      %dma_wait3A_79 = tpu.memref_squeeze %dma_wait3A_78 : memref<1x640x64xf32, #tpu.memory_space<hbm>> -> memref<640x64xf32, #tpu.memory_space<hbm>>
      %dma_wait3A_80 = arith.constant 0 : i32
      %dma_wait3A_81 = tpu.memref_slice %arg10[%mul3A_69, %dma_wait3A_80] : memref<10240x64xf32, #tpu.memory_space<vmem_shared>> -> memref<640x64xf32, #tpu.memory_space<vmem_shared>>
      tpu.wait_dma2 semaphore(%run_scoped3A : memref<!tpu.dma_semaphore, #tpu.memory_space<semaphore_mem>>) src(%dma_wait3A_81 : memref<640x64xf32, #tpu.memory_space<vmem_shared>>) dst(%dma_wait3A_79 : memref<640x64xf32, #tpu.memory_space<hbm>>)
      tpu.yield
    }) : () -> ()
    return
  }
}

#map = affine_map<(d0, d1) -> (0, 0)>
#map1 = affine_map<(d0, d1) -> (0, 0, 0, 0)>
#map2 = affine_map<(d0, d1) -> (0, 0, 0)>
module attributes {stable_mosaic.version = 14 : i64} {
  func.func @_seg_body(%arg0: i32, %arg1: i32, %arg2: memref<20000x64xf32, #tpu.memory_space<hbm>>, %arg3: memref<2x16x157x128xi32, #tpu.memory_space<hbm>>, %arg4: memref<2x16x157x128xi32, #tpu.memory_space<hbm>>, %arg5: memref<2x10240x64xf32, #tpu.memory_space<hbm>>, %arg6: memref<157x128xi32, #tpu.memory_space<vmem>>, %arg7: memref<157x128xi32, #tpu.memory_space<vmem>>, %arg8: memref<128x64xf32, #tpu.memory_space<vmem>>, %arg9: memref<128x64xf32, #tpu.memory_space<vmem>>, %arg10: memref<10240x64xf32, #tpu.memory_space<vmem_shared>>, %arg11: memref<!tpu.dma_semaphore, #tpu.memory_space<semaphore_mem>>, %arg12: memref<!tpu.dma_semaphore, #tpu.memory_space<semaphore_mem>>, %arg13: memref<!tpu.dma_semaphore, #tpu.memory_space<semaphore_mem>>) attributes {dimension_semantics = [#tpu.dimension_semantics<core_parallel>, #tpu.dimension_semantics<subcore_parallel>], iteration_bounds = array<i64: 2, 16>, scalar_prefetch = 0 : i64, scratch_operands = 8 : i64, tpu.core_type = #tpu.core_type<sc_vector_subcore>, window_params = [{transform_indices = #map}, {transform_indices = #map1}, {transform_indices = #map1}, {transform_indices = #map2}]} {
    %dma_start3A = arith.constant 0 : i32
    %dma_start3A_0 = arith.constant 0 : i32
    %dma_start3A_1 = tpu.memref_slice %arg3[%arg0, %arg1, %dma_start3A, %dma_start3A_0] : memref<2x16x157x128xi32, #tpu.memory_space<hbm>> -> memref<1x1x157x128xi32, #tpu.memory_space<hbm>>
    %dma_start3A_2 = tpu.memref_squeeze %dma_start3A_1 : memref<1x1x157x128xi32, #tpu.memory_space<hbm>> -> memref<157x128xi32, #tpu.memory_space<hbm>>
    %dma_start3A_3 = arith.constant 0 : i32
    %dma_start3A_4 = arith.constant 0 : i32
    %dma_start3A_5 = tpu.memref_slice %arg3[%arg0, %arg1, %dma_start3A_3, %dma_start3A_4] : memref<2x16x157x128xi32, #tpu.memory_space<hbm>> -> memref<1x1x157x128xi32, #tpu.memory_space<hbm>>
    %dma_start3A_6 = tpu.memref_squeeze %dma_start3A_5 : memref<1x1x157x128xi32, #tpu.memory_space<hbm>> -> memref<157x128xi32, #tpu.memory_space<hbm>>
    tpu.enqueue_dma source(%dma_start3A_6 : memref<157x128xi32, #tpu.memory_space<hbm>>) target(%arg6 : memref<157x128xi32, #tpu.memory_space<vmem>>) target_semaphore(%arg11 : memref<!tpu.dma_semaphore, #tpu.memory_space<semaphore_mem>>)
    %dma_start3A_7 = arith.constant 0 : i32
    %dma_start3A_8 = arith.constant 0 : i32
    %dma_start3A_9 = tpu.memref_slice %arg4[%arg0, %arg1, %dma_start3A_7, %dma_start3A_8] : memref<2x16x157x128xi32, #tpu.memory_space<hbm>> -> memref<1x1x157x128xi32, #tpu.memory_space<hbm>>
    %dma_start3A_10 = tpu.memref_squeeze %dma_start3A_9 : memref<1x1x157x128xi32, #tpu.memory_space<hbm>> -> memref<157x128xi32, #tpu.memory_space<hbm>>
    %dma_start3A_11 = arith.constant 0 : i32
    %dma_start3A_12 = arith.constant 0 : i32
    %dma_start3A_13 = tpu.memref_slice %arg4[%arg0, %arg1, %dma_start3A_11, %dma_start3A_12] : memref<2x16x157x128xi32, #tpu.memory_space<hbm>> -> memref<1x1x157x128xi32, #tpu.memory_space<hbm>>
    %dma_start3A_14 = tpu.memref_squeeze %dma_start3A_13 : memref<1x1x157x128xi32, #tpu.memory_space<hbm>> -> memref<157x128xi32, #tpu.memory_space<hbm>>
    tpu.enqueue_dma source(%dma_start3A_14 : memref<157x128xi32, #tpu.memory_space<hbm>>) target(%arg7 : memref<157x128xi32, #tpu.memory_space<vmem>>) target_semaphore(%arg11 : memref<!tpu.dma_semaphore, #tpu.memory_space<semaphore_mem>>)
    %scan3A = arith.constant 0 : i32
    %scan3A_15 = arith.constant 128 : i32
    %scan3A_16 = arith.addi %scan3A, %scan3A_15 : i32
    %scan3A_17 = arith.constant 1 : i32
    scf.for %scan3A_72 = %scan3A to %scan3A_16 step %scan3A_17  : i32 {
      %mul3A_73 = arith.constant 1 : i32
      %mul3A_74 = arith.muli %scan3A_72, %mul3A_73 : i32
      %add3A_75 = arith.constant 0 : i32
      %add3A_76 = arith.addi %add3A_75, %mul3A_74 : i32
      %broadcast_in_dim3A = arith.constant 0.000000e+00 : f32
      %broadcast_in_dim3A_77 = vector.broadcast %broadcast_in_dim3A : f32 to vector<16xf32>
      %swap3A = arith.index_cast %add3A_76 : i32 to index
      %swap3A_78 = arith.constant 0 : index
      %swap3A_79 = tpu.vector_load %arg8[%swap3A, %swap3A_78] {strides = array<i32>} : memref<128x64xf32, #tpu.memory_space<vmem>>, vector<1x16xf32>,
      %swap3A_80 = vector.shape_cast %swap3A_79 : vector<1x16xf32> to vector<16xf32>
      %swap3A_81 = vector.shape_cast %broadcast_in_dim3A_77 : vector<16xf32> to vector<1x16xf32>
      tpu.vector_store %arg8[%swap3A, %swap3A_78], %swap3A_81 {strides = array<i32>} : memref<128x64xf32, #tpu.memory_space<vmem>>, vector<1x16xf32>,
      %broadcast_in_dim3A_82 = arith.constant 0.000000e+00 : f32
      %broadcast_in_dim3A_83 = vector.broadcast %broadcast_in_dim3A_82 : f32 to vector<16xf32>
      %swap3A_84 = arith.index_cast %add3A_76 : i32 to index
      %swap3A_85 = arith.constant 16 : index
      %swap3A_86 = tpu.vector_load %arg8[%swap3A_84, %swap3A_85] {strides = array<i32>} : memref<128x64xf32, #tpu.memory_space<vmem>>, vector<1x16xf32>,
      %swap3A_87 = vector.shape_cast %swap3A_86 : vector<1x16xf32> to vector<16xf32>
      %swap3A_88 = vector.shape_cast %broadcast_in_dim3A_83 : vector<16xf32> to vector<1x16xf32>
      tpu.vector_store %arg8[%swap3A_84, %swap3A_85], %swap3A_88 {strides = array<i32>} : memref<128x64xf32, #tpu.memory_space<vmem>>, vector<1x16xf32>,
      %broadcast_in_dim3A_89 = arith.constant 0.000000e+00 : f32
      %broadcast_in_dim3A_90 = vector.broadcast %broadcast_in_dim3A_89 : f32 to vector<16xf32>
      %swap3A_91 = arith.index_cast %add3A_76 : i32 to index
      %swap3A_92 = arith.constant 32 : index
      %swap3A_93 = tpu.vector_load %arg8[%swap3A_91, %swap3A_92] {strides = array<i32>} : memref<128x64xf32, #tpu.memory_space<vmem>>, vector<1x16xf32>,
      %swap3A_94 = vector.shape_cast %swap3A_93 : vector<1x16xf32> to vector<16xf32>
      %swap3A_95 = vector.shape_cast %broadcast_in_dim3A_90 : vector<16xf32> to vector<1x16xf32>
      tpu.vector_store %arg8[%swap3A_91, %swap3A_92], %swap3A_95 {strides = array<i32>} : memref<128x64xf32, #tpu.memory_space<vmem>>, vector<1x16xf32>,
      %broadcast_in_dim3A_96 = arith.constant 0.000000e+00 : f32
      %broadcast_in_dim3A_97 = vector.broadcast %broadcast_in_dim3A_96 : f32 to vector<16xf32>
      %swap3A_98 = arith.index_cast %add3A_76 : i32 to index
      %swap3A_99 = arith.constant 48 : index
      %swap3A_100 = tpu.vector_load %arg8[%swap3A_98, %swap3A_99] {strides = array<i32>} : memref<128x64xf32, #tpu.memory_space<vmem>>, vector<1x16xf32>,
      %swap3A_101 = vector.shape_cast %swap3A_100 : vector<1x16xf32> to vector<16xf32>
      %swap3A_102 = vector.shape_cast %broadcast_in_dim3A_97 : vector<16xf32> to vector<1x16xf32>
      tpu.vector_store %arg8[%swap3A_98, %swap3A_99], %swap3A_102 {strides = array<i32>} : memref<128x64xf32, #tpu.memory_space<vmem>>, vector<1x16xf32>,
    }
    %scan3A_18 = arith.constant 128 : i32
    %mul3A = arith.constant 5 : i32
    %mul3A_19 = arith.muli %arg1, %mul3A : i32
    %add3A = arith.constant 0 : i32
    %add3A_20 = arith.addi %mul3A_19, %add3A : i32
    %mul3A_21 = arith.constant 128 : i32
    %mul3A_22 = arith.muli %add3A_20, %mul3A_21 : i32
    "tpu.region"() ({
      %run_scoped3A = tpu.sem_alloc : memref<!tpu.dma_semaphore, #tpu.memory_space<semaphore_mem>>
      %dma_start3A_72 = arith.constant 0 : i32
      %dma_start3A_73 = tpu.memref_slice %arg10[%mul3A_22, %dma_start3A_72] : memref<10240x64xf32, #tpu.memory_space<vmem_shared>> -> memref<128x64xf32, #tpu.memory_space<vmem_shared>>
      %dma_start3A_74 = arith.constant 0 : i32
      %dma_start3A_75 = tpu.memref_slice %arg10[%mul3A_22, %dma_start3A_74] : memref<10240x64xf32, #tpu.memory_space<vmem_shared>> -> memref<128x64xf32, #tpu.memory_space<vmem_shared>>
      tpu.enqueue_dma source(%arg8 : memref<128x64xf32, #tpu.memory_space<vmem>>) target(%dma_start3A_75 : memref<128x64xf32, #tpu.memory_space<vmem_shared>>) target_semaphore(%run_scoped3A : memref<!tpu.dma_semaphore, #tpu.memory_space<semaphore_mem>>)
      %dma_wait3A_76 = arith.constant 0 : i32
      %dma_wait3A_77 = tpu.memref_slice %arg10[%mul3A_22, %dma_wait3A_76] : memref<10240x64xf32, #tpu.memory_space<vmem_shared>> -> memref<128x64xf32, #tpu.memory_space<vmem_shared>>
      %dma_wait3A_78 = arith.constant 0 : i32
      %dma_wait3A_79 = tpu.memref_slice %arg10[%mul3A_22, %dma_wait3A_78] : memref<10240x64xf32, #tpu.memory_space<vmem_shared>> -> memref<128x64xf32, #tpu.memory_space<vmem_shared>>
      tpu.wait_dma2 semaphore(%run_scoped3A : memref<!tpu.dma_semaphore, #tpu.memory_space<semaphore_mem>>) src(%arg8 : memref<128x64xf32, #tpu.memory_space<vmem>>) dst(%dma_wait3A_79 : memref<128x64xf32, #tpu.memory_space<vmem_shared>>)
      tpu.yield
    }) : () -> ()
    %mul3A_23 = arith.constant 5 : i32
    %mul3A_24 = arith.muli %arg1, %mul3A_23 : i32
    %add3A_25 = arith.constant 1 : i32
    %add3A_26 = arith.addi %mul3A_24, %add3A_25 : i32
    %mul3A_27 = arith.constant 128 : i32
    %mul3A_28 = arith.muli %add3A_26, %mul3A_27 : i32
    "tpu.region"() ({
      %run_scoped3A = tpu.sem_alloc : memref<!tpu.dma_semaphore, #tpu.memory_space<semaphore_mem>>
      %dma_start3A_72 = arith.constant 0 : i32
      %dma_start3A_73 = tpu.memref_slice %arg10[%mul3A_28, %dma_start3A_72] : memref<10240x64xf32, #tpu.memory_space<vmem_shared>> -> memref<128x64xf32, #tpu.memory_space<vmem_shared>>
      %dma_start3A_74 = arith.constant 0 : i32
      %dma_start3A_75 = tpu.memref_slice %arg10[%mul3A_28, %dma_start3A_74] : memref<10240x64xf32, #tpu.memory_space<vmem_shared>> -> memref<128x64xf32, #tpu.memory_space<vmem_shared>>
      tpu.enqueue_dma source(%arg8 : memref<128x64xf32, #tpu.memory_space<vmem>>) target(%dma_start3A_75 : memref<128x64xf32, #tpu.memory_space<vmem_shared>>) target_semaphore(%run_scoped3A : memref<!tpu.dma_semaphore, #tpu.memory_space<semaphore_mem>>)
      %dma_wait3A_76 = arith.constant 0 : i32
      %dma_wait3A_77 = tpu.memref_slice %arg10[%mul3A_28, %dma_wait3A_76] : memref<10240x64xf32, #tpu.memory_space<vmem_shared>> -> memref<128x64xf32, #tpu.memory_space<vmem_shared>>
      %dma_wait3A_78 = arith.constant 0 : i32
      %dma_wait3A_79 = tpu.memref_slice %arg10[%mul3A_28, %dma_wait3A_78] : memref<10240x64xf32, #tpu.memory_space<vmem_shared>> -> memref<128x64xf32, #tpu.memory_space<vmem_shared>>
      tpu.wait_dma2 semaphore(%run_scoped3A : memref<!tpu.dma_semaphore, #tpu.memory_space<semaphore_mem>>) src(%arg8 : memref<128x64xf32, #tpu.memory_space<vmem>>) dst(%dma_wait3A_79 : memref<128x64xf32, #tpu.memory_space<vmem_shared>>)
      tpu.yield
    }) : () -> ()
    %mul3A_29 = arith.constant 5 : i32
    %mul3A_30 = arith.muli %arg1, %mul3A_29 : i32
    %add3A_31 = arith.constant 2 : i32
    %add3A_32 = arith.addi %mul3A_30, %add3A_31 : i32
    %mul3A_33 = arith.constant 128 : i32
    %mul3A_34 = arith.muli %add3A_32, %mul3A_33 : i32
    "tpu.region"() ({
      %run_scoped3A = tpu.sem_alloc : memref<!tpu.dma_semaphore, #tpu.memory_space<semaphore_mem>>
      %dma_start3A_72 = arith.constant 0 : i32
      %dma_start3A_73 = tpu.memref_slice %arg10[%mul3A_34, %dma_start3A_72] : memref<10240x64xf32, #tpu.memory_space<vmem_shared>> -> memref<128x64xf32, #tpu.memory_space<vmem_shared>>
      %dma_start3A_74 = arith.constant 0 : i32
      %dma_start3A_75 = tpu.memref_slice %arg10[%mul3A_34, %dma_start3A_74] : memref<10240x64xf32, #tpu.memory_space<vmem_shared>> -> memref<128x64xf32, #tpu.memory_space<vmem_shared>>
      tpu.enqueue_dma source(%arg8 : memref<128x64xf32, #tpu.memory_space<vmem>>) target(%dma_start3A_75 : memref<128x64xf32, #tpu.memory_space<vmem_shared>>) target_semaphore(%run_scoped3A : memref<!tpu.dma_semaphore, #tpu.memory_space<semaphore_mem>>)
      %dma_wait3A_76 = arith.constant 0 : i32
      %dma_wait3A_77 = tpu.memref_slice %arg10[%mul3A_34, %dma_wait3A_76] : memref<10240x64xf32, #tpu.memory_space<vmem_shared>> -> memref<128x64xf32, #tpu.memory_space<vmem_shared>>
      %dma_wait3A_78 = arith.constant 0 : i32
      %dma_wait3A_79 = tpu.memref_slice %arg10[%mul3A_34, %dma_wait3A_78] : memref<10240x64xf32, #tpu.memory_space<vmem_shared>> -> memref<128x64xf32, #tpu.memory_space<vmem_shared>>
      tpu.wait_dma2 semaphore(%run_scoped3A : memref<!tpu.dma_semaphore, #tpu.memory_space<semaphore_mem>>) src(%arg8 : memref<128x64xf32, #tpu.memory_space<vmem>>) dst(%dma_wait3A_79 : memref<128x64xf32, #tpu.memory_space<vmem_shared>>)
      tpu.yield
    }) : () -> ()
    %mul3A_35 = arith.constant 5 : i32
    %mul3A_36 = arith.muli %arg1, %mul3A_35 : i32
    %add3A_37 = arith.constant 3 : i32
    %add3A_38 = arith.addi %mul3A_36, %add3A_37 : i32
    %mul3A_39 = arith.constant 128 : i32
    %mul3A_40 = arith.muli %add3A_38, %mul3A_39 : i32
    "tpu.region"() ({
      %run_scoped3A = tpu.sem_alloc : memref<!tpu.dma_semaphore, #tpu.memory_space<semaphore_mem>>
      %dma_start3A_72 = arith.constant 0 : i32
      %dma_start3A_73 = tpu.memref_slice %arg10[%mul3A_40, %dma_start3A_72] : memref<10240x64xf32, #tpu.memory_space<vmem_shared>> -> memref<128x64xf32, #tpu.memory_space<vmem_shared>>
      %dma_start3A_74 = arith.constant 0 : i32
      %dma_start3A_75 = tpu.memref_slice %arg10[%mul3A_40, %dma_start3A_74] : memref<10240x64xf32, #tpu.memory_space<vmem_shared>> -> memref<128x64xf32, #tpu.memory_space<vmem_shared>>
      tpu.enqueue_dma source(%arg8 : memref<128x64xf32, #tpu.memory_space<vmem>>) target(%dma_start3A_75 : memref<128x64xf32, #tpu.memory_space<vmem_shared>>) target_semaphore(%run_scoped3A : memref<!tpu.dma_semaphore, #tpu.memory_space<semaphore_mem>>)
      %dma_wait3A_76 = arith.constant 0 : i32
      %dma_wait3A_77 = tpu.memref_slice %arg10[%mul3A_40, %dma_wait3A_76] : memref<10240x64xf32, #tpu.memory_space<vmem_shared>> -> memref<128x64xf32, #tpu.memory_space<vmem_shared>>
      %dma_wait3A_78 = arith.constant 0 : i32
      %dma_wait3A_79 = tpu.memref_slice %arg10[%mul3A_40, %dma_wait3A_78] : memref<10240x64xf32, #tpu.memory_space<vmem_shared>> -> memref<128x64xf32, #tpu.memory_space<vmem_shared>>
      tpu.wait_dma2 semaphore(%run_scoped3A : memref<!tpu.dma_semaphore, #tpu.memory_space<semaphore_mem>>) src(%arg8 : memref<128x64xf32, #tpu.memory_space<vmem>>) dst(%dma_wait3A_79 : memref<128x64xf32, #tpu.memory_space<vmem_shared>>)
      tpu.yield
    }) : () -> ()
    %mul3A_41 = arith.constant 5 : i32
    %mul3A_42 = arith.muli %arg1, %mul3A_41 : i32
    %add3A_43 = arith.constant 4 : i32
    %add3A_44 = arith.addi %mul3A_42, %add3A_43 : i32
    %mul3A_45 = arith.constant 128 : i32
    %mul3A_46 = arith.muli %add3A_44, %mul3A_45 : i32
    "tpu.region"() ({
      %run_scoped3A = tpu.sem_alloc : memref<!tpu.dma_semaphore, #tpu.memory_space<semaphore_mem>>
      %dma_start3A_72 = arith.constant 0 : i32
      %dma_start3A_73 = tpu.memref_slice %arg10[%mul3A_46, %dma_start3A_72] : memref<10240x64xf32, #tpu.memory_space<vmem_shared>> -> memref<128x64xf32, #tpu.memory_space<vmem_shared>>
      %dma_start3A_74 = arith.constant 0 : i32
      %dma_start3A_75 = tpu.memref_slice %arg10[%mul3A_46, %dma_start3A_74] : memref<10240x64xf32, #tpu.memory_space<vmem_shared>> -> memref<128x64xf32, #tpu.memory_space<vmem_shared>>
      tpu.enqueue_dma source(%arg8 : memref<128x64xf32, #tpu.memory_space<vmem>>) target(%dma_start3A_75 : memref<128x64xf32, #tpu.memory_space<vmem_shared>>) target_semaphore(%run_scoped3A : memref<!tpu.dma_semaphore, #tpu.memory_space<semaphore_mem>>)
      %dma_wait3A_76 = arith.constant 0 : i32
      %dma_wait3A_77 = tpu.memref_slice %arg10[%mul3A_46, %dma_wait3A_76] : memref<10240x64xf32, #tpu.memory_space<vmem_shared>> -> memref<128x64xf32, #tpu.memory_space<vmem_shared>>
      %dma_wait3A_78 = arith.constant 0 : i32
      %dma_wait3A_79 = tpu.memref_slice %arg10[%mul3A_46, %dma_wait3A_78] : memref<10240x64xf32, #tpu.memory_space<vmem_shared>> -> memref<128x64xf32, #tpu.memory_space<vmem_shared>>
      tpu.wait_dma2 semaphore(%run_scoped3A : memref<!tpu.dma_semaphore, #tpu.memory_space<semaphore_mem>>) src(%arg8 : memref<128x64xf32, #tpu.memory_space<vmem>>) dst(%dma_wait3A_79 : memref<128x64xf32, #tpu.memory_space<vmem_shared>>)
      tpu.yield
    }) : () -> ()
    %dma_wait3A = arith.constant 0 : i32
    %dma_wait3A_47 = arith.constant 0 : i32
    %dma_wait3A_48 = tpu.memref_slice %arg3[%arg0, %arg1, %dma_wait3A, %dma_wait3A_47] : memref<2x16x157x128xi32, #tpu.memory_space<hbm>> -> memref<1x1x157x128xi32, #tpu.memory_space<hbm>>
    %dma_wait3A_49 = tpu.memref_squeeze %dma_wait3A_48 : memref<1x1x157x128xi32, #tpu.memory_space<hbm>> -> memref<157x128xi32, #tpu.memory_space<hbm>>
    %dma_wait3A_50 = arith.constant 0 : i32
    %dma_wait3A_51 = arith.constant 0 : i32
    %dma_wait3A_52 = tpu.memref_slice %arg3[%arg0, %arg1, %dma_wait3A_50, %dma_wait3A_51] : memref<2x16x157x128xi32, #tpu.memory_space<hbm>> -> memref<1x1x157x128xi32, #tpu.memory_space<hbm>>
    %dma_wait3A_53 = tpu.memref_squeeze %dma_wait3A_52 : memref<1x1x157x128xi32, #tpu.memory_space<hbm>> -> memref<157x128xi32, #tpu.memory_space<hbm>>
    tpu.wait_dma2 semaphore(%arg11 : memref<!tpu.dma_semaphore, #tpu.memory_space<semaphore_mem>>) src(%dma_wait3A_53 : memref<157x128xi32, #tpu.memory_space<hbm>>) dst(%arg6 : memref<157x128xi32, #tpu.memory_space<vmem>>)
    %dma_wait3A_54 = arith.constant 0 : i32
    %dma_wait3A_55 = arith.constant 0 : i32
    %dma_wait3A_56 = tpu.memref_slice %arg4[%arg0, %arg1, %dma_wait3A_54, %dma_wait3A_55] : memref<2x16x157x128xi32, #tpu.memory_space<hbm>> -> memref<1x1x157x128xi32, #tpu.memory_space<hbm>>
    %dma_wait3A_57 = tpu.memref_squeeze %dma_wait3A_56 : memref<1x1x157x128xi32, #tpu.memory_space<hbm>> -> memref<157x128xi32, #tpu.memory_space<hbm>>
    %dma_wait3A_58 = arith.constant 0 : i32
    %dma_wait3A_59 = arith.constant 0 : i32
    %dma_wait3A_60 = tpu.memref_slice %arg4[%arg0, %arg1, %dma_wait3A_58, %dma_wait3A_59] : memref<2x16x157x128xi32, #tpu.memory_space<hbm>> -> memref<1x1x157x128xi32, #tpu.memory_space<hbm>>
    %dma_wait3A_61 = tpu.memref_squeeze %dma_wait3A_60 : memref<1x1x157x128xi32, #tpu.memory_space<hbm>> -> memref<157x128xi32, #tpu.memory_space<hbm>>
    tpu.wait_dma2 semaphore(%arg11 : memref<!tpu.dma_semaphore, #tpu.memory_space<semaphore_mem>>) src(%dma_wait3A_61 : memref<157x128xi32, #tpu.memory_space<hbm>>) dst(%arg7 : memref<157x128xi32, #tpu.memory_space<vmem>>)
    %barrier3A = arith.constant 0 : index
    tpu.barrier barrier_id(%barrier3A)
    %scan3A_62 = arith.constant 0 : i32
    %scan3A_63 = arith.constant 157 : i32
    %scan3A_64 = arith.addi %scan3A_62, %scan3A_63 : i32
    %scan3A_65 = arith.constant 1 : i32
    scf.for %scan3A_72 = %scan3A_62 to %scan3A_64 step %scan3A_65  : i32 {
      %mul3A_73 = arith.constant 1 : i32
      %mul3A_74 = arith.muli %scan3A_72, %mul3A_73 : i32
      %add3A_75 = arith.constant 0 : i32
      %add3A_76 = arith.addi %add3A_75, %mul3A_74 : i32
      %dma_start3A_77 = arith.constant 0 : i32
      %dma_start3A_78 = tpu.memref_slice %arg6[%add3A_76, %dma_start3A_77] : memref<157x128xi32, #tpu.memory_space<vmem>> -> memref<1x128xi32, #tpu.memory_space<vmem>>
      %dma_start3A_79 = tpu.memref_squeeze %dma_start3A_78 : memref<1x128xi32, #tpu.memory_space<vmem>> -> memref<128xi32, #tpu.memory_space<vmem>>
      %dma_start3A_80 = arith.constant 0 : i32
      %dma_start3A_81 = arith.constant 0 : i32
      %dma_start3A_82 = tpu.memref_slice %arg2[%dma_start3A_80, %dma_start3A_81] : memref<20000x64xf32, #tpu.memory_space<hbm>> -> memref<20000x64xf32, #tpu.memory_space<hbm>>
      tpu.enqueue_indirect_dma source(%dma_start3A_82 : memref<20000x64xf32, #tpu.memory_space<hbm>>) target(%arg8 : memref<128x64xf32, #tpu.memory_space<vmem>>) offsets(%dma_start3A_79 : memref<128xi32, #tpu.memory_space<vmem>>) semaphore(%arg12 : memref<!tpu.dma_semaphore, #tpu.memory_space<semaphore_mem>>)
      %dma_wait3A_83 = arith.constant 0 : i32
      %dma_wait3A_84 = tpu.memref_slice %arg6[%add3A_76, %dma_wait3A_83] : memref<157x128xi32, #tpu.memory_space<vmem>> -> memref<1x128xi32, #tpu.memory_space<vmem>>
      %dma_wait3A_85 = tpu.memref_squeeze %dma_wait3A_84 : memref<1x128xi32, #tpu.memory_space<vmem>> -> memref<128xi32, #tpu.memory_space<vmem>>
      %dma_wait3A_86 = arith.constant 0 : i32
      %dma_wait3A_87 = arith.constant 0 : i32
      %dma_wait3A_88 = tpu.memref_slice %arg2[%dma_wait3A_86, %dma_wait3A_87] : memref<20000x64xf32, #tpu.memory_space<hbm>> -> memref<20000x64xf32, #tpu.memory_space<hbm>>
      tpu.wait_indirect_dma semaphore(%arg12 : memref<!tpu.dma_semaphore, #tpu.memory_space<semaphore_mem>>) src(%dma_wait3A_88 : memref<20000x64xf32, #tpu.memory_space<hbm>>) dst(%arg8 : memref<128x64xf32, #tpu.memory_space<vmem>>)
      "tpu.region"() ({
        %run_scoped3A = tpu.sem_alloc : memref<!tpu.dma_semaphore, #tpu.memory_space<semaphore_mem>>
        %dma_start3A_89 = arith.constant 0 : i32
        %dma_start3A_90 = tpu.memref_slice %arg7[%add3A_76, %dma_start3A_89] : memref<157x128xi32, #tpu.memory_space<vmem>> -> memref<1x128xi32, #tpu.memory_space<vmem>>
        %dma_start3A_91 = tpu.memref_squeeze %dma_start3A_90 : memref<1x128xi32, #tpu.memory_space<vmem>> -> memref<128xi32, #tpu.memory_space<vmem>>
        %dma_start3A_92 = arith.constant 0 : i32
        %dma_start3A_93 = arith.constant 0 : i32
        %dma_start3A_94 = tpu.memref_slice %arg10[%dma_start3A_92, %dma_start3A_93] : memref<10240x64xf32, #tpu.memory_space<vmem_shared>> -> memref<10240x64xf32, #tpu.memory_space<vmem_shared>>
        tpu.enqueue_indirect_dma source(%arg8 : memref<128x64xf32, #tpu.memory_space<vmem>>) target(%dma_start3A_94 : memref<10240x64xf32, #tpu.memory_space<vmem_shared>>) offsets(%dma_start3A_91 : memref<128xi32, #tpu.memory_space<vmem>>) semaphore(%run_scoped3A : memref<!tpu.dma_semaphore, #tpu.memory_space<semaphore_mem>>) {add = true}
        %dma_wait3A_95 = arith.constant 0 : i32
        %dma_wait3A_96 = tpu.memref_slice %arg7[%add3A_76, %dma_wait3A_95] : memref<157x128xi32, #tpu.memory_space<vmem>> -> memref<1x128xi32, #tpu.memory_space<vmem>>
        %dma_wait3A_97 = tpu.memref_squeeze %dma_wait3A_96 : memref<1x128xi32, #tpu.memory_space<vmem>> -> memref<128xi32, #tpu.memory_space<vmem>>
        %dma_wait3A_98 = arith.constant 0 : i32
        %dma_wait3A_99 = arith.constant 0 : i32
        %dma_wait3A_100 = tpu.memref_slice %arg10[%dma_wait3A_98, %dma_wait3A_99] : memref<10240x64xf32, #tpu.memory_space<vmem_shared>> -> memref<10240x64xf32, #tpu.memory_space<vmem_shared>>
        tpu.wait_indirect_dma semaphore(%run_scoped3A : memref<!tpu.dma_semaphore, #tpu.memory_space<semaphore_mem>>) src(%arg8 : memref<128x64xf32, #tpu.memory_space<vmem>>) dst(%dma_wait3A_100 : memref<10240x64xf32, #tpu.memory_space<vmem_shared>>)
        tpu.yield
      }) : () -> ()
    }
    %scan3A_66 = arith.constant 157 : i32
    %barrier3A_67 = arith.constant 0 : index
    tpu.barrier barrier_id(%barrier3A_67)
    %mul3A_68 = arith.constant 640 : i32
    %mul3A_69 = arith.muli %arg1, %mul3A_68 : i32
    %mul3A_70 = arith.constant 640 : i32
    %mul3A_71 = arith.muli %arg1, %mul3A_70 : i32
    "tpu.region"() ({
      %run_scoped3A = tpu.sem_alloc : memref<!tpu.dma_semaphore, #tpu.memory_space<semaphore_mem>>
      %dma_start3A_72 = arith.constant 0 : i32
      %dma_start3A_73 = tpu.memref_slice %arg5[%arg0, %mul3A_71, %dma_start3A_72] : memref<2x10240x64xf32, #tpu.memory_space<hbm>> -> memref<1x640x64xf32, #tpu.memory_space<hbm>>
      %dma_start3A_74 = tpu.memref_squeeze %dma_start3A_73 : memref<1x640x64xf32, #tpu.memory_space<hbm>> -> memref<640x64xf32, #tpu.memory_space<hbm>>
      %dma_start3A_75 = arith.constant 0 : i32
      %dma_start3A_76 = tpu.memref_slice %arg10[%mul3A_69, %dma_start3A_75] : memref<10240x64xf32, #tpu.memory_space<vmem_shared>> -> memref<640x64xf32, #tpu.memory_space<vmem_shared>>
      tpu.enqueue_dma source(%dma_start3A_76 : memref<640x64xf32, #tpu.memory_space<vmem_shared>>) target(%dma_start3A_74 : memref<640x64xf32, #tpu.memory_space<hbm>>) target_semaphore(%run_scoped3A : memref<!tpu.dma_semaphore, #tpu.memory_space<semaphore_mem>>)
      %dma_wait3A_77 = arith.constant 0 : i32
      %dma_wait3A_78 = tpu.memref_slice %arg5[%arg0, %mul3A_71, %dma_wait3A_77] : memref<2x10240x64xf32, #tpu.memory_space<hbm>> -> memref<1x640x64xf32, #tpu.memory_space<hbm>>
      %dma_wait3A_79 = tpu.memref_squeeze %dma_wait3A_78 : memref<1x640x64xf32, #tpu.memory_space<hbm>> -> memref<640x64xf32, #tpu.memory_space<hbm>>
      %dma_wait3A_80 = arith.constant 0 : i32
      %dma_wait3A_81 = tpu.memref_slice %arg10[%mul3A_69, %dma_wait3A_80] : memref<10240x64xf32, #tpu.memory_space<vmem_shared>> -> memref<640x64xf32, #tpu.memory_space<vmem_shared>>
      tpu.wait_dma2 semaphore(%run_scoped3A : memref<!tpu.dma_semaphore, #tpu.memory_space<semaphore_mem>>) src(%dma_wait3A_81 : memref<640x64xf32, #tpu.memory_space<vmem_shared>>) dst(%dma_wait3A_79 : memref<640x64xf32, #tpu.memory_space<hbm>>)
      tpu.yield
    }) : () -> ()
    return
  }
}

module attributes {stable_mosaic.version = 14 : i64} {
  func.func @_idx_body(%arg0: i32, %arg1: memref<1x2500x128xi32, #tpu.memory_space<vmem>>, %arg2: memref<1x2500x128xi32, #tpu.memory_space<vmem>>, %arg3: memref<1x2512x128xi32, #tpu.memory_space<vmem>>, %arg4: memref<1x2512x128xi32, #tpu.memory_space<vmem>>) attributes {dimension_semantics = [#tpu.dimension_semantics<arbitrary>], iteration_bounds = array<i64: 2>, scalar_prefetch = 0 : i64, scratch_operands = 0 : i64, tpu.core_type = #tpu.core_type<tc>, window_params = [{transform_indices = @transform_0, window_bounds = array<i64: 1, 2500, 128>}, {transform_indices = @transform_1, window_bounds = array<i64: 1, 2500, 128>}, {transform_indices = @transform_2, window_bounds = array<i64: 1, 2512, 128>}, {transform_indices = @transform_3, window_bounds = array<i64: 1, 2512, 128>}]} {
    %get3A = arith.constant 0 : index
    %get3A_0 = arith.constant 0 : index
    %get3A_1 = arith.constant 0 : index
    %get3A_2 = vector.load %arg1[%get3A, %get3A_0, %get3A_1] : memref<1x2500x128xi32, #tpu.memory_space<vmem>>, vector<1x2500x128xi32>
    %get3A_3 = vector.shape_cast %get3A_2 : vector<1x2500x128xi32> to vector<2500x128xi32>
    %swap3A = arith.constant 0 : index
    %swap3A_4 = arith.constant 0 : index
    %swap3A_5 = arith.constant 0 : index
    %swap3A_6 = vector.load %arg3[%swap3A, %swap3A_4, %swap3A_5] : memref<1x2512x128xi32, #tpu.memory_space<vmem>>, vector<1x2500x128xi32>
    %swap3A_7 = vector.shape_cast %swap3A_6 : vector<1x2500x128xi32> to vector<2500x128xi32>
    %swap3A_8 = vector.shape_cast %get3A_3 : vector<2500x128xi32> to vector<1x2500x128xi32>
    tpu.vector_store %arg3[%swap3A, %swap3A_4, %swap3A_5], %swap3A_8 {strides = array<i32>} : memref<1x2512x128xi32, #tpu.memory_space<vmem>>, vector<1x2500x128xi32>,
    %broadcast_in_dim3A = arith.constant 0 : i32
    %broadcast_in_dim3A_9 = vector.broadcast %broadcast_in_dim3A : i32 to vector<12x128xi32>
    %swap3A_10 = arith.constant 0 : index
    %swap3A_11 = arith.constant 2500 : index
    %swap3A_12 = arith.constant 0 : index
    %swap3A_13 = vector.load %arg3[%swap3A_10, %swap3A_11, %swap3A_12] : memref<1x2512x128xi32, #tpu.memory_space<vmem>>, vector<1x12x128xi32>
    %swap3A_14 = vector.shape_cast %swap3A_13 : vector<1x12x128xi32> to vector<12x128xi32>
    %swap3A_15 = vector.shape_cast %broadcast_in_dim3A_9 : vector<12x128xi32> to vector<1x12x128xi32>
    tpu.vector_store %arg3[%swap3A_10, %swap3A_11, %swap3A_12], %swap3A_15 {strides = array<i32>} : memref<1x2512x128xi32, #tpu.memory_space<vmem>>, vector<1x12x128xi32>,
    %get3A_16 = arith.constant 0 : index
    %get3A_17 = arith.constant 0 : index
    %get3A_18 = arith.constant 0 : index
    %get3A_19 = vector.load %arg2[%get3A_16, %get3A_17, %get3A_18] : memref<1x2500x128xi32, #tpu.memory_space<vmem>>, vector<1x2500x128xi32>
    %get3A_20 = vector.shape_cast %get3A_19 : vector<1x2500x128xi32> to vector<2500x128xi32>
    %swap3A_21 = arith.constant 0 : index
    %swap3A_22 = arith.constant 0 : index
    %swap3A_23 = arith.constant 0 : index
    %swap3A_24 = vector.load %arg4[%swap3A_21, %swap3A_22, %swap3A_23] : memref<1x2512x128xi32, #tpu.memory_space<vmem>>, vector<1x2500x128xi32>
    %swap3A_25 = vector.shape_cast %swap3A_24 : vector<1x2500x128xi32> to vector<2500x128xi32>
    %swap3A_26 = vector.shape_cast %get3A_20 : vector<2500x128xi32> to vector<1x2500x128xi32>
    tpu.vector_store %arg4[%swap3A_21, %swap3A_22, %swap3A_23], %swap3A_26 {strides = array<i32>} : memref<1x2512x128xi32, #tpu.memory_space<vmem>>, vector<1x2500x128xi32>,
    %broadcast_in_dim3A_27 = arith.constant 10200 : i32
    %broadcast_in_dim3A_28 = vector.broadcast %broadcast_in_dim3A_27 : i32 to vector<12x128xi32>
    %swap3A_29 = arith.constant 0 : index
    %swap3A_30 = arith.constant 2500 : index
    %swap3A_31 = arith.constant 0 : index
    %swap3A_32 = vector.load %arg4[%swap3A_29, %swap3A_30, %swap3A_31] : memref<1x2512x128xi32, #tpu.memory_space<vmem>>, vector<1x12x128xi32>
    %swap3A_33 = vector.shape_cast %swap3A_32 : vector<1x12x128xi32> to vector<12x128xi32>
    %swap3A_34 = vector.shape_cast %broadcast_in_dim3A_28 : vector<12x128xi32> to vector<1x12x128xi32>
    tpu.vector_store %arg4[%swap3A_29, %swap3A_30, %swap3A_31], %swap3A_34 {strides = array<i32>} : memref<1x2512x128xi32, #tpu.memory_space<vmem>>, vector<1x12x128xi32>,
    return
  }
  func.func @transform_0(%arg0: i32) -> (i32, i32, i32) {
    %c0_i32 = arith.constant 0 : i32
    %c0_i32_0 = arith.constant 0 : i32
    %c0_i32_1 = arith.constant 0 : i32
    return %arg0, %c0_i32, %c0_i32_0 : i32, i32, i32
  }
  func.func @transform_1(%arg0: i32) -> (i32, i32, i32) {
    %c0_i32 = arith.constant 0 : i32
    %c0_i32_0 = arith.constant 0 : i32
    %c0_i32_1 = arith.constant 0 : i32
    return %arg0, %c0_i32, %c0_i32_0 : i32, i32, i32
  }
  func.func @transform_2(%arg0: i32) -> (i32, i32, i32) {
    %c0_i32 = arith.constant 0 : i32
    %c0_i32_0 = arith.constant 0 : i32
    %c0_i32_1 = arith.constant 0 : i32
    return %arg0, %c0_i32, %c0_i32_0 : i32, i32, i32
  }
  func.func @transform_3(%arg0: i32) -> (i32, i32, i32) {
    %c0_i32 = arith.constant 0 : i32
    %c0_i32_0 = arith.constant 0 : i32
    %c0_i32_1 = arith.constant 0 : i32
    return %arg0, %c0_i32, %c0_i32_0 : i32, i32, i32
  }
}

module attributes {stable_mosaic.version = 14 : i64} {
  func.func @_lin2_body(%arg0: i32, %arg1: memref<200x512xf32, #tpu.memory_space<vmem>>, %arg2: memref<2x256xf32, #tpu.memory_space<vmem>>, %arg3: memref<256x128xf32, #tpu.memory_space<vmem>>, %arg4: memref<2x200x128xf32, #tpu.memory_space<vmem>>) attributes {dimension_semantics = [#tpu.dimension_semantics<arbitrary>], iteration_bounds = array<i64: 25>, scalar_prefetch = 0 : i64, scratch_operands = 0 : i64, tpu.core_type = #tpu.core_type<tc>, window_params = [{transform_indices = @transform_0, window_bounds = array<i64: 200, 512>}, {pipeline_mode = #tpu.pipeline_mode<synchronous>, transform_indices = @transform_1, window_bounds = array<i64: 2, 256>}, {pipeline_mode = #tpu.pipeline_mode<synchronous>, transform_indices = @transform_2, window_bounds = array<i64: 256, 128>}, {transform_indices = @transform_3, window_bounds = array<i64: 2, 200, 128>}]} {
    %get3A = arith.constant 0 : index
    %get3A_0 = arith.constant 0 : index
    %get3A_1 = vector.load %arg2[%get3A, %get3A_0] : memref<2x256xf32, #tpu.memory_space<vmem>>, vector<1x256xf32>
    %get3A_2 = arith.constant 1 : index
    %get3A_3 = arith.constant 0 : index
    %get3A_4 = vector.load %arg2[%get3A_2, %get3A_3] : memref<2x256xf32, #tpu.memory_space<vmem>>, vector<1x256xf32>
    %get3A_5 = arith.constant 0 : index
    %get3A_6 = arith.constant 0 : index
    %get3A_7 = vector.load %arg1[%get3A_5, %get3A_6] : memref<200x512xf32, #tpu.memory_space<vmem>>, vector<200x256xf32>
    %mul3A = vector.broadcast %get3A_1 : vector<1x256xf32> to vector<200x256xf32>
    %mul3A_8 = arith.mulf %get3A_7, %mul3A : vector<200x256xf32>
    %add3A = vector.broadcast %get3A_4 : vector<1x256xf32> to vector<200x256xf32>
    %add3A_9 = arith.addf %mul3A_8, %add3A : vector<200x256xf32>
    %get3A_10 = arith.constant 0 : index
    %get3A_11 = arith.constant 256 : index
    %get3A_12 = vector.load %arg1[%get3A_10, %get3A_11] : memref<200x512xf32, #tpu.memory_space<vmem>>, vector<200x256xf32>
    %mul3A_13 = vector.broadcast %get3A_1 : vector<1x256xf32> to vector<200x256xf32>
    %mul3A_14 = arith.mulf %get3A_12, %mul3A_13 : vector<200x256xf32>
    %add3A_15 = vector.broadcast %get3A_4 : vector<1x256xf32> to vector<200x256xf32>
    %add3A_16 = arith.addf %mul3A_14, %add3A_15 : vector<200x256xf32>
    %get3A_17 = arith.constant 0 : index
    %get3A_18 = arith.constant 0 : index
    %get3A_19 = vector.load %arg3[%get3A_17, %get3A_18] : memref<256x128xf32, #tpu.memory_space<vmem>>, vector<256x128xf32>
    %dot_general3A = arith.constant dense<0.000000e+00> : vector<200x128xf32>
    %dot_general3A_20 = tpu.matmul %add3A_9, %get3A_19, %dot_general3A {dimension_numbers = #tpu.dot_dimension_numbers<[1], [0], [0], [1], [0, 0, 1, 1], [], []>, transpose_lhs_hint = false} : vector<200x256xf32>, vector<256x128xf32>, vector<200x128xf32> -> vector<200x128xf32>
    %swap3A = arith.constant 0 : index
    %swap3A_21 = arith.constant 0 : index
    %swap3A_22 = arith.constant 0 : index
    %swap3A_23 = vector.load %arg4[%swap3A, %swap3A_21, %swap3A_22] : memref<2x200x128xf32, #tpu.memory_space<vmem>>, vector<1x200x128xf32>
    %swap3A_24 = vector.shape_cast %swap3A_23 : vector<1x200x128xf32> to vector<200x128xf32>
    %swap3A_25 = vector.shape_cast %dot_general3A_20 : vector<200x128xf32> to vector<1x200x128xf32>
    tpu.vector_store %arg4[%swap3A, %swap3A_21, %swap3A_22], %swap3A_25 {strides = array<i32>} : memref<2x200x128xf32, #tpu.memory_space<vmem>>, vector<1x200x128xf32>,
    %dot_general3A_26 = arith.constant dense<0.000000e+00> : vector<200x128xf32>
    %dot_general3A_27 = tpu.matmul %add3A_16, %get3A_19, %dot_general3A_26 {dimension_numbers = #tpu.dot_dimension_numbers<[1], [0], [0], [1], [0, 0, 1, 1], [], []>, transpose_lhs_hint = false} : vector<200x256xf32>, vector<256x128xf32>, vector<200x128xf32> -> vector<200x128xf32>
    %swap3A_28 = arith.constant 1 : index
    %swap3A_29 = arith.constant 0 : index
    %swap3A_30 = arith.constant 0 : index
    %swap3A_31 = vector.load %arg4[%swap3A_28, %swap3A_29, %swap3A_30] : memref<2x200x128xf32, #tpu.memory_space<vmem>>, vector<1x200x128xf32>
    %swap3A_32 = vector.shape_cast %swap3A_31 : vector<1x200x128xf32> to vector<200x128xf32>
    %swap3A_33 = vector.shape_cast %dot_general3A_27 : vector<200x128xf32> to vector<1x200x128xf32>
    tpu.vector_store %arg4[%swap3A_28, %swap3A_29, %swap3A_30], %swap3A_33 {strides = array<i32>} : memref<2x200x128xf32, #tpu.memory_space<vmem>>, vector<1x200x128xf32>,
    return
  }
  func.func @transform_0(%arg0: i32) -> (i32, i32) {
    %c0_i32 = arith.constant 0 : i32
    %c0_i32_0 = arith.constant 0 : i32
    return %arg0, %c0_i32 : i32, i32
  }
  func.func @transform_1(%arg0: i32) -> (i32, i32) {
    %c0_i32 = arith.constant 0 : i32
    %c0_i32_0 = arith.constant 0 : i32
    %c0_i32_1 = arith.constant 0 : i32
    return %c0_i32, %c0_i32_0 : i32, i32
  }
  func.func @transform_2(%arg0: i32) -> (i32, i32) {
    %c0_i32 = arith.constant 0 : i32
    %c0_i32_0 = arith.constant 0 : i32
    %c0_i32_1 = arith.constant 0 : i32
    return %c0_i32, %c0_i32_0 : i32, i32
  }
  func.func @transform_3(%arg0: i32) -> (i32, i32, i32) {
    %c0_i32 = arith.constant 0 : i32
    %c0_i32_0 = arith.constant 0 : i32
    %c0_i32_1 = arith.constant 0 : i32
    return %c0_i32, %arg0, %c0_i32_0 : i32, i32, i32
  }
}

module attributes {stable_mosaic.version = 14 : i64} {
  func.func @_post_body(%arg0: i32, %arg1: memref<2x200x128xf32, #tpu.memory_space<vmem>>, %arg2: memref<1x200x128xf32, #tpu.memory_space<vmem>>, %arg3: memref<1x200x128xf32, #tpu.memory_space<vmem>>, %arg4: memref<1x128xf32, #tpu.memory_space<vmem>>, %arg5: memref<1x128xf32, #tpu.memory_space<vmem>>, %arg6: memref<128x128xf32, #tpu.memory_space<vmem>>, %arg7: memref<1x128xf32, #tpu.memory_space<vmem>>, %arg8: memref<128x64xf32, #tpu.memory_space<vmem>>, %arg9: memref<1x64xf32, #tpu.memory_space<vmem>>, %arg10: memref<64x64xf32, #tpu.memory_space<vmem>>, %arg11: memref<1x64xf32, #tpu.memory_space<vmem>>, %arg12: memref<2x64xf32, #tpu.memory_space<vmem>>, %arg13: memref<200x128xf32, #tpu.memory_space<vmem>>, %arg14: memref<2x64xf32, #tpu.memory_space<vmem>>, %arg15: memref<2x64xf32, #tpu.memory_space<vmem>>) attributes {dimension_semantics = [#tpu.dimension_semantics<arbitrary>], iteration_bounds = array<i64: 25>, scalar_prefetch = 0 : i64, scratch_operands = 1 : i64, tpu.core_type = #tpu.core_type<tc>, window_params = [{transform_indices = @transform_0, window_bounds = array<i64: 2, 200, 128>}, {transform_indices = @transform_1, window_bounds = array<i64: 1, 200, 128>}, {transform_indices = @transform_2, window_bounds = array<i64: 1, 200, 128>}, {pipeline_mode = #tpu.pipeline_mode<synchronous>, transform_indices = @transform_3, window_bounds = array<i64: 1, 128>}, {pipeline_mode = #tpu.pipeline_mode<synchronous>, transform_indices = @transform_4, window_bounds = array<i64: 1, 128>}, {pipeline_mode = #tpu.pipeline_mode<synchronous>, transform_indices = @transform_5, window_bounds = array<i64: 128, 128>}, {pipeline_mode = #tpu.pipeline_mode<synchronous>, transform_indices = @transform_6, window_bounds = array<i64: 1, 128>}, {pipeline_mode = #tpu.pipeline_mode<synchronous>, transform_indices = @transform_7, window_bounds = array<i64: 128, 64>}, {pipeline_mode = #tpu.pipeline_mode<synchronous>, transform_indices = @transform_8, window_bounds = array<i64: 1, 64>}, {pipeline_mode = #tpu.pipeline_mode<synchronous>, transform_indices = @transform_9, window_bounds = array<i64: 64, 64>}, {pipeline_mode = #tpu.pipeline_mode<synchronous>, transform_indices = @transform_10, window_bounds = array<i64: 1, 64>}, {pipeline_mode = #tpu.pipeline_mode<synchronous>, transform_indices = @transform_11, window_bounds = array<i64: 2, 64>}, {transform_indices = @transform_12, window_bounds = array<i64: 200, 128>}, {pipeline_mode = #tpu.pipeline_mode<synchronous>, transform_indices = @transform_13, window_bounds = array<i64: 2, 64>}]} {
    %get3A = arith.constant 0 : index
    %get3A_0 = arith.constant 0 : index
    %get3A_1 = arith.constant 0 : index
    %get3A_2 = vector.load %arg2[%get3A, %get3A_0, %get3A_1] : memref<1x200x128xf32, #tpu.memory_space<vmem>>, vector<1x200x128xf32>
    %get3A_3 = vector.shape_cast %get3A_2 : vector<1x200x128xf32> to vector<200x128xf32>
    %slice3A = vector.extract_strided_slice %get3A_3 {offsets = [0, 0], sizes = [200, 64], strides = [1, 1]} : vector<200x128xf32> to vector<200x64xf32>
    %get3A_4 = arith.constant 0 : index
    %get3A_5 = arith.constant 0 : index
    %get3A_6 = arith.constant 0 : index
    %get3A_7 = vector.load %arg3[%get3A_4, %get3A_5, %get3A_6] : memref<1x200x128xf32, #tpu.memory_space<vmem>>, vector<1x200x128xf32>
    %get3A_8 = vector.shape_cast %get3A_7 : vector<1x200x128xf32> to vector<200x128xf32>
    %slice3A_9 = vector.extract_strided_slice %get3A_8 {offsets = [0, 0], sizes = [200, 64], strides = [1, 1]} : vector<200x128xf32> to vector<200x64xf32>
    %concatenate3A = tpu.concatenate %slice3A, %slice3A_9 in 1 : vector<200x64xf32>, vector<200x64xf32> -> vector<200x128xf32>
    %get3A_10 = arith.constant 0 : index
    %get3A_11 = arith.constant 0 : index
    %get3A_12 = arith.constant 0 : index
    %get3A_13 = vector.load %arg2[%get3A_10, %get3A_11, %get3A_12] : memref<1x200x128xf32, #tpu.memory_space<vmem>>, vector<1x200x128xf32>
    %get3A_14 = vector.shape_cast %get3A_13 : vector<1x200x128xf32> to vector<200x128xf32>
    %slice3A_15 = vector.extract_strided_slice %get3A_14 {offsets = [0, 64], sizes = [200, 64], strides = [1, 1]} : vector<200x128xf32> to vector<200x64xf32>
    %get3A_16 = arith.constant 0 : index
    %get3A_17 = arith.constant 0 : index
    %get3A_18 = arith.constant 0 : index
    %get3A_19 = vector.load %arg3[%get3A_16, %get3A_17, %get3A_18] : memref<1x200x128xf32, #tpu.memory_space<vmem>>, vector<1x200x128xf32>
    %get3A_20 = vector.shape_cast %get3A_19 : vector<1x200x128xf32> to vector<200x128xf32>
    %slice3A_21 = vector.extract_strided_slice %get3A_20 {offsets = [0, 64], sizes = [200, 64], strides = [1, 1]} : vector<200x128xf32> to vector<200x64xf32>
    %concatenate3A_22 = tpu.concatenate %slice3A_15, %slice3A_21 in 1 : vector<200x64xf32>, vector<200x64xf32> -> vector<200x128xf32>
    %get3A_23 = arith.constant 0 : index
    %get3A_24 = arith.constant 0 : index
    %get3A_25 = vector.load %arg4[%get3A_23, %get3A_24] : memref<1x128xf32, #tpu.memory_space<vmem>>, vector<1x128xf32>
    %get3A_26 = arith.constant 0 : index
    %get3A_27 = arith.constant 0 : index
    %get3A_28 = vector.load %arg5[%get3A_26, %get3A_27] : memref<1x128xf32, #tpu.memory_space<vmem>>, vector<1x128xf32>
    %get3A_29 = arith.constant 0 : index
    %get3A_30 = arith.constant 0 : index
    %get3A_31 = vector.load %arg6[%get3A_29, %get3A_30] : memref<128x128xf32, #tpu.memory_space<vmem>>, vector<128x128xf32>
    %get3A_32 = arith.constant 0 : index
    %get3A_33 = arith.constant 0 : index
    %get3A_34 = vector.load %arg7[%get3A_32, %get3A_33] : memref<1x128xf32, #tpu.memory_space<vmem>>, vector<1x128xf32>
    %get3A_35 = arith.constant 0 : index
    %get3A_36 = arith.constant 0 : index
    %get3A_37 = vector.load %arg8[%get3A_35, %get3A_36] : memref<128x64xf32, #tpu.memory_space<vmem>>, vector<128x64xf32>
    %get3A_38 = arith.constant 0 : index
    %get3A_39 = arith.constant 0 : index
    %get3A_40 = vector.load %arg9[%get3A_38, %get3A_39] : memref<1x64xf32, #tpu.memory_space<vmem>>, vector<1x64xf32>
    %get3A_41 = arith.constant 0 : index
    %get3A_42 = arith.constant 0 : index
    %get3A_43 = vector.load %arg10[%get3A_41, %get3A_42] : memref<64x64xf32, #tpu.memory_space<vmem>>, vector<64x64xf32>
    %get3A_44 = arith.constant 0 : index
    %get3A_45 = arith.constant 0 : index
    %get3A_46 = vector.load %arg11[%get3A_44, %get3A_45] : memref<1x64xf32, #tpu.memory_space<vmem>>, vector<1x64xf32>
    %get3A_47 = arith.constant 0 : index
    %get3A_48 = arith.constant 0 : index
    %get3A_49 = arith.constant 0 : index
    %get3A_50 = vector.load %arg1[%get3A_47, %get3A_48, %get3A_49] : memref<2x200x128xf32, #tpu.memory_space<vmem>>, vector<1x200x128xf32>
    %get3A_51 = vector.shape_cast %get3A_50 : vector<1x200x128xf32> to vector<200x128xf32>
    %mul3A = vector.broadcast %get3A_25 : vector<1x128xf32> to vector<200x128xf32>
    %mul3A_52 = arith.mulf %get3A_51, %mul3A : vector<200x128xf32>
    %add3A = arith.addf %mul3A_52, %concatenate3A : vector<200x128xf32>
    %add3A_53 = vector.broadcast %get3A_28 : vector<1x128xf32> to vector<200x128xf32>
    %add3A_54 = arith.addf %add3A, %add3A_53 : vector<200x128xf32>
    %max3A = arith.constant 0.000000e+00 : f32
    %max3A_55 = vector.broadcast %max3A : f32 to vector<200x128xf32>
    %max3A_56 = arith.maximumf %add3A_54, %max3A_55 : vector<200x128xf32>
    %dot_general3A = arith.constant dense<0.000000e+00> : vector<200x128xf32>
    %dot_general3A_57 = tpu.matmul %max3A_56, %get3A_31, %dot_general3A {dimension_numbers = #tpu.dot_dimension_numbers<[1], [0], [0], [1], [0, 0, 1, 1], [], []>, transpose_lhs_hint = false} : vector<200x128xf32>, vector<128x128xf32>, vector<200x128xf32> -> vector<200x128xf32>
    %add3A_58 = vector.broadcast %get3A_34 : vector<1x128xf32> to vector<200x128xf32>
    %add3A_59 = arith.addf %dot_general3A_57, %add3A_58 : vector<200x128xf32>
    %max3A_60 = arith.constant 0.000000e+00 : f32
    %max3A_61 = vector.broadcast %max3A_60 : f32 to vector<200x128xf32>
    %max3A_62 = arith.maximumf %add3A_59, %max3A_61 : vector<200x128xf32>
    %dot_general3A_63 = arith.constant dense<0.000000e+00> : vector<200x64xf32>
    %dot_general3A_64 = tpu.matmul %max3A_62, %get3A_37, %dot_general3A_63 {dimension_numbers = #tpu.dot_dimension_numbers<[1], [0], [0], [1], [0, 0, 1, 1], [], []>, transpose_lhs_hint = false} : vector<200x128xf32>, vector<128x64xf32>, vector<200x64xf32> -> vector<200x64xf32>
    %add3A_65 = vector.broadcast %get3A_40 : vector<1x64xf32> to vector<200x64xf32>
    %add3A_66 = arith.addf %dot_general3A_64, %add3A_65 : vector<200x64xf32>
    %max3A_67 = arith.constant 0.000000e+00 : f32
    %max3A_68 = vector.broadcast %max3A_67 : f32 to vector<200x64xf32>
    %max3A_69 = arith.maximumf %add3A_66, %max3A_68 : vector<200x64xf32>
    %dot_general3A_70 = arith.constant dense<0.000000e+00> : vector<200x64xf32>
    %dot_general3A_71 = tpu.matmul %max3A_69, %get3A_43, %dot_general3A_70 {dimension_numbers = #tpu.dot_dimension_numbers<[1], [0], [0], [1], [0, 0, 1, 1], [], []>, transpose_lhs_hint = false} : vector<200x64xf32>, vector<64x64xf32>, vector<200x64xf32> -> vector<200x64xf32>
    %add3A_72 = vector.broadcast %get3A_46 : vector<1x64xf32> to vector<200x64xf32>
    %add3A_73 = arith.addf %dot_general3A_71, %add3A_72 : vector<200x64xf32>
    %get3A_74 = arith.constant 1 : index
    %get3A_75 = arith.constant 0 : index
    %get3A_76 = arith.constant 0 : index
    %get3A_77 = vector.load %arg1[%get3A_74, %get3A_75, %get3A_76] : memref<2x200x128xf32, #tpu.memory_space<vmem>>, vector<1x200x128xf32>
    %get3A_78 = vector.shape_cast %get3A_77 : vector<1x200x128xf32> to vector<200x128xf32>
    %mul3A_79 = vector.broadcast %get3A_25 : vector<1x128xf32> to vector<200x128xf32>
    %mul3A_80 = arith.mulf %get3A_78, %mul3A_79 : vector<200x128xf32>
    %add3A_81 = arith.addf %mul3A_80, %concatenate3A_22 : vector<200x128xf32>
    %add3A_82 = vector.broadcast %get3A_28 : vector<1x128xf32> to vector<200x128xf32>
    %add3A_83 = arith.addf %add3A_81, %add3A_82 : vector<200x128xf32>
    %max3A_84 = arith.constant 0.000000e+00 : f32
    %max3A_85 = vector.broadcast %max3A_84 : f32 to vector<200x128xf32>
    %max3A_86 = arith.maximumf %add3A_83, %max3A_85 : vector<200x128xf32>
    %dot_general3A_87 = arith.constant dense<0.000000e+00> : vector<200x128xf32>
    %dot_general3A_88 = tpu.matmul %max3A_86, %get3A_31, %dot_general3A_87 {dimension_numbers = #tpu.dot_dimension_numbers<[1], [0], [0], [1], [0, 0, 1, 1], [], []>, transpose_lhs_hint = false} : vector<200x128xf32>, vector<128x128xf32>, vector<200x128xf32> -> vector<200x128xf32>
    %add3A_89 = vector.broadcast %get3A_34 : vector<1x128xf32> to vector<200x128xf32>
    %add3A_90 = arith.addf %dot_general3A_88, %add3A_89 : vector<200x128xf32>
    %max3A_91 = arith.constant 0.000000e+00 : f32
    %max3A_92 = vector.broadcast %max3A_91 : f32 to vector<200x128xf32>
    %max3A_93 = arith.maximumf %add3A_90, %max3A_92 : vector<200x128xf32>
    %dot_general3A_94 = arith.constant dense<0.000000e+00> : vector<200x64xf32>
    %dot_general3A_95 = tpu.matmul %max3A_93, %get3A_37, %dot_general3A_94 {dimension_numbers = #tpu.dot_dimension_numbers<[1], [0], [0], [1], [0, 0, 1, 1], [], []>, transpose_lhs_hint = false} : vector<200x128xf32>, vector<128x64xf32>, vector<200x64xf32> -> vector<200x64xf32>
    %add3A_96 = vector.broadcast %get3A_40 : vector<1x64xf32> to vector<200x64xf32>
    %add3A_97 = arith.addf %dot_general3A_95, %add3A_96 : vector<200x64xf32>
    %max3A_98 = arith.constant 0.000000e+00 : f32
    %max3A_99 = vector.broadcast %max3A_98 : f32 to vector<200x64xf32>
    %max3A_100 = arith.maximumf %add3A_97, %max3A_99 : vector<200x64xf32>
    %dot_general3A_101 = arith.constant dense<0.000000e+00> : vector<200x64xf32>
    %dot_general3A_102 = tpu.matmul %max3A_100, %get3A_43, %dot_general3A_101 {dimension_numbers = #tpu.dot_dimension_numbers<[1], [0], [0], [1], [0, 0, 1, 1], [], []>, transpose_lhs_hint = false} : vector<200x64xf32>, vector<64x64xf32>, vector<200x64xf32> -> vector<200x64xf32>
    %add3A_103 = vector.broadcast %get3A_46 : vector<1x64xf32> to vector<200x64xf32>
    %add3A_104 = arith.addf %dot_general3A_102, %add3A_103 : vector<200x64xf32>
    %concatenate3A_105 = tpu.concatenate %add3A_73, %add3A_104 in 1 : vector<200x64xf32>, vector<200x64xf32> -> vector<200x128xf32>
    %swap3A = arith.constant 0 : index
    %swap3A_106 = arith.constant 0 : index
    %swap3A_107 = vector.load %arg13[%swap3A, %swap3A_106] : memref<200x128xf32, #tpu.memory_space<vmem>>, vector<200x128xf32>
    tpu.vector_store %arg13[%swap3A, %swap3A_106], %concatenate3A_105 {strides = array<i32>} : memref<200x128xf32, #tpu.memory_space<vmem>>, vector<200x128xf32>,
    %eq3A = arith.constant 0 : i32
    %eq3A_108 = arith.cmpi eq, %arg0, %eq3A : i32
    %convert_element_type3A = arith.extui %eq3A_108 : i1 to i32
    %cond3A = arith.constant 0 : i32
    %cond3A_109 = arith.cmpi ne, %convert_element_type3A, %cond3A : i32
    scf.if %cond3A_109 {
      %broadcast_in_dim3A_143 = arith.constant 0.000000e+00 : f32
      %broadcast_in_dim3A_144 = vector.broadcast %broadcast_in_dim3A_143 : f32 to vector<2x64xf32>
      %swap3A_145 = arith.constant 0 : index
      %swap3A_146 = arith.constant 0 : index
      %swap3A_147 = vector.load %arg15[%swap3A_145, %swap3A_146] : memref<2x64xf32, #tpu.memory_space<vmem>>, vector<2x64xf32>
      tpu.vector_store %arg15[%swap3A_145, %swap3A_146], %broadcast_in_dim3A_144 {strides = array<i32>} : memref<2x64xf32, #tpu.memory_space<vmem>>, vector<2x64xf32>,
    } else {
    }
    %get3A_110 = arith.constant 0 : index
    %get3A_111 = arith.constant 0 : index
    %get3A_112 = vector.load %arg15[%get3A_110, %get3A_111] : memref<2x64xf32, #tpu.memory_space<vmem>>, vector<1x64xf32>
    %reduce_sum3A = arith.constant dense<0.000000e+00> : vector<64xf32>
    %reduce_sum3A_113 = vector.multi_reduction <add>, %add3A_73, %reduce_sum3A [0] : vector<200x64xf32> to vector<64xf32>
    %broadcast_in_dim3A = vector.shape_cast %reduce_sum3A_113 : vector<64xf32> to vector<1x64xf32>
    %reduce_sum3A_114 = arith.constant dense<0.000000e+00> : vector<64xf32>
    %reduce_sum3A_115 = vector.multi_reduction <add>, %add3A_104, %reduce_sum3A_114 [0] : vector<200x64xf32> to vector<64xf32>
    %broadcast_in_dim3A_116 = vector.shape_cast %reduce_sum3A_115 : vector<64xf32> to vector<1x64xf32>
    %add3A_117 = arith.addf %broadcast_in_dim3A, %broadcast_in_dim3A_116 : vector<1x64xf32>
    %add3A_118 = arith.addf %get3A_112, %add3A_117 : vector<1x64xf32>
    %swap3A_119 = arith.constant 0 : index
    %swap3A_120 = arith.constant 0 : index
    %swap3A_121 = vector.load %arg15[%swap3A_119, %swap3A_120] : memref<2x64xf32, #tpu.memory_space<vmem>>, vector<1x64xf32>
    tpu.vector_store %arg15[%swap3A_119, %swap3A_120], %add3A_118 {strides = array<i32>} : memref<2x64xf32, #tpu.memory_space<vmem>>, vector<1x64xf32>,
    %get3A_122 = arith.constant 1 : index
    %get3A_123 = arith.constant 0 : index
    %get3A_124 = vector.load %arg15[%get3A_122, %get3A_123] : memref<2x64xf32, #tpu.memory_space<vmem>>, vector<1x64xf32>
    %mul3A_125 = arith.mulf %add3A_73, %add3A_73 : vector<200x64xf32>
    %reduce_sum3A_126 = arith.constant dense<0.000000e+00> : vector<64xf32>
    %reduce_sum3A_127 = vector.multi_reduction <add>, %mul3A_125, %reduce_sum3A_126 [0] : vector<200x64xf32> to vector<64xf32>
    %broadcast_in_dim3A_128 = vector.shape_cast %reduce_sum3A_127 : vector<64xf32> to vector<1x64xf32>
    %mul3A_129 = arith.mulf %add3A_104, %add3A_104 : vector<200x64xf32>
    %reduce_sum3A_130 = arith.constant dense<0.000000e+00> : vector<64xf32>
    %reduce_sum3A_131 = vector.multi_reduction <add>, %mul3A_129, %reduce_sum3A_130 [0] : vector<200x64xf32> to vector<64xf32>
    %broadcast_in_dim3A_132 = vector.shape_cast %reduce_sum3A_131 : vector<64xf32> to vector<1x64xf32>
    %add3A_133 = arith.addf %broadcast_in_dim3A_128, %broadcast_in_dim3A_132 : vector<1x64xf32>
    %add3A_134 = arith.addf %get3A_124, %add3A_133 : vector<1x64xf32>
    %swap3A_135 = arith.constant 1 : index
    %swap3A_136 = arith.constant 0 : index
    %swap3A_137 = vector.load %arg15[%swap3A_135, %swap3A_136] : memref<2x64xf32, #tpu.memory_space<vmem>>, vector<1x64xf32>
    tpu.vector_store %arg15[%swap3A_135, %swap3A_136], %add3A_134 {strides = array<i32>} : memref<2x64xf32, #tpu.memory_space<vmem>>, vector<1x64xf32>,
    %eq3A_138 = arith.constant 24 : i32
    %eq3A_139 = arith.cmpi eq, %arg0, %eq3A_138 : i32
    %convert_element_type3A_140 = arith.extui %eq3A_139 : i1 to i32
    %cond3A_141 = arith.constant 0 : i32
    %cond3A_142 = arith.cmpi ne, %convert_element_type3A_140, %cond3A_141 : i32
    scf.if %cond3A_142 {
      %get3A_143 = arith.constant 0 : index
      %get3A_144 = arith.constant 0 : index
      %get3A_145 = vector.load %arg15[%get3A_143, %get3A_144] : memref<2x64xf32, #tpu.memory_space<vmem>>, vector<1x64xf32>
      %mul3A_146 = arith.constant 9.99999974E-5 : f32
      %mul3A_147 = vector.broadcast %mul3A_146 : f32 to vector<1x64xf32>
      %mul3A_148 = arith.mulf %get3A_145, %mul3A_147 : vector<1x64xf32>
      %get3A_149 = arith.constant 1 : index
      %get3A_150 = arith.constant 0 : index
      %get3A_151 = vector.load %arg15[%get3A_149, %get3A_150] : memref<2x64xf32, #tpu.memory_space<vmem>>, vector<1x64xf32>
      %mul3A_152 = arith.constant 9.99999974E-5 : f32
      %mul3A_153 = vector.broadcast %mul3A_152 : f32 to vector<1x64xf32>
      %mul3A_154 = arith.mulf %get3A_151, %mul3A_153 : vector<1x64xf32>
      %mul3A_155 = arith.mulf %mul3A_148, %mul3A_148 : vector<1x64xf32>
      %sub3A = arith.subf %mul3A_154, %mul3A_155 : vector<1x64xf32>
      %get3A_156 = arith.constant 0 : index
      %get3A_157 = arith.constant 0 : index
      %get3A_158 = vector.load %arg12[%get3A_156, %get3A_157] : memref<2x64xf32, #tpu.memory_space<vmem>>, vector<1x64xf32>
      %add3A_159 = arith.constant 9.99999974E-6 : f32
      %add3A_160 = vector.broadcast %add3A_159 : f32 to vector<1x64xf32>
      %add3A_161 = arith.addf %sub3A, %add3A_160 : vector<1x64xf32>
      %rsqrt3A = math.rsqrt %add3A_161 : vector<1x64xf32>
      %mul3A_162 = arith.mulf %get3A_158, %rsqrt3A : vector<1x64xf32>
      %swap3A_163 = arith.constant 0 : index
      %swap3A_164 = arith.constant 0 : index
      %swap3A_165 = vector.load %arg14[%swap3A_163, %swap3A_164] : memref<2x64xf32, #tpu.memory_space<vmem>>, vector<1x64xf32>
      tpu.vector_store %arg14[%swap3A_163, %swap3A_164], %mul3A_162 {strides = array<i32>} : memref<2x64xf32, #tpu.memory_space<vmem>>, vector<1x64xf32>,
      %get3A_166 = arith.constant 1 : index
      %get3A_167 = arith.constant 0 : index
      %get3A_168 = vector.load %arg12[%get3A_166, %get3A_167] : memref<2x64xf32, #tpu.memory_space<vmem>>, vector<1x64xf32>
      %mul3A_169 = arith.mulf %mul3A_148, %mul3A_162 : vector<1x64xf32>
      %sub3A_170 = arith.subf %get3A_168, %mul3A_169 : vector<1x64xf32>
      %swap3A_171 = arith.constant 1 : index
      %swap3A_172 = arith.constant 0 : index
      %swap3A_173 = vector.load %arg14[%swap3A_171, %swap3A_172] : memref<2x64xf32, #tpu.memory_space<vmem>>, vector<1x64xf32>
      tpu.vector_store %arg14[%swap3A_171, %swap3A_172], %sub3A_170 {strides = array<i32>} : memref<2x64xf32, #tpu.memory_space<vmem>>, vector<1x64xf32>,
    } else {
    }
    return
  }
  func.func @transform_0(%arg0: i32) -> (i32, i32, i32) {
    %c0_i32 = arith.constant 0 : i32
    %c0_i32_0 = arith.constant 0 : i32
    %c0_i32_1 = arith.constant 0 : i32
    return %c0_i32, %arg0, %c0_i32_0 : i32, i32, i32
  }
  func.func @transform_1(%arg0: i32) -> (i32, i32, i32) {
    %c0_i32 = arith.constant 0 : i32
    %c0_i32_0 = arith.constant 0 : i32
    %c0_i32_1 = arith.constant 0 : i32
    return %c0_i32, %arg0, %c0_i32_0 : i32, i32, i32
  }
  func.func @transform_2(%arg0: i32) -> (i32, i32, i32) {
    %c1_i32 = arith.constant 1 : i32
    %c0_i32 = arith.constant 0 : i32
    %c0_i32_0 = arith.constant 0 : i32
    return %c1_i32, %arg0, %c0_i32 : i32, i32, i32
  }
  func.func @transform_3(%arg0: i32) -> (i32, i32) {
    %c0_i32 = arith.constant 0 : i32
    %c0_i32_0 = arith.constant 0 : i32
    %c0_i32_1 = arith.constant 0 : i32
    return %c0_i32, %c0_i32_0 : i32, i32
  }
  func.func @transform_4(%arg0: i32) -> (i32, i32) {
    %c0_i32 = arith.constant 0 : i32
    %c0_i32_0 = arith.constant 0 : i32
    %c0_i32_1 = arith.constant 0 : i32
    return %c0_i32, %c0_i32_0 : i32, i32
  }
  func.func @transform_5(%arg0: i32) -> (i32, i32) {
    %c0_i32 = arith.constant 0 : i32
    %c0_i32_0 = arith.constant 0 : i32
    %c0_i32_1 = arith.constant 0 : i32
    return %c0_i32, %c0_i32_0 : i32, i32
  }
  func.func @transform_6(%arg0: i32) -> (i32, i32) {
    %c0_i32 = arith.constant 0 : i32
    %c0_i32_0 = arith.constant 0 : i32
    %c0_i32_1 = arith.constant 0 : i32
    return %c0_i32, %c0_i32_0 : i32, i32
  }
  func.func @transform_7(%arg0: i32) -> (i32, i32) {
    %c0_i32 = arith.constant 0 : i32
    %c0_i32_0 = arith.constant 0 : i32
    %c0_i32_1 = arith.constant 0 : i32
    return %c0_i32, %c0_i32_0 : i32, i32
  }
  func.func @transform_8(%arg0: i32) -> (i32, i32) {
    %c0_i32 = arith.constant 0 : i32
    %c0_i32_0 = arith.constant 0 : i32
    %c0_i32_1 = arith.constant 0 : i32
    return %c0_i32, %c0_i32_0 : i32, i32
  }
  func.func @transform_9(%arg0: i32) -> (i32, i32) {
    %c0_i32 = arith.constant 0 : i32
    %c0_i32_0 = arith.constant 0 : i32
    %c0_i32_1 = arith.constant 0 : i32
    return %c0_i32, %c0_i32_0 : i32, i32
  }
  func.func @transform_10(%arg0: i32) -> (i32, i32) {
    %c0_i32 = arith.constant 0 : i32
    %c0_i32_0 = arith.constant 0 : i32
    %c0_i32_1 = arith.constant 0 : i32
    return %c0_i32, %c0_i32_0 : i32, i32
  }
  func.func @transform_11(%arg0: i32) -> (i32, i32) {
    %c0_i32 = arith.constant 0 : i32
    %c0_i32_0 = arith.constant 0 : i32
    %c0_i32_1 = arith.constant 0 : i32
    return %c0_i32, %c0_i32_0 : i32, i32
  }
  func.func @transform_12(%arg0: i32) -> (i32, i32) {
    %c0_i32 = arith.constant 0 : i32
    %c0_i32_0 = arith.constant 0 : i32
    return %arg0, %c0_i32 : i32, i32
  }
  func.func @transform_13(%arg0: i32) -> (i32, i32) {
    %c0_i32 = arith.constant 0 : i32
    %c0_i32_0 = arith.constant 0 : i32
    %c0_i32_1 = arith.constant 0 : i32
    return %c0_i32, %c0_i32_0 : i32, i32
  }
}

module attributes {stable_mosaic.version = 14 : i64} {
  func.func @_lin2_body(%arg0: i32, %arg1: memref<200x128xf32, #tpu.memory_space<vmem>>, %arg2: memref<2x64xf32, #tpu.memory_space<vmem>>, %arg3: memref<64x128xf32, #tpu.memory_space<vmem>>, %arg4: memref<2x200x128xf32, #tpu.memory_space<vmem>>) attributes {dimension_semantics = [#tpu.dimension_semantics<arbitrary>], iteration_bounds = array<i64: 25>, scalar_prefetch = 0 : i64, scratch_operands = 0 : i64, tpu.core_type = #tpu.core_type<tc>, window_params = [{transform_indices = @transform_0, window_bounds = array<i64: 200, 128>}, {pipeline_mode = #tpu.pipeline_mode<synchronous>, transform_indices = @transform_1, window_bounds = array<i64: 2, 64>}, {pipeline_mode = #tpu.pipeline_mode<synchronous>, transform_indices = @transform_2, window_bounds = array<i64: 64, 128>}, {transform_indices = @transform_3, window_bounds = array<i64: 2, 200, 128>}]} {
    %get3A = arith.constant 0 : index
    %get3A_0 = arith.constant 0 : index
    %get3A_1 = vector.load %arg2[%get3A, %get3A_0] : memref<2x64xf32, #tpu.memory_space<vmem>>, vector<1x64xf32>
    %get3A_2 = arith.constant 1 : index
    %get3A_3 = arith.constant 0 : index
    %get3A_4 = vector.load %arg2[%get3A_2, %get3A_3] : memref<2x64xf32, #tpu.memory_space<vmem>>, vector<1x64xf32>
    %get3A_5 = arith.constant 0 : index
    %get3A_6 = arith.constant 0 : index
    %get3A_7 = vector.load %arg1[%get3A_5, %get3A_6] : memref<200x128xf32, #tpu.memory_space<vmem>>, vector<200x64xf32>
    %mul3A = vector.broadcast %get3A_1 : vector<1x64xf32> to vector<200x64xf32>
    %mul3A_8 = arith.mulf %get3A_7, %mul3A : vector<200x64xf32>
    %add3A = vector.broadcast %get3A_4 : vector<1x64xf32> to vector<200x64xf32>
    %add3A_9 = arith.addf %mul3A_8, %add3A : vector<200x64xf32>
    %get3A_10 = arith.constant 0 : index
    %get3A_11 = arith.constant 64 : index
    %get3A_12 = vector.load %arg1[%get3A_10, %get3A_11] : memref<200x128xf32, #tpu.memory_space<vmem>>, vector<200x64xf32>
    %mul3A_13 = vector.broadcast %get3A_1 : vector<1x64xf32> to vector<200x64xf32>
    %mul3A_14 = arith.mulf %get3A_12, %mul3A_13 : vector<200x64xf32>
    %add3A_15 = vector.broadcast %get3A_4 : vector<1x64xf32> to vector<200x64xf32>
    %add3A_16 = arith.addf %mul3A_14, %add3A_15 : vector<200x64xf32>
    %get3A_17 = arith.constant 0 : index
    %get3A_18 = arith.constant 0 : index
    %get3A_19 = vector.load %arg3[%get3A_17, %get3A_18] : memref<64x128xf32, #tpu.memory_space<vmem>>, vector<64x128xf32>
    %dot_general3A = arith.constant dense<0.000000e+00> : vector<200x128xf32>
    %dot_general3A_20 = tpu.matmul %add3A_9, %get3A_19, %dot_general3A {dimension_numbers = #tpu.dot_dimension_numbers<[1], [0], [0], [1], [0, 0, 1, 1], [], []>, transpose_lhs_hint = false} : vector<200x64xf32>, vector<64x128xf32>, vector<200x128xf32> -> vector<200x128xf32>
    %swap3A = arith.constant 0 : index
    %swap3A_21 = arith.constant 0 : index
    %swap3A_22 = arith.constant 0 : index
    %swap3A_23 = vector.load %arg4[%swap3A, %swap3A_21, %swap3A_22] : memref<2x200x128xf32, #tpu.memory_space<vmem>>, vector<1x200x128xf32>
    %swap3A_24 = vector.shape_cast %swap3A_23 : vector<1x200x128xf32> to vector<200x128xf32>
    %swap3A_25 = vector.shape_cast %dot_general3A_20 : vector<200x128xf32> to vector<1x200x128xf32>
    tpu.vector_store %arg4[%swap3A, %swap3A_21, %swap3A_22], %swap3A_25 {strides = array<i32>} : memref<2x200x128xf32, #tpu.memory_space<vmem>>, vector<1x200x128xf32>,
    %dot_general3A_26 = arith.constant dense<0.000000e+00> : vector<200x128xf32>
    %dot_general3A_27 = tpu.matmul %add3A_16, %get3A_19, %dot_general3A_26 {dimension_numbers = #tpu.dot_dimension_numbers<[1], [0], [0], [1], [0, 0, 1, 1], [], []>, transpose_lhs_hint = false} : vector<200x64xf32>, vector<64x128xf32>, vector<200x128xf32> -> vector<200x128xf32>
    %swap3A_28 = arith.constant 1 : index
    %swap3A_29 = arith.constant 0 : index
    %swap3A_30 = arith.constant 0 : index
    %swap3A_31 = vector.load %arg4[%swap3A_28, %swap3A_29, %swap3A_30] : memref<2x200x128xf32, #tpu.memory_space<vmem>>, vector<1x200x128xf32>
    %swap3A_32 = vector.shape_cast %swap3A_31 : vector<1x200x128xf32> to vector<200x128xf32>
    %swap3A_33 = vector.shape_cast %dot_general3A_27 : vector<200x128xf32> to vector<1x200x128xf32>
    tpu.vector_store %arg4[%swap3A_28, %swap3A_29, %swap3A_30], %swap3A_33 {strides = array<i32>} : memref<2x200x128xf32, #tpu.memory_space<vmem>>, vector<1x200x128xf32>,
    return
  }
  func.func @transform_0(%arg0: i32) -> (i32, i32) {
    %c0_i32 = arith.constant 0 : i32
    %c0_i32_0 = arith.constant 0 : i32
    return %arg0, %c0_i32 : i32, i32
  }
  func.func @transform_1(%arg0: i32) -> (i32, i32) {
    %c0_i32 = arith.constant 0 : i32
    %c0_i32_0 = arith.constant 0 : i32
    %c0_i32_1 = arith.constant 0 : i32
    return %c0_i32, %c0_i32_0 : i32, i32
  }
  func.func @transform_2(%arg0: i32) -> (i32, i32) {
    %c0_i32 = arith.constant 0 : i32
    %c0_i32_0 = arith.constant 0 : i32
    %c0_i32_1 = arith.constant 0 : i32
    return %c0_i32, %c0_i32_0 : i32, i32
  }
  func.func @transform_3(%arg0: i32) -> (i32, i32, i32) {
    %c0_i32 = arith.constant 0 : i32
    %c0_i32_0 = arith.constant 0 : i32
    %c0_i32_1 = arith.constant 0 : i32
    return %c0_i32, %arg0, %c0_i32_0 : i32, i32, i32
  }
}

module attributes {stable_mosaic.version = 14 : i64} {
  func.func @_poolx_body(%arg0: i32, %arg1: memref<400x2xi32, #tpu.memory_space<vmem>>, %arg2: memref<400x652xf32, #tpu.memory_space<vmem>>, %arg3: memref<64x652xf32, #tpu.memory_space<vmem>>, %arg4: memref<64x8xf32, #tpu.memory_space<vmem>>) attributes {dimension_semantics = [#tpu.dimension_semantics<arbitrary>], iteration_bounds = array<i64: 25>, scalar_prefetch = 0 : i64, scratch_operands = 0 : i64, tpu.core_type = #tpu.core_type<tc>, window_params = [{transform_indices = @transform_0, window_bounds = array<i64: 400, 2>}, {transform_indices = @transform_1, window_bounds = array<i64: 400, 652>}, {pipeline_mode = #tpu.pipeline_mode<synchronous>, transform_indices = @transform_2, window_bounds = array<i64: 64, 652>}, {pipeline_mode = #tpu.pipeline_mode<synchronous>, transform_indices = @transform_3, window_bounds = array<i64: 64, 8>}]} {
    %eq3A = arith.constant 0 : i32
    %eq3A_0 = arith.cmpi eq, %arg0, %eq3A : i32
    %convert_element_type3A = arith.extui %eq3A_0 : i1 to i32
    %cond3A = arith.constant 0 : i32
    %cond3A_1 = arith.cmpi ne, %convert_element_type3A, %cond3A : i32
    scf.if %cond3A_1 {
      %broadcast_in_dim3A_27 = arith.constant 0.000000e+00 : f32
      %broadcast_in_dim3A_28 = vector.broadcast %broadcast_in_dim3A_27 : f32 to vector<64x652xf32>
      %swap3A_29 = arith.constant 0 : index
      %swap3A_30 = arith.constant 0 : index
      %swap3A_31 = vector.load %arg3[%swap3A_29, %swap3A_30] : memref<64x652xf32, #tpu.memory_space<vmem>>, vector<64x652xf32>
      tpu.vector_store %arg3[%swap3A_29, %swap3A_30], %broadcast_in_dim3A_28 {strides = array<i32>} : memref<64x652xf32, #tpu.memory_space<vmem>>, vector<64x652xf32>,
      %broadcast_in_dim3A_32 = arith.constant 0.000000e+00 : f32
      %broadcast_in_dim3A_33 = vector.broadcast %broadcast_in_dim3A_32 : f32 to vector<64x8xf32>
      %swap3A_34 = arith.constant 0 : index
      %swap3A_35 = arith.constant 0 : index
      %swap3A_36 = vector.load %arg4[%swap3A_34, %swap3A_35] : memref<64x8xf32, #tpu.memory_space<vmem>>, vector<64x8xf32>
      tpu.vector_store %arg4[%swap3A_34, %swap3A_35], %broadcast_in_dim3A_33 {strides = array<i32>} : memref<64x8xf32, #tpu.memory_space<vmem>>, vector<64x8xf32>,
    } else {
    }
    %iota3A = tpu.iota {dimensions = array<i32: 1>} : vector<400x64xi32>
    %get3A = arith.constant 0 : index
    %get3A_2 = arith.constant 1 : index
    %get3A_3 = vector.load %arg1[%get3A, %get3A_2] : memref<400x2xi32, #tpu.memory_space<vmem>>, vector<400x1xi32>
    %eq3A_4 = vector.broadcast %get3A_3 : vector<400x1xi32> to vector<400x64xi32>
    %eq3A_5 = arith.cmpi eq, %iota3A, %eq3A_4 : vector<400x64xi32>
    %convert_element_type3A_6 = arith.extui %eq3A_5 : vector<400x64xi1> to vector<400x64xi32>
    %convert_element_type3A_7 = arith.sitofp %convert_element_type3A_6 : vector<400x64xi32> to vector<400x64xf32>
    %get3A_8 = arith.constant 0 : index
    %get3A_9 = arith.constant 0 : index
    %get3A_10 = vector.load %arg3[%get3A_8, %get3A_9] : memref<64x652xf32, #tpu.memory_space<vmem>>, vector<64x652xf32>
    %get3A_11 = arith.constant 0 : index
    %get3A_12 = arith.constant 0 : index
    %get3A_13 = vector.load %arg2[%get3A_11, %get3A_12] : memref<400x652xf32, #tpu.memory_space<vmem>>, vector<400x652xf32>
    %dot_general3A = arith.constant dense<0.000000e+00> : vector<64x652xf32>
    %dot_general3A_14 = tpu.matmul %convert_element_type3A_7, %get3A_13, %dot_general3A {dimension_numbers = #tpu.dot_dimension_numbers<[0], [0], [1], [1], [0, 1, 1, 1], [], []>, transpose_lhs_hint = false} : vector<400x64xf32>, vector<400x652xf32>, vector<64x652xf32> -> vector<64x652xf32>
    %add3A = arith.addf %get3A_10, %dot_general3A_14 : vector<64x652xf32>
    %swap3A = arith.constant 0 : index
    %swap3A_15 = arith.constant 0 : index
    %swap3A_16 = vector.load %arg3[%swap3A, %swap3A_15] : memref<64x652xf32, #tpu.memory_space<vmem>>, vector<64x652xf32>
    tpu.vector_store %arg3[%swap3A, %swap3A_15], %add3A {strides = array<i32>} : memref<64x652xf32, #tpu.memory_space<vmem>>, vector<64x652xf32>,
    %broadcast_in_dim3A = arith.constant 1.000000e+00 : f32
    %broadcast_in_dim3A_17 = vector.broadcast %broadcast_in_dim3A : f32 to vector<400x8xf32>
    %get3A_18 = arith.constant 0 : index
    %get3A_19 = arith.constant 0 : index
    %get3A_20 = vector.load %arg4[%get3A_18, %get3A_19] : memref<64x8xf32, #tpu.memory_space<vmem>>, vector<64x8xf32>
    %dot_general3A_21 = arith.constant dense<0.000000e+00> : vector<64x8xf32>
    %dot_general3A_22 = tpu.matmul %convert_element_type3A_7, %broadcast_in_dim3A_17, %dot_general3A_21 {dimension_numbers = #tpu.dot_dimension_numbers<[0], [0], [1], [1], [0, 1, 1, 1], [], []>, transpose_lhs_hint = false} : vector<400x64xf32>, vector<400x8xf32>, vector<64x8xf32> -> vector<64x8xf32>
    %add3A_23 = arith.addf %get3A_20, %dot_general3A_22 : vector<64x8xf32>
    %swap3A_24 = arith.constant 0 : index
    %swap3A_25 = arith.constant 0 : index
    %swap3A_26 = vector.load %arg4[%swap3A_24, %swap3A_25] : memref<64x8xf32, #tpu.memory_space<vmem>>, vector<64x8xf32>
    tpu.vector_store %arg4[%swap3A_24, %swap3A_25], %add3A_23 {strides = array<i32>} : memref<64x8xf32, #tpu.memory_space<vmem>>, vector<64x8xf32>,
    return
  }
  func.func @transform_0(%arg0: i32) -> (i32, i32) {
    %c0_i32 = arith.constant 0 : i32
    %c0_i32_0 = arith.constant 0 : i32
    return %arg0, %c0_i32 : i32, i32
  }
  func.func @transform_1(%arg0: i32) -> (i32, i32) {
    %c0_i32 = arith.constant 0 : i32
    %c0_i32_0 = arith.constant 0 : i32
    return %arg0, %c0_i32 : i32, i32
  }
  func.func @transform_2(%arg0: i32) -> (i32, i32) {
    %c0_i32 = arith.constant 0 : i32
    %c0_i32_0 = arith.constant 0 : i32
    %c0_i32_1 = arith.constant 0 : i32
    return %c0_i32, %c0_i32_0 : i32, i32
  }
  func.func @transform_3(%arg0: i32) -> (i32, i32) {
    %c0_i32 = arith.constant 0 : i32
    %c0_i32_0 = arith.constant 0 : i32
    %c0_i32_1 = arith.constant 0 : i32
    return %c0_i32, %c0_i32_0 : i32, i32
  }
}

module attributes {stable_mosaic.version = 14 : i64} {
  func.func @_pool_body(%arg0: i32, %arg1: memref<400x2xi32, #tpu.memory_space<vmem>>, %arg2: memref<200x4xi32, #tpu.memory_space<vmem>>, %arg3: memref<200x128xf32, #tpu.memory_space<vmem>>, %arg4: memref<200x128xf32, #tpu.memory_space<vmem>>, %arg5: memref<200x128xf32, #tpu.memory_space<vmem>>, %arg6: memref<200x128xf32, #tpu.memory_space<vmem>>, %arg7: memref<64x256xf32, #tpu.memory_space<vmem>>, %arg8: memref<64x8xf32, #tpu.memory_space<vmem>>) attributes {dimension_semantics = [#tpu.dimension_semantics<arbitrary>], iteration_bounds = array<i64: 25>, scalar_prefetch = 0 : i64, scratch_operands = 0 : i64, tpu.core_type = #tpu.core_type<tc>, window_params = [{transform_indices = @transform_0, window_bounds = array<i64: 400, 2>}, {transform_indices = @transform_1, window_bounds = array<i64: 200, 4>}, {transform_indices = @transform_2, window_bounds = array<i64: 200, 128>}, {transform_indices = @transform_3, window_bounds = array<i64: 200, 128>}, {transform_indices = @transform_4, window_bounds = array<i64: 200, 128>}, {transform_indices = @transform_5, window_bounds = array<i64: 200, 128>}, {pipeline_mode = #tpu.pipeline_mode<synchronous>, transform_indices = @transform_6, window_bounds = array<i64: 64, 256>}, {pipeline_mode = #tpu.pipeline_mode<synchronous>, transform_indices = @transform_7, window_bounds = array<i64: 64, 8>}]} {
    %eq3A = arith.constant 0 : i32
    %eq3A_0 = arith.cmpi eq, %arg0, %eq3A : i32
    %convert_element_type3A = arith.extui %eq3A_0 : i1 to i32
    %cond3A = arith.constant 0 : i32
    %cond3A_1 = arith.cmpi ne, %convert_element_type3A, %cond3A : i32
    scf.if %cond3A_1 {
      %broadcast_in_dim3A_97 = arith.constant 0.000000e+00 : f32
      %broadcast_in_dim3A_98 = vector.broadcast %broadcast_in_dim3A_97 : f32 to vector<64x256xf32>
      %swap3A_99 = arith.constant 0 : index
      %swap3A_100 = arith.constant 0 : index
      %swap3A_101 = vector.load %arg7[%swap3A_99, %swap3A_100] : memref<64x256xf32, #tpu.memory_space<vmem>>, vector<64x256xf32>
      tpu.vector_store %arg7[%swap3A_99, %swap3A_100], %broadcast_in_dim3A_98 {strides = array<i32>} : memref<64x256xf32, #tpu.memory_space<vmem>>, vector<64x256xf32>,
      %broadcast_in_dim3A_102 = arith.constant 0.000000e+00 : f32
      %broadcast_in_dim3A_103 = vector.broadcast %broadcast_in_dim3A_102 : f32 to vector<64x8xf32>
      %swap3A_104 = arith.constant 0 : index
      %swap3A_105 = arith.constant 0 : index
      %swap3A_106 = vector.load %arg8[%swap3A_104, %swap3A_105] : memref<64x8xf32, #tpu.memory_space<vmem>>, vector<64x8xf32>
      tpu.vector_store %arg8[%swap3A_104, %swap3A_105], %broadcast_in_dim3A_103 {strides = array<i32>} : memref<64x8xf32, #tpu.memory_space<vmem>>, vector<64x8xf32>,
    } else {
    }
    %iota3A = tpu.iota {dimensions = array<i32: 1>} : vector<400x64xi32>
    %iota3A_2 = tpu.iota {dimensions = array<i32: 1>} : vector<200x64xi32>
    %get3A = arith.constant 0 : index
    %get3A_3 = arith.constant 0 : index
    %get3A_4 = vector.load %arg1[%get3A, %get3A_3] : memref<400x2xi32, #tpu.memory_space<vmem>>, vector<400x1xi32>
    %eq3A_5 = vector.broadcast %get3A_4 : vector<400x1xi32> to vector<400x64xi32>
    %eq3A_6 = arith.cmpi eq, %iota3A, %eq3A_5 : vector<400x64xi32>
    %convert_element_type3A_7 = arith.extui %eq3A_6 : vector<400x64xi1> to vector<400x64xi32>
    %convert_element_type3A_8 = arith.sitofp %convert_element_type3A_7 : vector<400x64xi32> to vector<400x64xf32>
    %get3A_9 = arith.constant 0 : index
    %get3A_10 = arith.constant 0 : index
    %get3A_11 = vector.load %arg2[%get3A_9, %get3A_10] : memref<200x4xi32, #tpu.memory_space<vmem>>, vector<200x1xi32>
    %eq3A_12 = vector.broadcast %get3A_11 : vector<200x1xi32> to vector<200x64xi32>
    %eq3A_13 = arith.cmpi eq, %iota3A_2, %eq3A_12 : vector<200x64xi32>
    %convert_element_type3A_14 = arith.extui %eq3A_13 : vector<200x64xi1> to vector<200x64xi32>
    %convert_element_type3A_15 = arith.sitofp %convert_element_type3A_14 : vector<200x64xi32> to vector<200x64xf32>
    %get3A_16 = arith.constant 0 : index
    %get3A_17 = arith.constant 2 : index
    %get3A_18 = vector.load %arg2[%get3A_16, %get3A_17] : memref<200x4xi32, #tpu.memory_space<vmem>>, vector<200x1xi32>
    %eq3A_19 = vector.broadcast %get3A_18 : vector<200x1xi32> to vector<200x64xi32>
    %eq3A_20 = arith.cmpi eq, %iota3A_2, %eq3A_19 : vector<200x64xi32>
    %convert_element_type3A_21 = arith.extui %eq3A_20 : vector<200x64xi1> to vector<200x64xi32>
    %convert_element_type3A_22 = arith.sitofp %convert_element_type3A_21 : vector<200x64xi32> to vector<200x64xf32>
    %get3A_23 = arith.constant 0 : index
    %get3A_24 = arith.constant 0 : index
    %get3A_25 = vector.load %arg3[%get3A_23, %get3A_24] : memref<200x128xf32, #tpu.memory_space<vmem>>, vector<200x128xf32>
    %get3A_26 = arith.constant 0 : index
    %get3A_27 = arith.constant 0 : index
    %get3A_28 = vector.load %arg7[%get3A_26, %get3A_27] : memref<64x256xf32, #tpu.memory_space<vmem>>, vector<64x64xf32>
    %slice3A = vector.extract_strided_slice %get3A_25 {offsets = [0, 0], sizes = [200, 64], strides = [1, 1]} : vector<200x128xf32> to vector<200x64xf32>
    %dot_general3A = arith.constant dense<0.000000e+00> : vector<64x64xf32>
    %dot_general3A_29 = tpu.matmul %convert_element_type3A_15, %slice3A, %dot_general3A {dimension_numbers = #tpu.dot_dimension_numbers<[0], [0], [1], [1], [0, 1, 1, 1], [], []>, transpose_lhs_hint = false} : vector<200x64xf32>, vector<200x64xf32>, vector<64x64xf32> -> vector<64x64xf32>
    %slice3A_30 = vector.extract_strided_slice %get3A_25 {offsets = [0, 64], sizes = [200, 64], strides = [1, 1]} : vector<200x128xf32> to vector<200x64xf32>
    %dot_general3A_31 = arith.constant dense<0.000000e+00> : vector<64x64xf32>
    %dot_general3A_32 = tpu.matmul %convert_element_type3A_22, %slice3A_30, %dot_general3A_31 {dimension_numbers = #tpu.dot_dimension_numbers<[0], [0], [1], [1], [0, 1, 1, 1], [], []>, transpose_lhs_hint = false} : vector<200x64xf32>, vector<200x64xf32>, vector<64x64xf32> -> vector<64x64xf32>
    %add3A = arith.addf %dot_general3A_29, %dot_general3A_32 : vector<64x64xf32>
    %add3A_33 = arith.addf %get3A_28, %add3A : vector<64x64xf32>
    %swap3A = arith.constant 0 : index
    %swap3A_34 = arith.constant 0 : index
    %swap3A_35 = vector.load %arg7[%swap3A, %swap3A_34] : memref<64x256xf32, #tpu.memory_space<vmem>>, vector<64x64xf32>
    tpu.vector_store %arg7[%swap3A, %swap3A_34], %add3A_33 {strides = array<i32>} : memref<64x256xf32, #tpu.memory_space<vmem>>, vector<64x64xf32>,
    %get3A_36 = arith.constant 0 : index
    %get3A_37 = arith.constant 0 : index
    %get3A_38 = vector.load %arg4[%get3A_36, %get3A_37] : memref<200x128xf32, #tpu.memory_space<vmem>>, vector<200x128xf32>
    %get3A_39 = arith.constant 0 : index
    %get3A_40 = arith.constant 64 : index
    %get3A_41 = vector.load %arg7[%get3A_39, %get3A_40] : memref<64x256xf32, #tpu.memory_space<vmem>>, vector<64x64xf32>
    %slice3A_42 = vector.extract_strided_slice %get3A_38 {offsets = [0, 0], sizes = [200, 64], strides = [1, 1]} : vector<200x128xf32> to vector<200x64xf32>
    %dot_general3A_43 = arith.constant dense<0.000000e+00> : vector<64x64xf32>
    %dot_general3A_44 = tpu.matmul %convert_element_type3A_15, %slice3A_42, %dot_general3A_43 {dimension_numbers = #tpu.dot_dimension_numbers<[0], [0], [1], [1], [0, 1, 1, 1], [], []>, transpose_lhs_hint = false} : vector<200x64xf32>, vector<200x64xf32>, vector<64x64xf32> -> vector<64x64xf32>
    %slice3A_45 = vector.extract_strided_slice %get3A_38 {offsets = [0, 64], sizes = [200, 64], strides = [1, 1]} : vector<200x128xf32> to vector<200x64xf32>
    %dot_general3A_46 = arith.constant dense<0.000000e+00> : vector<64x64xf32>
    %dot_general3A_47 = tpu.matmul %convert_element_type3A_22, %slice3A_45, %dot_general3A_46 {dimension_numbers = #tpu.dot_dimension_numbers<[0], [0], [1], [1], [0, 1, 1, 1], [], []>, transpose_lhs_hint = false} : vector<200x64xf32>, vector<200x64xf32>, vector<64x64xf32> -> vector<64x64xf32>
    %add3A_48 = arith.addf %dot_general3A_44, %dot_general3A_47 : vector<64x64xf32>
    %add3A_49 = arith.addf %get3A_41, %add3A_48 : vector<64x64xf32>
    %swap3A_50 = arith.constant 0 : index
    %swap3A_51 = arith.constant 64 : index
    %swap3A_52 = vector.load %arg7[%swap3A_50, %swap3A_51] : memref<64x256xf32, #tpu.memory_space<vmem>>, vector<64x64xf32>
    tpu.vector_store %arg7[%swap3A_50, %swap3A_51], %add3A_49 {strides = array<i32>} : memref<64x256xf32, #tpu.memory_space<vmem>>, vector<64x64xf32>,
    %get3A_53 = arith.constant 0 : index
    %get3A_54 = arith.constant 0 : index
    %get3A_55 = vector.load %arg5[%get3A_53, %get3A_54] : memref<200x128xf32, #tpu.memory_space<vmem>>, vector<200x128xf32>
    %get3A_56 = arith.constant 0 : index
    %get3A_57 = arith.constant 128 : index
    %get3A_58 = vector.load %arg7[%get3A_56, %get3A_57] : memref<64x256xf32, #tpu.memory_space<vmem>>, vector<64x64xf32>
    %slice3A_59 = vector.extract_strided_slice %get3A_55 {offsets = [0, 0], sizes = [200, 64], strides = [1, 1]} : vector<200x128xf32> to vector<200x64xf32>
    %dot_general3A_60 = arith.constant dense<0.000000e+00> : vector<64x64xf32>
    %dot_general3A_61 = tpu.matmul %convert_element_type3A_15, %slice3A_59, %dot_general3A_60 {dimension_numbers = #tpu.dot_dimension_numbers<[0], [0], [1], [1], [0, 1, 1, 1], [], []>, transpose_lhs_hint = false} : vector<200x64xf32>, vector<200x64xf32>, vector<64x64xf32> -> vector<64x64xf32>
    %slice3A_62 = vector.extract_strided_slice %get3A_55 {offsets = [0, 64], sizes = [200, 64], strides = [1, 1]} : vector<200x128xf32> to vector<200x64xf32>
    %dot_general3A_63 = arith.constant dense<0.000000e+00> : vector<64x64xf32>
    %dot_general3A_64 = tpu.matmul %convert_element_type3A_22, %slice3A_62, %dot_general3A_63 {dimension_numbers = #tpu.dot_dimension_numbers<[0], [0], [1], [1], [0, 1, 1, 1], [], []>, transpose_lhs_hint = false} : vector<200x64xf32>, vector<200x64xf32>, vector<64x64xf32> -> vector<64x64xf32>
    %add3A_65 = arith.addf %dot_general3A_61, %dot_general3A_64 : vector<64x64xf32>
    %add3A_66 = arith.addf %get3A_58, %add3A_65 : vector<64x64xf32>
    %swap3A_67 = arith.constant 0 : index
    %swap3A_68 = arith.constant 128 : index
    %swap3A_69 = vector.load %arg7[%swap3A_67, %swap3A_68] : memref<64x256xf32, #tpu.memory_space<vmem>>, vector<64x64xf32>
    tpu.vector_store %arg7[%swap3A_67, %swap3A_68], %add3A_66 {strides = array<i32>} : memref<64x256xf32, #tpu.memory_space<vmem>>, vector<64x64xf32>,
    %get3A_70 = arith.constant 0 : index
    %get3A_71 = arith.constant 0 : index
    %get3A_72 = vector.load %arg6[%get3A_70, %get3A_71] : memref<200x128xf32, #tpu.memory_space<vmem>>, vector<200x128xf32>
    %get3A_73 = arith.constant 0 : index
    %get3A_74 = arith.constant 192 : index
    %get3A_75 = vector.load %arg7[%get3A_73, %get3A_74] : memref<64x256xf32, #tpu.memory_space<vmem>>, vector<64x64xf32>
    %slice3A_76 = vector.extract_strided_slice %get3A_72 {offsets = [0, 0], sizes = [200, 64], strides = [1, 1]} : vector<200x128xf32> to vector<200x64xf32>
    %dot_general3A_77 = arith.constant dense<0.000000e+00> : vector<64x64xf32>
    %dot_general3A_78 = tpu.matmul %convert_element_type3A_15, %slice3A_76, %dot_general3A_77 {dimension_numbers = #tpu.dot_dimension_numbers<[0], [0], [1], [1], [0, 1, 1, 1], [], []>, transpose_lhs_hint = false} : vector<200x64xf32>, vector<200x64xf32>, vector<64x64xf32> -> vector<64x64xf32>
    %slice3A_79 = vector.extract_strided_slice %get3A_72 {offsets = [0, 64], sizes = [200, 64], strides = [1, 1]} : vector<200x128xf32> to vector<200x64xf32>
    %dot_general3A_80 = arith.constant dense<0.000000e+00> : vector<64x64xf32>
    %dot_general3A_81 = tpu.matmul %convert_element_type3A_22, %slice3A_79, %dot_general3A_80 {dimension_numbers = #tpu.dot_dimension_numbers<[0], [0], [1], [1], [0, 1, 1, 1], [], []>, transpose_lhs_hint = false} : vector<200x64xf32>, vector<200x64xf32>, vector<64x64xf32> -> vector<64x64xf32>
    %add3A_82 = arith.addf %dot_general3A_78, %dot_general3A_81 : vector<64x64xf32>
    %add3A_83 = arith.addf %get3A_75, %add3A_82 : vector<64x64xf32>
    %swap3A_84 = arith.constant 0 : index
    %swap3A_85 = arith.constant 192 : index
    %swap3A_86 = vector.load %arg7[%swap3A_84, %swap3A_85] : memref<64x256xf32, #tpu.memory_space<vmem>>, vector<64x64xf32>
    tpu.vector_store %arg7[%swap3A_84, %swap3A_85], %add3A_83 {strides = array<i32>} : memref<64x256xf32, #tpu.memory_space<vmem>>, vector<64x64xf32>,
    %broadcast_in_dim3A = arith.constant 1.000000e+00 : f32
    %broadcast_in_dim3A_87 = vector.broadcast %broadcast_in_dim3A : f32 to vector<400x8xf32>
    %get3A_88 = arith.constant 0 : index
    %get3A_89 = arith.constant 0 : index
    %get3A_90 = vector.load %arg8[%get3A_88, %get3A_89] : memref<64x8xf32, #tpu.memory_space<vmem>>, vector<64x8xf32>
    %dot_general3A_91 = arith.constant dense<0.000000e+00> : vector<64x8xf32>
    %dot_general3A_92 = tpu.matmul %convert_element_type3A_8, %broadcast_in_dim3A_87, %dot_general3A_91 {dimension_numbers = #tpu.dot_dimension_numbers<[0], [0], [1], [1], [0, 1, 1, 1], [], []>, transpose_lhs_hint = false} : vector<400x64xf32>, vector<400x8xf32>, vector<64x8xf32> -> vector<64x8xf32>
    %add3A_93 = arith.addf %get3A_90, %dot_general3A_92 : vector<64x8xf32>
    %swap3A_94 = arith.constant 0 : index
    %swap3A_95 = arith.constant 0 : index
    %swap3A_96 = vector.load %arg8[%swap3A_94, %swap3A_95] : memref<64x8xf32, #tpu.memory_space<vmem>>, vector<64x8xf32>
    tpu.vector_store %arg8[%swap3A_94, %swap3A_95], %add3A_93 {strides = array<i32>} : memref<64x8xf32, #tpu.memory_space<vmem>>, vector<64x8xf32>,
    return
  }
  func.func @transform_0(%arg0: i32) -> (i32, i32) {
    %c0_i32 = arith.constant 0 : i32
    %c0_i32_0 = arith.constant 0 : i32
    return %arg0, %c0_i32 : i32, i32
  }
  func.func @transform_1(%arg0: i32) -> (i32, i32) {
    %c0_i32 = arith.constant 0 : i32
    %c0_i32_0 = arith.constant 0 : i32
    return %arg0, %c0_i32 : i32, i32
  }
  func.func @transform_2(%arg0: i32) -> (i32, i32) {
    %c0_i32 = arith.constant 0 : i32
    %c0_i32_0 = arith.constant 0 : i32
    return %arg0, %c0_i32 : i32, i32
  }
  func.func @transform_3(%arg0: i32) -> (i32, i32) {
    %c0_i32 = arith.constant 0 : i32
    %c0_i32_0 = arith.constant 0 : i32
    return %arg0, %c0_i32 : i32, i32
  }
  func.func @transform_4(%arg0: i32) -> (i32, i32) {
    %c0_i32 = arith.constant 0 : i32
    %c0_i32_0 = arith.constant 0 : i32
    return %arg0, %c0_i32 : i32, i32
  }
  func.func @transform_5(%arg0: i32) -> (i32, i32) {
    %c0_i32 = arith.constant 0 : i32
    %c0_i32_0 = arith.constant 0 : i32
    return %arg0, %c0_i32 : i32, i32
  }
  func.func @transform_6(%arg0: i32) -> (i32, i32) {
    %c0_i32 = arith.constant 0 : i32
    %c0_i32_0 = arith.constant 0 : i32
    %c0_i32_1 = arith.constant 0 : i32
    return %c0_i32, %c0_i32_0 : i32, i32
  }
  func.func @transform_7(%arg0: i32) -> (i32, i32) {
    %c0_i32 = arith.constant 0 : i32
    %c0_i32_0 = arith.constant 0 : i32
    %c0_i32_1 = arith.constant 0 : i32
    return %c0_i32, %c0_i32_0 : i32, i32
  }
}

module attributes {stable_mosaic.version = 14 : i64} {
  func.func @_final_body(%arg0: memref<64x256xf32, #tpu.memory_space<vmem>>, %arg1: memref<64x652xf32, #tpu.memory_space<vmem>>, %arg2: memref<64x8xf32, #tpu.memory_space<vmem>>, %arg3: memref<64x8xf32, #tpu.memory_space<vmem>>, %arg4: memref<1x256xf32, #tpu.memory_space<vmem>>, %arg5: memref<1x256xf32, #tpu.memory_space<vmem>>, %arg6: memref<256x64xf32, #tpu.memory_space<vmem>>, %arg7: memref<652x64xf32, #tpu.memory_space<vmem>>, %arg8: memref<1x64xf32, #tpu.memory_space<vmem>>, %arg9: memref<64x64xf32, #tpu.memory_space<vmem>>, %arg10: memref<1x64xf32, #tpu.memory_space<vmem>>, %arg11: memref<64x64xf32, #tpu.memory_space<vmem>>, %arg12: memref<1x64xf32, #tpu.memory_space<vmem>>, %arg13: memref<64x128xf32, #tpu.memory_space<vmem>>, %arg14: memref<1x128xf32, #tpu.memory_space<vmem>>, %arg15: memref<64x128xf32, #tpu.memory_space<vmem>>) attributes {dimension_semantics = [], scalar_prefetch = 0 : i64, scratch_operands = 0 : i64, tpu.core_type = #tpu.core_type<tc>} {
    %get3A = arith.constant 0 : index
    %get3A_0 = arith.constant 0 : index
    %get3A_1 = vector.load %arg3[%get3A, %get3A_0] : memref<64x8xf32, #tpu.memory_space<vmem>>, vector<64x1xf32>
    %get3A_2 = arith.constant 0 : index
    %get3A_3 = arith.constant 0 : index
    %get3A_4 = vector.load %arg2[%get3A_2, %get3A_3] : memref<64x8xf32, #tpu.memory_space<vmem>>, vector<64x1xf32>
    %gt3A = arith.constant 0.000000e+00 : f32
    %gt3A_5 = vector.broadcast %gt3A : f32 to vector<64x1xf32>
    %gt3A_6 = arith.cmpf ogt, %get3A_1, %gt3A_5 : vector<64x1xf32>
    %convert_element_type3A = arith.extui %gt3A_6 : vector<64x1xi1> to vector<64x1xi32>
    %convert_element_type3A_7 = arith.sitofp %convert_element_type3A : vector<64x1xi32> to vector<64x1xf32>
    %get3A_8 = arith.constant 0 : index
    %get3A_9 = arith.constant 0 : index
    %get3A_10 = vector.load %arg0[%get3A_8, %get3A_9] : memref<64x256xf32, #tpu.memory_space<vmem>>, vector<64x256xf32>
    %max3A = arith.constant 1.000000e+00 : f32
    %max3A_11 = vector.broadcast %max3A : f32 to vector<64x1xf32>
    %max3A_12 = arith.maximumf %get3A_1, %max3A_11 : vector<64x1xf32>
    %div3A = vector.broadcast %max3A_12 : vector<64x1xf32> to vector<64x256xf32>
    %div3A_13 = arith.divf %get3A_10, %div3A : vector<64x256xf32>
    %get3A_14 = arith.constant 0 : index
    %get3A_15 = arith.constant 0 : index
    %get3A_16 = vector.load %arg4[%get3A_14, %get3A_15] : memref<1x256xf32, #tpu.memory_space<vmem>>, vector<1x256xf32>
    %mul3A = vector.broadcast %get3A_16 : vector<1x256xf32> to vector<64x256xf32>
    %mul3A_17 = arith.mulf %div3A_13, %mul3A : vector<64x256xf32>
    %get3A_18 = arith.constant 0 : index
    %get3A_19 = arith.constant 0 : index
    %get3A_20 = vector.load %arg5[%get3A_18, %get3A_19] : memref<1x256xf32, #tpu.memory_space<vmem>>, vector<1x256xf32>
    %add3A = vector.broadcast %get3A_20 : vector<1x256xf32> to vector<64x256xf32>
    %add3A_21 = arith.addf %mul3A_17, %add3A : vector<64x256xf32>
    %mul3A_22 = vector.broadcast %convert_element_type3A_7 : vector<64x1xf32> to vector<64x256xf32>
    %mul3A_23 = arith.mulf %add3A_21, %mul3A_22 : vector<64x256xf32>
    %get3A_24 = arith.constant 0 : index
    %get3A_25 = arith.constant 0 : index
    %get3A_26 = vector.load %arg1[%get3A_24, %get3A_25] : memref<64x652xf32, #tpu.memory_space<vmem>>, vector<64x652xf32>
    %max3A_27 = arith.constant 1.000000e+00 : f32
    %max3A_28 = vector.broadcast %max3A_27 : f32 to vector<64x1xf32>
    %max3A_29 = arith.maximumf %get3A_4, %max3A_28 : vector<64x1xf32>
    %div3A_30 = vector.broadcast %max3A_29 : vector<64x1xf32> to vector<64x652xf32>
    %div3A_31 = arith.divf %get3A_26, %div3A_30 : vector<64x652xf32>
    %get3A_32 = arith.constant 0 : index
    %get3A_33 = arith.constant 0 : index
    %get3A_34 = vector.load %arg6[%get3A_32, %get3A_33] : memref<256x64xf32, #tpu.memory_space<vmem>>, vector<256x64xf32>
    %dot_general3A = arith.constant dense<0.000000e+00> : vector<64x64xf32>
    %dot_general3A_35 = tpu.matmul %mul3A_23, %get3A_34, %dot_general3A {dimension_numbers = #tpu.dot_dimension_numbers<[1], [0], [0], [1], [0, 0, 1, 1], [], []>, transpose_lhs_hint = false} : vector<64x256xf32>, vector<256x64xf32>, vector<64x64xf32> -> vector<64x64xf32>
    %get3A_36 = arith.constant 0 : index
    %get3A_37 = arith.constant 0 : index
    %get3A_38 = vector.load %arg7[%get3A_36, %get3A_37] : memref<652x64xf32, #tpu.memory_space<vmem>>, vector<652x64xf32>
    %dot_general3A_39 = arith.constant dense<0.000000e+00> : vector<64x64xf32>
    %dot_general3A_40 = tpu.matmul %div3A_31, %get3A_38, %dot_general3A_39 {dimension_numbers = #tpu.dot_dimension_numbers<[1], [0], [0], [1], [0, 0, 1, 1], [], []>, transpose_lhs_hint = false} : vector<64x652xf32>, vector<652x64xf32>, vector<64x64xf32> -> vector<64x64xf32>
    %add3A_41 = arith.addf %dot_general3A_35, %dot_general3A_40 : vector<64x64xf32>
    %get3A_42 = arith.constant 0 : index
    %get3A_43 = arith.constant 0 : index
    %get3A_44 = vector.load %arg8[%get3A_42, %get3A_43] : memref<1x64xf32, #tpu.memory_space<vmem>>, vector<1x64xf32>
    %add3A_45 = vector.broadcast %get3A_44 : vector<1x64xf32> to vector<64x64xf32>
    %add3A_46 = arith.addf %add3A_41, %add3A_45 : vector<64x64xf32>
    %max3A_47 = arith.constant 0.000000e+00 : f32
    %max3A_48 = vector.broadcast %max3A_47 : f32 to vector<64x64xf32>
    %max3A_49 = arith.maximumf %add3A_46, %max3A_48 : vector<64x64xf32>
    %get3A_50 = arith.constant 0 : index
    %get3A_51 = arith.constant 0 : index
    %get3A_52 = vector.load %arg9[%get3A_50, %get3A_51] : memref<64x64xf32, #tpu.memory_space<vmem>>, vector<64x64xf32>
    %dot_general3A_53 = arith.constant dense<0.000000e+00> : vector<64x64xf32>
    %dot_general3A_54 = tpu.matmul %max3A_49, %get3A_52, %dot_general3A_53 {dimension_numbers = #tpu.dot_dimension_numbers<[1], [0], [0], [1], [0, 0, 1, 1], [], []>, transpose_lhs_hint = false} : vector<64x64xf32>, vector<64x64xf32>, vector<64x64xf32> -> vector<64x64xf32>
    %get3A_55 = arith.constant 0 : index
    %get3A_56 = arith.constant 0 : index
    %get3A_57 = vector.load %arg10[%get3A_55, %get3A_56] : memref<1x64xf32, #tpu.memory_space<vmem>>, vector<1x64xf32>
    %add3A_58 = vector.broadcast %get3A_57 : vector<1x64xf32> to vector<64x64xf32>
    %add3A_59 = arith.addf %dot_general3A_54, %add3A_58 : vector<64x64xf32>
    %max3A_60 = arith.constant 0.000000e+00 : f32
    %max3A_61 = vector.broadcast %max3A_60 : f32 to vector<64x64xf32>
    %max3A_62 = arith.maximumf %add3A_59, %max3A_61 : vector<64x64xf32>
    %get3A_63 = arith.constant 0 : index
    %get3A_64 = arith.constant 0 : index
    %get3A_65 = vector.load %arg11[%get3A_63, %get3A_64] : memref<64x64xf32, #tpu.memory_space<vmem>>, vector<64x64xf32>
    %dot_general3A_66 = arith.constant dense<0.000000e+00> : vector<64x64xf32>
    %dot_general3A_67 = tpu.matmul %max3A_62, %get3A_65, %dot_general3A_66 {dimension_numbers = #tpu.dot_dimension_numbers<[1], [0], [0], [1], [0, 0, 1, 1], [], []>, transpose_lhs_hint = false} : vector<64x64xf32>, vector<64x64xf32>, vector<64x64xf32> -> vector<64x64xf32>
    %get3A_68 = arith.constant 0 : index
    %get3A_69 = arith.constant 0 : index
    %get3A_70 = vector.load %arg12[%get3A_68, %get3A_69] : memref<1x64xf32, #tpu.memory_space<vmem>>, vector<1x64xf32>
    %add3A_71 = vector.broadcast %get3A_70 : vector<1x64xf32> to vector<64x64xf32>
    %add3A_72 = arith.addf %dot_general3A_67, %add3A_71 : vector<64x64xf32>
    %max3A_73 = arith.constant 0.000000e+00 : f32
    %max3A_74 = vector.broadcast %max3A_73 : f32 to vector<64x64xf32>
    %max3A_75 = arith.maximumf %add3A_72, %max3A_74 : vector<64x64xf32>
    %get3A_76 = arith.constant 0 : index
    %get3A_77 = arith.constant 0 : index
    %get3A_78 = vector.load %arg13[%get3A_76, %get3A_77] : memref<64x128xf32, #tpu.memory_space<vmem>>, vector<64x128xf32>
    %dot_general3A_79 = arith.constant dense<0.000000e+00> : vector<64x128xf32>
    %dot_general3A_80 = tpu.matmul %max3A_75, %get3A_78, %dot_general3A_79 {dimension_numbers = #tpu.dot_dimension_numbers<[1], [0], [0], [1], [0, 0, 1, 1], [], []>, transpose_lhs_hint = false} : vector<64x64xf32>, vector<64x128xf32>, vector<64x128xf32> -> vector<64x128xf32>
    %get3A_81 = arith.constant 0 : index
    %get3A_82 = arith.constant 0 : index
    %get3A_83 = vector.load %arg14[%get3A_81, %get3A_82] : memref<1x128xf32, #tpu.memory_space<vmem>>, vector<1x128xf32>
    %add3A_84 = vector.broadcast %get3A_83 : vector<1x128xf32> to vector<64x128xf32>
    %add3A_85 = arith.addf %dot_general3A_80, %add3A_84 : vector<64x128xf32>
    %swap3A = arith.constant 0 : index
    %swap3A_86 = arith.constant 0 : index
    %swap3A_87 = vector.load %arg15[%swap3A, %swap3A_86] : memref<64x128xf32, #tpu.memory_space<vmem>>, vector<64x128xf32>
    tpu.vector_store %arg15[%swap3A, %swap3A_86], %add3A_85 {strides = array<i32>} : memref<64x128xf32, #tpu.memory_space<vmem>>, vector<64x128xf32>,
    return
  }
}

</mosaic_0001>

<sc_bundles>
// kernel: kernel.18.cloned.1.call-start
scs
__scs_entry_jumppad:
0x0: {  	(pc) =	sbr.rel $0x88, $3  }
0x1: {  	(tag) =	ssettag $0x0;
	lr =	simm.s32 $0x1  }
0x2: {  	[smem:$0x3F53] =	sst lr;
	_ =	strace $0xD0000000  }
0x3: {  	_ = 	snop  }
0x4: {  	_ = 	snop  }
0x5: {  	_ = 	snop  }
0x6: {  	_ = 	snop  }
0x7: {  	_ = 	snop  }
__scs_overlays_trampoline_lowered:
0x8: {  	[smem:$0x3F62] =	sst s0  }
0x9: {  	[smem:$0x3F63] =	sst s1  }
0xa: {  	[smem:$0x3F64] =	sst s2  }
0xb: {  	[smem:$0x3F65] =	sst s3  }
0xc: {  	[smem:$0x3F66] =	sst s4  }
0xd: {  	[smem:$0x3F67] =	sst s5  }
0xe: {  	[smem:$0x3F68] =	sst s6  }
0xf: {  	[smem:$0x3F69] =	sst s7  }
0x10: {  	[smem:$0x3F6A] =	sst s8  }
0x11: {  	[smem:$0x3F6B] =	sst s9;
	s0 =	simm.s32 @!p0 $0x0  }
0x12: {  	s1 =	sld [smem:$0x3F51];
	s0 =	simm.s32 @p0 $0x1  }
0x13: {  	[smem:$0x3F6C] =	sst s0;
	s0 =	simm.s32 @!p1 $0x0  }
0x14: {  	s2 =	sld [smem:$0x3F50];
	s0 =	simm.s32 @p1 $0x1  }
0x15: {  	[smem:$0x3F6D] =	sst s0;
	s0 =	simm.s32 @!p2 $0x0  }
0x16: {  	s3 =	sld [smem:$0x3FDB];
	s0 =	simm.s32 @p2 $0x1  }
0x17: {  	s4 =	simm.s32 $0x1BF5;
	[smem:$0x3F6F] =	sst s0  }
0x18: {  	s0 =	sld [smem:$0x3F52];
	_ =	swait.ge [sflag:s4], $0x0  }
0x19: {  	s7 =	sld [smem:$0x3F53]  }
0x1a: {  	s8 =	sadd.s32 $0xFFFFE003, lr  }
0x1b: {  	s9 =	sadd.s32 $0xFFFFFEF7, lr;
	s5 =	simm.s32 $0xFFFFFFFF;
	p2 =	slt.u32 s8, $0xFFFFF086  }
0x1c: {  	p1 =	slt.u32 s9, $0xF7A;
	s5 =	simm.s32 @!p2 $0x0  }
0x1d: {  	s5 =	simm.s32 @p1 $0x1;
	p0 =	seq.s32 s7, s2  }
0x1e: {  	s7 =	smul.u32 @!p0 $0xF7A, s2;
	p2 =	seq.s32 @!p0 s5, $0x0  }
0x1f: {  	s9 =	smul.u32 $0xF7A, s1;
	s8 =	simm.s32 @!p0 $0x1BF5;
	p2 =	por !p2, p0  }
0x20: {  	[sflag:s8] =	ssyncset.s32 @!p0 $0xFFFFF086;
	s6 =	sadd.s32 @!p0 s3, s7;
	s7 =	simm.s32 @!p0 $0x108  }
0x21: {  	s3 =	sadd.s32 s3, s9;
	s6 =	sadd.s32 @!p0 $0x88, s6;
	s7 =	simm.s32 @p2 $0x1082  }
0x22: {  	[simem:s7], [sflag:s8] =	dma.local @!p0 [hbm:s6], $0xF7A  }
0x23: {  	s9 =	sor.u32 $0xD0000000, s2;
	s6 =	simm.s32 $0x108;
	_ =	swait.ge @!p0 [sflag:s8], $0x0  }
0x24: {  	s3 =	sadd.s32 $0x88, s3;
	s6 =	simm.s32 @!p1 $0x1082;
	[sflag:s4] =	ssyncset.s32 $0xFFFFF086  }
0x25: {  	[simem:s6], [sflag:s4] =	dma.local [hbm:s3], $0xF7A  }
0x26: {  	[smem:$0x3F53] =	sst s1;
	(tag) =	ssettag s2;
	_ =	strace s9  }
0x27: {  	s1 =	sld [smem:$0x3F63]  }
0x28: {  	s2 =	sld [smem:$0x3F64]  }
0x29: {  	s4 =	sld [smem:$0x3F66]  }
0x2a: {  	p0 =	seq.s32 s5, $0x0;
	s5 =	sld [smem:$0x3F67]  }
0x2b: {  	s6 =	sld [smem:$0x3F68]  }
0x2c: {  	s7 =	sld [smem:$0x3F69]  }
0x2d: {  	s3 =	simm.s32 $0x108;
	s8 =	sld [smem:$0x3F6A]  }
0x2e: {  	s3 =	simm.s32 @!p0 $0x1082;
	s9 =	sld [smem:$0x3F6B]  }
0x2f: {  	lr =	sadd.s32 s0, s3;
	s0 =	sld [smem:$0x3F62]  }
0x30: {  	s3 =	sld [smem:$0x3F65]  }
0x31: {  	[smem:$0x3F6E] =	sst s10  }
0x32: {  	s10 =	sld [smem:$0x3F6C];
	_ =	sdelay $0x3  }
0x33: {  	p0 =	seq.s32 s10, $0x1;
	s10 =	sld [smem:$0x3F6E];
	_ =	sdelay $0x3  }
0x34: {  	[smem:$0x3F6E] =	sst s10  }
0x35: {  	s10 =	sld [smem:$0x3F6D];
	_ =	sdelay $0x3  }
0x36: {  	p1 =	seq.s32 s10, $0x1;
	s10 =	sld [smem:$0x3F6E];
	_ =	sdelay $0x3  }
0x37: {  	[smem:$0x3F6E] =	sst s10  }
0x38: {  	s10 =	sld [smem:$0x3F6F]  }
0x39: {  	_ = 	snop;
	(pc) =	sbr.ind lr, $3  }
0x3a: {  	_ = 	snop  }
0x3b: {  	_ = 	snop  }
0x3c: {  	p2 =	seq.s32 s10, $0x1;
	s10 =	sld [smem:$0x3F6E]  }
0x3d: {  	_ =	shalt  }
0x3e: {  	_ =	shalt  }
0x3f: {  	_ =	shalt  }
0x40: {  	_ =	shalt  }
0x41: {  	_ =	shalt  }
0x42: {  	_ =	shalt  }
0x43: {  	_ =	shalt  }
0x44: {  	_ =	shalt  }
0x45: {  	_ =	shalt  }
0x46: {  	_ =	shalt  }
0x47: {  	_ =	shalt  }
0x48: {  	_ =	shalt  }
0x49: {  	_ =	shalt  }
0x4a: {  	_ =	shalt  }
0x4b: {  	_ =	shalt  }
0x4c: {  	_ =	shalt  }
0x4d: {  	_ =	shalt  }
0x4e: {  	_ =	shalt  }
0x4f: {  	_ =	shalt  }
0x50: {  	_ =	shalt  }
0x51: {  	_ =	shalt  }
0x52: {  	_ =	shalt  }
0x53: {  	_ =	shalt  }
0x54: {  	_ =	shalt  }
0x55: {  	_ =	shalt  }
0x56: {  	_ =	shalt  }
0x57: {  	_ =	shalt  }
0x58: {  	_ =	shalt  }
0x59: {  	_ =	shalt  }
0x5a: {  	_ =	shalt  }
0x5b: {  	_ =	shalt  }
0x5c: {  	_ =	shalt  }
0x5d: {  	_ =	shalt  }
0x5e: {  	_ =	shalt  }
0x5f: {  	_ =	shalt  }
0x60: {  	_ =	shalt  }
0x61: {  	_ =	shalt  }
0x62: {  	_ =	shalt  }
0x63: {  	_ =	shalt  }
0x64: {  	_ =	shalt  }
0x65: {  	_ =	shalt  }
0x66: {  	_ =	shalt  }
0x67: {  	_ =	shalt  }
0x68: {  	_ =	shalt  }
0x69: {  	_ =	shalt  }
0x6a: {  	_ =	shalt  }
0x6b: {  	_ =	shalt  }
0x6c: {  	_ =	shalt  }
0x6d: {  	_ =	shalt  }
0x6e: {  	_ =	shalt  }
0x6f: {  	_ =	shalt  }
0x70: {  	_ =	shalt  }
0x71: {  	_ =	shalt  }
0x72: {  	_ =	shalt  }
0x73: {  	_ =	shalt  }
0x74: {  	_ =	shalt  }
0x75: {  	_ =	shalt  }
0x76: {  	_ =	shalt  }
0x77: {  	_ =	shalt  }
0x78: {  	_ =	shalt  }
0x79: {  	_ =	shalt  }
0x7a: {  	_ =	shalt  }
0x7b: {  	_ =	shalt  }
0x7c: {  	_ =	shalt  }
0x7d: {  	_ =	shalt  }
0x7e: {  	_ =	shalt  }
0x7f: {  	_ =	shalt  }
0x80: {  	_ =	shalt  }
0x81: {  	_ =	shalt  }
0x82: {  	_ =	shalt  }
0x83: {  	_ =	shalt  }
0x84: {  	_ =	shalt  }
0x85: {  	_ =	shalt  }
0x86: {  	_ =	shalt  }
0x87: {  	_ =	shalt  }
.Lfunc_end0:
.L_simem_size_0:
called_computation_lowered:
.L_overlay_start_0:
0x88: {  	s2 =	sld [smem:$0x3FD9]  }
0x89: {  	s3 =	sld [smem:$0x3FFE];
	_ =	sdelay $0x1  }
0x8a: {  	s1 =	srdreg.scid  }
0x8b: {  	s0 =	sand.u32 $0x1, s1  }
0x8c: {  	s16 =	sshll.u32 s0, $0xA;
	s2 =	sadd.s32 s3, s2  }
0x8d: {  	s2 =	sadd.s32 s2, s16  }
0x8e: {  	[smem:$0x3F7A] =	sst s2  }
0x8f: {  	_ = 	snop  }
0x90: {  	(tm) =	ssettm $0x1  }
0x91: {  	s17 =	sld [smem:$0x3FFB];
	_ =	sdelay $0x3  }
0x92: {  	_ =	strace s17  }
0x93: {  	s2 =	sld [smem:$0x3FFC];
	_ =	sdelay $0x3  }
0x94: {  	_ =	strace s2  }
0x95: {  	s2 =	sld [smem:$0x3FFD];
	_ =	sdelay $0x3  }
0x96: {  	_ =	strace s2  }
0x97: {  	_ =	strace $0x8FFFFFFF  }
0x98: {  	s18 =	sld [smem:$0x3FDB];
	_ =	sdelay $0x1  }
0x99: {  	s19 =	simm.s32 $_scs_section_size  }
0x9a: {  	s4 =	simm.s32 $_size__tile_overlayer_lowered;
	s5 =	simm.s32 $_tile_overlayer_lowered  }
0x9b: {  	s22 =	simm.s32 $0x1BFF;
	s21 =	sshll.u32 s5, $0x1;
	s2 =	sadd.s32 s19, s18  }
0x9c: {  	s6 =	simm.s32 $0x0;
	s20 =	sshll.u32 s4, $0x1;
	s4 =	sadd.s32 s21, s2  }
0x9d: {  	[timem:s6], [sflag:s22] =	dma.local [hbm:s4], s20  }
0x9e: {  	_ =	swait.ge [sflag:s22], s20  }
0x9f: {  	s3 =	ssub.s32 $0x0, s20;
	[sflag:s22] =	ssyncset.done $0x0  }
0xa0: {  	[sflag:s22] =	ssyncadd.s32 s3;
	_ =	sdelay $0x1  }
0xa1: {  	s23 =	simm.s32 $0x1B8B  }
0xa2: {  	_ =	swait.ge [sflag:s23], $0x1  }
0xa3: {  	[sflag:s23] =	ssyncset.done $0x0  }
0xa4: {  	s25 =	simm.s32 $0x1B8E;
	s24 =	sld [smem:$0x3FFE];
	[sflag:s23] =	ssyncadd.s32 $0xFFFFFFFF  }
0xa5: {  	s26 =	simm.s32 $execute0_lowered;
	[smem:$0x3FD2] =	sst s25  }
0xa6: {  	s4 =	sshll.u32 s26, $0x1;
	_ =	strace $0x80000046;
	[dreg:$0x1] =	wrdreg $0xFFFFFFFF  }
0xa7: {  	s28 =	simm.s32 $_size_execute0_lowered;
	s2 =	sadd.s32 s2, s4;
	[dreg:$0x0] =	wrdreg $0x0  }
0xa8: {  	s4 =	sshll.u32 s28, $0x1;
	[dreg:$0x2] =	wrdreg s2  }
0xa9: {  	[dreg:$0x3] =	wrdreg s4  }
0xaa: {  	[dreg:$0x4] =	wrdreg $0xC0  }
0xab: {  	_ =	task [dreg:s6], $0x5FFFF  }
0xac: {  	[dreg:$0x1] =	wrdreg $0xFFFFFFFF  }
0xad: {  	[dreg:$0x0] =	wrdreg $0x60  }
0xae: {  	[dreg:$0x2] =	wrdreg s24  }
0xaf: {  	[dreg:$0x3] =	wrdreg $0xBD000  }
0xb0: {  	[dreg:$0x4] =	wrdreg $0x9  }
0xb1: {  	_ =	task.clear_ibuf [dreg:s6], $0x5FFFF;
	_ =	strace $0x90000046  }
0xb2: {  	s29 =	simm.s32 $0x9;
	_ =	strace $0x80000048  }
0xb3: {  	_ =	swait.ge [sflag:s29], $0x1  }
0xb4: {  	[sflag:s29] =	ssyncadd.s32 $0xFFFFFFFF  }
0xb5: {  	_ =	strace $0x90000048  }
0xb6: {  	_ =	sfence  }
0xb7: {  	s30 =	sld [smem:$0x0];
	_ =	sdelay $0x2  }
0xb8: {  	s31 =	sshll.u32 s1, $0xD;
	s1 =	sshrl.u32 s1, $0x2  }
0xb9: {  	s3 =	sand.u32 $0x4000, s31;
	s1 =	sadd.s32 s1, s30  }
0xba: {  	s0 =	sor.u32 s3, s0;
	s1 =	sshll.u32 s1, $0x11  }
0xbb: {  	s0 =	sor.u32 s1, s0  }
0xbc: {  	s0 =	sadd.s32 $0x8F2B, s0  }
0xbd: {  	[sflag:s0] =	ssyncadd.remote.s32 $0x1  }
0xbe: {  	_ =	sfence.sel $0xFFFF  }
0xbf: {  	[dreg:$0x0] =	wrdreg $0xFFFFFFFF;
	(pc) =	sbr.abs _section_cstart, $3  }
0xc0: {  	[dreg:$0x1] =	wrdreg $0xFFFFFFFF  }
0xc1: {  	_ =	task.clear_ibuf [dreg:s6], $0x2FFFF;
	_ =	strace $0x9FFFFFFF  }
0xc2: {  	(tm) =	ssettm $0x7FFFFFFF  }
0xc3: {  	_ =	shalt  }
tec
execute0_lowered:
.L_overlay_start_1:
0x0: {  	(tag) =	ssettag $0x1  }
0x1: {  	s5 =	rddreg [dreg:$0x0]  }
0x2: {  	s0 =	srdreg.scid;
	s2 =	rddreg [dreg:$0x1]  }
0x3: {  	s1 =	rddreg [dreg:$0x2];
	s3 =	simm.s32 $0x0;
	s14 =	simm.s32 $0x4E80  }
0x4: {  	s15 =	simm.s32 $0x9D00;
	s16 =	simm.s32 $0x3;
	s6 =	sand.u32 $0x1, s0  }
0x5: {  	s17 =	simm.s32 $0x1;
	s0 =	stileid.u32;
	s7 =	smul.u32 $0x4E800, s6  }
0x6: {  	s18 =	simm.s32 $0x80;
	s19 =	simm.s32 $0x2;
	s8 =	smul.u32 $0x4E80, s0  }
0x7: {  	s22 =	simm.s32 $0x0;
	[smem:$0x7FF] =	sst s3;
	s9 =	smul.u32 $0xA000, s0  }
0x8: {  	s4 =	sadd.s32 $0x34E00, s5;
	s10 =	smul.u32 $0xA0000, s6;
	_ =	strace $0x80000047  }
0x9: {  	s29 =	smul.u32 $0x28000, s0;
	s6 =	ssub.s32 $0x2, s6;
	s20 =	sshll.u32 s0, $0x6  }
0xa: {  	s30 =	sshrl.u32 s6, $0x1;
	s20 =	sor.u32 $0x1C03, s20;
	s7 =	sadd.s32 s8, s7  }
0xb: {  	s28 =	sadd.s32 s9, s10;
	s31 =	sshrl.u32 s29, $0x2;
	s13 =	ssub.s32 s6, s30  }
0xc: {  	s7 =	sshrl.u32 s7, $0x3;
	s8 =	sshrl.u32 s28, $0x3;
	s11 =	sadd.s32 s31, s2  }
0xd: {  	s13 =	smax.u32 s13, $0x1;
	s7 =	sadd.s32 s7, s5;
	s12 =	sadd.s32 s8, s5  }
0xe: {  	s8 =	sadd.s32 $0x2000, s11;
	s10 =	sadd.s32 $0x6000, s11;
	s5 =	sadd.s32 $0xDA00, s7  }
0xf: {  	s6 =	sadd.s32 $0x21400, s7;
	s7 =	sadd.s32 s9, s2;
	s9 =	sadd.s32 $0x4000, s11  }
0x10: {  	v0 =	vimm.f32 $0.0e+00;
	s11 =	sadd.s32 $0x8000, s11;
	s12 =	sadd.s32 $0x5C000, s12;
	s21 =	sshrl.u32 s7, $0x3  }
.LBB2_1:
0x11: {  	[tilespmem:s3], [sflag:$0x1] =	stream.linear.gather [hbm4b:s5+s3], $0x4E80, $0x38;
	[tilespmem:$0x15D00] =	vst v63  }
0x12: {  	s24 =	simm.s32 $0x100;
	s23 =	simm.s32 $0x0  }
0x13: {  	[tilespmem:s14], [sflag:$0x1] =	stream.linear.gather [hbm4b:s6+s3], $0x4E80, $0x38;
	[tilespmem:$0x15D00] =	vst v63  }
.LBB2_2:
0x14: {  	p0 =	sne.s32 s24, $0x7F00;
	[tilespmem:s23+$0x9D30] =	vst v0;
	s25 =	smov.u32 s24;
	s24 =	sadd.s32 $0x100, s24  }
.Ltmp0:
0x15: {  	[tilespmem:s23+$0x9D20] =	vst v0;
	(pc) =	sbr.rel @p0 .LBB2_2-.Ltmp0, $3  }
0x16: {  	[tilespmem:s23+$0x9D00] =	vst v0  }
0x17: {  	[tilespmem:s23+$0x9D10] =	vst v0;
	_ =	sdelay $0x1  }
0x18: {  	s23 =	sshra.s32 s25, $0x2  }
0x19: {  	[tilespmem:s23+$0x9D30] =	vst v0  }
0x1a: {  	[tilespmem:s23+$0x9D20] =	vst v0  }
0x1b: {  	[tilespmem:s23+$0x9D00] =	vst v0  }
0x1c: {  	[tilespmem:s23+$0x9D10] =	vst v0  }
0x1d: {  	[spmem:s7] =	stream.linear.scatter [tilespmem:s15], [sflag:$0x3], $0x2000, $0x38;
	[tilespmem:$0x15D00] =	vst v63  }
0x1e: {  	_ =	swait.ge [sflag:s16], $0x2000  }
0x1f: {  	[sflag:s16] =	ssyncset.done $0x0  }
0x20: {  	[sflag:s16] =	ssyncadd.s32 $0xFFFFE000  }
0x21: {  	[spmem:s8] =	stream.linear.scatter [tilespmem:s15], [sflag:$0x3], $0x2000, $0x38;
	[tilespmem:$0x15D00] =	vst v63  }
0x22: {  	_ =	swait.ge [sflag:s16], $0x2000  }
0x23: {  	[sflag:s16] =	ssyncset.done $0x0  }
0x24: {  	[sflag:s16] =	ssyncadd.s32 $0xFFFFE000  }
0x25: {  	[spmem:s9] =	stream.linear.scatter [tilespmem:s15], [sflag:$0x3], $0x2000, $0x38;
	[tilespmem:$0x15D00] =	vst v63  }
0x26: {  	_ =	swait.ge [sflag:s16], $0x2000  }
0x27: {  	[sflag:s16] =	ssyncset.done $0x0  }
0x28: {  	[sflag:s16] =	ssyncadd.s32 $0xFFFFE000  }
0x29: {  	[spmem:s10] =	stream.linear.scatter [tilespmem:s15], [sflag:$0x3], $0x2000, $0x38;
	[tilespmem:$0x15D00] =	vst v63  }
0x2a: {  	_ =	swait.ge [sflag:s16], $0x2000  }
0x2b: {  	[sflag:s16] =	ssyncset.done $0x0  }
0x2c: {  	[sflag:s16] =	ssyncadd.s32 $0xFFFFE000  }
0x2d: {  	[spmem:s11] =	stream.linear.scatter [tilespmem:s15], [sflag:$0x3], $0x2000, $0x38;
	[tilespmem:$0x15D00] =	vst v63  }
0x2e: {  	_ =	swait.ge [sflag:s16], $0x2000  }
0x2f: {  	[sflag:s16] =	ssyncset.done $0x0  }
0x30: {  	[sflag:s16] =	ssyncadd.s32 $0xFFFFE000  }
0x31: {  	_ =	swait.ge [sflag:s17], $0x4E80  }
0x32: {  	[sflag:s17] =	ssyncset.done $0x0  }
0x33: {  	[sflag:s17] =	ssyncadd.s32 $0xFFFFB180  }
0x34: {  	_ =	swait.ge [sflag:s17], $0x4E80  }
0x35: {  	[sflag:s17] =	ssyncset.done $0x0  }
0x36: {  	[sflag:s17] =	ssyncadd.s32 $0xFFFFB180  }
0x37: {  	s30 =	simm.s32 $0x0;
	[bflag:$0x0] =	sbarrier.arrive $0xFFFF  }
0x38: {  	[tilespmem:s15], [sflag:$0x2] =	stream.indirect.gather [hbm4b:s4+s18], $0x40, s30, s18, $0xb8;
	[tilespmem:$0x15D00] =	vst v63  }
0x39: {  	_ =	swait.ge [sflag:s19], $0x2000  }
0x3a: {  	[sflag:s19] =	ssyncset.done $0x0  }
0x3b: {  	s31 =	simm.s32 $0x4E80;
	[sflag:s19] =	ssyncadd.s32 $0xFFFFE000  }
0x3c: {  	[spmem:s2] =	stream.indirect.scatter.add.f32 [tilespmem:s15], [sflag:$0x3], $0x40, s31, s18, $0xb8;
	[tilespmem:$0x15D00] =	vst v63  }
0x3d: {  	_ =	swait.ge [sflag:s16], $0x2000  }
0x3e: {  	s23 =	simm.s32 $0x200;
	s24 =	simm.s32 $0x400;
	[sflag:s16] =	ssyncset.done $0x0  }
.LBB2_4:
0x3f: {  	s25 =	sshra.s32 s23, $0x2  }
0x40: {  	[sflag:s16] =	ssyncadd.s32 $0xFFFFE000;
	s23 =	smov.u32 s24;
	s26 =	sadd.s32 $0x200, s24  }
0x41: {  	[tilespmem:s15], [sflag:$0x2] =	stream.indirect.gather [hbm4b:s4+s18], $0x40, s25, s18, $0xb8;
	[tilespmem:$0x15D00] =	vst v63  }
0x42: {  	p0 =	sne.s32 s24, $0x13800;
	_ =	swait.ge [sflag:s19], $0x2000  }
.Ltmp1:
0x43: {  	[sflag:s19] =	ssyncset.done $0x0;
	(pc) =	sbr.rel @p0 .LBB2_4-.Ltmp1, $4  }
0x44: {  	s24 =	sadd.s32 $0x4E80, s25;
	[sflag:s19] =	ssyncadd.s32 $0xFFFFE000  }
0x45: {  	[spmem:s2] =	stream.indirect.scatter.add.f32 [tilespmem:s15], [sflag:$0x3], $0x40, s24, s18, $0xb8;
	[tilespmem:$0x15D00] =	vst v63  }
0x46: {  	_ =	swait.ge [sflag:s16], $0x2000  }
0x47: {  	s24 =	smov.u32 s26;
	[sflag:s16] =	ssyncset.done $0x0  }
0x48: {  	s23 =	sshra.s32 s23, $0x2;
	[sflag:s16] =	ssyncadd.s32 $0xFFFFE000  }
0x49: {  	[tilespmem:s15], [sflag:$0x2] =	stream.indirect.gather [hbm4b:s4+s18], $0x40, s23, s18, $0xb8;
	[tilespmem:$0x15D00] =	vst v63  }
0x4a: {  	_ =	swait.ge [sflag:s19], $0x2000  }
0x4b: {  	[sflag:s19] =	ssyncset.done $0x0  }
0x4c: {  	s23 =	sadd.s32 $0x4E80, s23;
	[sflag:s19] =	ssyncadd.s32 $0xFFFFE000  }
0x4d: {  	[spmem:s2] =	stream.indirect.scatter.add.f32 [tilespmem:s15], [sflag:$0x3], $0x40, s23, s18, $0xb8;
	[tilespmem:$0x15D00] =	vst v63  }
0x4e: {  	_ =	swait.ge [sflag:s16], $0x2000  }
0x4f: {  	s22 =	sadd.s32 $0x1, s22;
	[sflag:s16] =	ssyncset.done $0x0  }
0x50: {  	p0 =	sne.s32 s22, s13;
	[sflag:s16] =	ssyncadd.s32 $0xFFFFE000  }
.Ltmp2:
0x51: {  	[bflag:$0x0] =	sbarrier.arrive $0xFFFF;
	(pc) =	sbr.rel @p0 .LBB2_1-.Ltmp2, $4  }
0x52: {  	[hbm:s12], [sflag:s20] =	dma.local [spmem:s21], $0x1400  }
0x53: {  	_ =	swait.ge [sflag:s16], $0x1400  }
0x54: {  	[sflag:s16] =	ssyncset.done $0x0  }
0x55: {  	[sflag:s16] =	ssyncadd.s32 $0xFFFFEC00  }
0x56: {  	_ =	sfence.sel $0x180000  }
0x57: {  	[bflag:$0x0] =	sbarrier.arrive $0xFFFF  }
0x58: {  	p0 =	sne.s32 s0, $0x0;
	_ =	strace $0x90000047  }
0x59: {  	s0 =	sadd.s32 @!p0 $0x100000, s1;
	[bflag:$0x2] =	sbarrier.arrive $0xFFFF  }
0x5a: {  	[sflag:s0] =	ssyncadd.tile.s32 @!p0 $0x1;
	_ =	shalt  }
.Lfunc_end2:
_tile_overlayer_lowered:
.L_overlay_start_2:
0x5b: {  	(tag) =	ssettag $0x2  }
0x5c: {  	s0 =	rddreg [dreg:$0x0];
	s2 =	stileid.u32  }
0x5d: {  	s1 =	rddreg [dreg:$0x1];
	p0 =	sne.s32 s2, $0x0  }
0x5e: {  	s3 =	rddreg [dreg:$0x2];
	[bflag:$0x3] =	sbarrier.arrive $0xFFFF;
	s2 =	simm.s32 @!p0 $0x1C03  }
0x5f: {  	[timem:s3], [sflag:s2] =	dma.local @!p0 [hbm:s0], s1  }
0x60: {  	s0 =	simm.s32 @!p0 $0x3  }
0x61: {  	_ =	swait.ge @!p0 [sflag:s0], s1  }
0x62: {  	s1 =	ssub.s32 @!p0 $0x0, s1;
	[sflag:s0] =	ssyncset.done @!p0 $0x0  }
0x63: {  	[sflag:s0] =	ssyncadd.s32 @!p0 s1  }
0x64: {  	[bflag:$0x3] =	sbarrier.arrive $0xFFFF  }
0x65: {  	_ =	shalt  }

// kernel: kernel.21.cloned.1.call-start
scs
__scs_entry_jumppad:
0x0: {  	(pc) =	sbr.rel $0x88, $3  }
0x1: {  	(tag) =	ssettag $0x0;
	lr =	simm.s32 $0x1  }
0x2: {  	[smem:$0x3F53] =	sst lr;
	_ =	strace $0xD0000000  }
0x3: {  	_ = 	snop  }
0x4: {  	_ = 	snop  }
0x5: {  	_ = 	snop  }
0x6: {  	_ = 	snop  }
0x7: {  	_ = 	snop  }
__scs_overlays_trampoline_lowered:
0x8: {  	[smem:$0x3F62] =	sst s0  }
0x9: {  	[smem:$0x3F63] =	sst s1  }
0xa: {  	[smem:$0x3F64] =	sst s2  }
0xb: {  	[smem:$0x3F65] =	sst s3  }
0xc: {  	[smem:$0x3F66] =	sst s4  }
0xd: {  	[smem:$0x3F67] =	sst s5  }
0xe: {  	[smem:$0x3F68] =	sst s6  }
0xf: {  	[smem:$0x3F69] =	sst s7  }
0x10: {  	[smem:$0x3F6A] =	sst s8  }
0x11: {  	[smem:$0x3F6B] =	sst s9;
	s0 =	simm.s32 @!p0 $0x0  }
0x12: {  	s1 =	sld [smem:$0x3F51];
	s0 =	simm.s32 @p0 $0x1  }
0x13: {  	[smem:$0x3F6C] =	sst s0;
	s0 =	simm.s32 @!p1 $0x0  }
0x14: {  	s2 =	sld [smem:$0x3F50];
	s0 =	simm.s32 @p1 $0x1  }
0x15: {  	[smem:$0x3F6D] =	sst s0;
	s0 =	simm.s32 @!p2 $0x0  }
0x16: {  	s3 =	sld [smem:$0x3FDB];
	s0 =	simm.s32 @p2 $0x1  }
0x17: {  	s4 =	simm.s32 $0x1BF5;
	[smem:$0x3F6F] =	sst s0  }
0x18: {  	s0 =	sld [smem:$0x3F52];
	_ =	swait.ge [sflag:s4], $0x0  }
0x19: {  	s7 =	sld [smem:$0x3F53]  }
0x1a: {  	s8 =	sadd.s32 $0xFFFFE003, lr  }
0x1b: {  	s9 =	sadd.s32 $0xFFFFFEF7, lr;
	s5 =	simm.s32 $0xFFFFFFFF;
	p2 =	slt.u32 s8, $0xFFFFF086  }
0x1c: {  	p1 =	slt.u32 s9, $0xF7A;
	s5 =	simm.s32 @!p2 $0x0  }
0x1d: {  	s5 =	simm.s32 @p1 $0x1;
	p0 =	seq.s32 s7, s2  }
0x1e: {  	s7 =	smul.u32 @!p0 $0xF7A, s2;
	p2 =	seq.s32 @!p0 s5, $0x0  }
0x1f: {  	s9 =	smul.u32 $0xF7A, s1;
	s8 =	simm.s32 @!p0 $0x1BF5;
	p2 =	por !p2, p0  }
0x20: {  	[sflag:s8] =	ssyncset.s32 @!p0 $0xFFFFF086;
	s6 =	sadd.s32 @!p0 s3, s7;
	s7 =	simm.s32 @!p0 $0x108  }
0x21: {  	s3 =	sadd.s32 s3, s9;
	s6 =	sadd.s32 @!p0 $0x88, s6;
	s7 =	simm.s32 @p2 $0x1082  }
0x22: {  	[simem:s7], [sflag:s8] =	dma.local @!p0 [hbm:s6], $0xF7A  }
0x23: {  	s9 =	sor.u32 $0xD0000000, s2;
	s6 =	simm.s32 $0x108;
	_ =	swait.ge @!p0 [sflag:s8], $0x0  }
0x24: {  	s3 =	sadd.s32 $0x88, s3;
	s6 =	simm.s32 @!p1 $0x1082;
	[sflag:s4] =	ssyncset.s32 $0xFFFFF086  }
0x25: {  	[simem:s6], [sflag:s4] =	dma.local [hbm:s3], $0xF7A  }
0x26: {  	[smem:$0x3F53] =	sst s1;
	(tag) =	ssettag s2;
	_ =	strace s9  }
0x27: {  	s1 =	sld [smem:$0x3F63]  }
0x28: {  	s2 =	sld [smem:$0x3F64]  }
0x29: {  	s4 =	sld [smem:$0x3F66]  }
0x2a: {  	p0 =	seq.s32 s5, $0x0;
	s5 =	sld [smem:$0x3F67]  }
0x2b: {  	s6 =	sld [smem:$0x3F68]  }
0x2c: {  	s7 =	sld [smem:$0x3F69]  }
0x2d: {  	s3 =	simm.s32 $0x108;
	s8 =	sld [smem:$0x3F6A]  }
0x2e: {  	s3 =	simm.s32 @!p0 $0x1082;
	s9 =	sld [smem:$0x3F6B]  }
0x2f: {  	lr =	sadd.s32 s0, s3;
	s0 =	sld [smem:$0x3F62]  }
0x30: {  	s3 =	sld [smem:$0x3F65]  }
0x31: {  	[smem:$0x3F6E] =	sst s10  }
0x32: {  	s10 =	sld [smem:$0x3F6C];
	_ =	sdelay $0x3  }
0x33: {  	p0 =	seq.s32 s10, $0x1;
	s10 =	sld [smem:$0x3F6E];
	_ =	sdelay $0x3  }
0x34: {  	[smem:$0x3F6E] =	sst s10  }
0x35: {  	s10 =	sld [smem:$0x3F6D];
	_ =	sdelay $0x3  }
0x36: {  	p1 =	seq.s32 s10, $0x1;
	s10 =	sld [smem:$0x3F6E];
	_ =	sdelay $0x3  }
0x37: {  	[smem:$0x3F6E] =	sst s10  }
0x38: {  	s10 =	sld [smem:$0x3F6F]  }
0x39: {  	_ = 	snop;
	(pc) =	sbr.ind lr, $3  }
0x3a: {  	_ = 	snop  }
0x3b: {  	_ = 	snop  }
0x3c: {  	p2 =	seq.s32 s10, $0x1;
	s10 =	sld [smem:$0x3F6E]  }
0x3d: {  	_ =	shalt  }
0x3e: {  	_ =	shalt  }
0x3f: {  	_ =	shalt  }
0x40: {  	_ =	shalt  }
0x41: {  	_ =	shalt  }
0x42: {  	_ =	shalt  }
0x43: {  	_ =	shalt  }
0x44: {  	_ =	shalt  }
0x45: {  	_ =	shalt  }
0x46: {  	_ =	shalt  }
0x47: {  	_ =	shalt  }
0x48: {  	_ =	shalt  }
0x49: {  	_ =	shalt  }
0x4a: {  	_ =	shalt  }
0x4b: {  	_ =	shalt  }
0x4c: {  	_ =	shalt  }
0x4d: {  	_ =	shalt  }
0x4e: {  	_ =	shalt  }
0x4f: {  	_ =	shalt  }
0x50: {  	_ =	shalt  }
0x51: {  	_ =	shalt  }
0x52: {  	_ =	shalt  }
0x53: {  	_ =	shalt  }
0x54: {  	_ =	shalt  }
0x55: {  	_ =	shalt  }
0x56: {  	_ =	shalt  }
0x57: {  	_ =	shalt  }
0x58: {  	_ =	shalt  }
0x59: {  	_ =	shalt  }
0x5a: {  	_ =	shalt  }
0x5b: {  	_ =	shalt  }
0x5c: {  	_ =	shalt  }
0x5d: {  	_ =	shalt  }
0x5e: {  	_ =	shalt  }
0x5f: {  	_ =	shalt  }
0x60: {  	_ =	shalt  }
0x61: {  	_ =	shalt  }
0x62: {  	_ =	shalt  }
0x63: {  	_ =	shalt  }
0x64: {  	_ =	shalt  }
0x65: {  	_ =	shalt  }
0x66: {  	_ =	shalt  }
0x67: {  	_ =	shalt  }
0x68: {  	_ =	shalt  }
0x69: {  	_ =	shalt  }
0x6a: {  	_ =	shalt  }
0x6b: {  	_ =	shalt  }
0x6c: {  	_ =	shalt  }
0x6d: {  	_ =	shalt  }
0x6e: {  	_ =	shalt  }
0x6f: {  	_ =	shalt  }
0x70: {  	_ =	shalt  }
0x71: {  	_ =	shalt  }
0x72: {  	_ =	shalt  }
0x73: {  	_ =	shalt  }
0x74: {  	_ =	shalt  }
0x75: {  	_ =	shalt  }
0x76: {  	_ =	shalt  }
0x77: {  	_ =	shalt  }
0x78: {  	_ =	shalt  }
0x79: {  	_ =	shalt  }
0x7a: {  	_ =	shalt  }
0x7b: {  	_ =	shalt  }
0x7c: {  	_ =	shalt  }
0x7d: {  	_ =	shalt  }
0x7e: {  	_ =	shalt  }
0x7f: {  	_ =	shalt  }
0x80: {  	_ =	shalt  }
0x81: {  	_ =	shalt  }
0x82: {  	_ =	shalt  }
0x83: {  	_ =	shalt  }
0x84: {  	_ =	shalt  }
0x85: {  	_ =	shalt  }
0x86: {  	_ =	shalt  }
0x87: {  	_ =	shalt  }
.Lfunc_end0:
.L_simem_size_0:
called_computation.1_lowered:
.L_overlay_start_0:
0x88: {  	s2 =	sld [smem:$0x3FD9]  }
0x89: {  	s3 =	sld [smem:$0x3FFE];
	_ =	sdelay $0x1  }
0x8a: {  	s1 =	srdreg.scid  }
0x8b: {  	s0 =	sand.u32 $0x1, s1  }
0x8c: {  	s16 =	sshll.u32 s0, $0xA;
	s2 =	sadd.s32 s3, s2  }
0x8d: {  	s2 =	sadd.s32 s2, s16  }
0x8e: {  	[smem:$0x3F7A] =	sst s2  }
0x8f: {  	_ = 	snop  }
0x90: {  	(tm) =	ssettm $0x1  }
0x91: {  	s17 =	sld [smem:$0x3FFB];
	_ =	sdelay $0x3  }
0x92: {  	_ =	strace s17  }
0x93: {  	s2 =	sld [smem:$0x3FFC];
	_ =	sdelay $0x3  }
0x94: {  	_ =	strace s2  }
0x95: {  	s2 =	sld [smem:$0x3FFD];
	_ =	sdelay $0x3  }
0x96: {  	_ =	strace s2  }
0x97: {  	_ =	strace $0x8FFFFFFF  }
0x98: {  	s18 =	sld [smem:$0x3FDB];
	_ =	sdelay $0x1  }
0x99: {  	s19 =	simm.s32 $_scs_section_size  }
0x9a: {  	s4 =	simm.s32 $_size__tile_overlayer_lowered;
	s5 =	simm.s32 $_tile_overlayer_lowered  }
0x9b: {  	s22 =	simm.s32 $0x1BFF;
	s21 =	sshll.u32 s5, $0x1;
	s2 =	sadd.s32 s19, s18  }
0x9c: {  	s6 =	simm.s32 $0x0;
	s20 =	sshll.u32 s4, $0x1;
	s4 =	sadd.s32 s21, s2  }
0x9d: {  	[timem:s6], [sflag:s22] =	dma.local [hbm:s4], s20  }
0x9e: {  	_ =	swait.ge [sflag:s22], s20  }
0x9f: {  	s3 =	ssub.s32 $0x0, s20;
	[sflag:s22] =	ssyncset.done $0x0  }
0xa0: {  	[sflag:s22] =	ssyncadd.s32 s3;
	_ =	sdelay $0x1  }
0xa1: {  	s23 =	simm.s32 $0x1B8B  }
0xa2: {  	_ =	swait.ge [sflag:s23], $0x1  }
0xa3: {  	[sflag:s23] =	ssyncset.done $0x0  }
0xa4: {  	s25 =	simm.s32 $0x1B8E;
	s24 =	sld [smem:$0x3FFE];
	[sflag:s23] =	ssyncadd.s32 $0xFFFFFFFF  }
0xa5: {  	s26 =	simm.s32 $execute0_lowered;
	[smem:$0x3FD2] =	sst s25  }
0xa6: {  	s4 =	sshll.u32 s26, $0x1;
	_ =	strace $0x80000049;
	[dreg:$0x1] =	wrdreg $0xFFFFFFFF  }
0xa7: {  	s28 =	simm.s32 $_size_execute0_lowered;
	s2 =	sadd.s32 s2, s4;
	[dreg:$0x0] =	wrdreg $0x0  }
0xa8: {  	s4 =	sshll.u32 s28, $0x1;
	[dreg:$0x2] =	wrdreg s2  }
0xa9: {  	[dreg:$0x3] =	wrdreg s4  }
0xaa: {  	[dreg:$0x4] =	wrdreg $0xC0  }
0xab: {  	_ =	task [dreg:s6], $0x5FFFF  }
0xac: {  	[dreg:$0x1] =	wrdreg $0xFFFFFFFF  }
0xad: {  	[dreg:$0x0] =	wrdreg $0x60  }
0xae: {  	[dreg:$0x2] =	wrdreg s24  }
0xaf: {  	[dreg:$0x3] =	wrdreg $0xBD000  }
0xb0: {  	[dreg:$0x4] =	wrdreg $0x9  }
0xb1: {  	_ =	task.clear_ibuf [dreg:s6], $0x5FFFF;
	_ =	strace $0x90000049  }
0xb2: {  	s29 =	simm.s32 $0x9;
	_ =	strace $0x8000004B  }
0xb3: {  	_ =	swait.ge [sflag:s29], $0x1  }
0xb4: {  	[sflag:s29] =	ssyncadd.s32 $0xFFFFFFFF  }
0xb5: {  	_ =	strace $0x9000004B  }
0xb6: {  	_ =	sfence  }
0xb7: {  	s30 =	sld [smem:$0x0];
	_ =	sdelay $0x2  }
0xb8: {  	s31 =	sshll.u32 s1, $0xD;
	s1 =	sshrl.u32 s1, $0x2  }
0xb9: {  	s3 =	sand.u32 $0x4000, s31;
	s1 =	sadd.s32 s1, s30  }
0xba: {  	s0 =	sor.u32 s3, s0;
	s1 =	sshll.u32 s1, $0x11  }
0xbb: {  	s0 =	sor.u32 s1, s0  }
0xbc: {  	s0 =	sadd.s32 $0x8F2B, s0  }
0xbd: {  	[sflag:s0] =	ssyncadd.remote.s32 $0x1  }
0xbe: {  	_ =	sfence.sel $0xFFFF  }
0xbf: {  	[dreg:$0x0] =	wrdreg $0xFFFFFFFF;
	(pc) =	sbr.abs _section_cstart, $3  }
0xc0: {  	[dreg:$0x1] =	wrdreg $0xFFFFFFFF  }
0xc1: {  	_ =	task.clear_ibuf [dreg:s6], $0x2FFFF;
	_ =	strace $0x9FFFFFFF  }
0xc2: {  	(tm) =	ssettm $0x7FFFFFFF  }
0xc3: {  	_ =	shalt  }
tec
execute0_lowered:
.L_overlay_start_1:
0x0: {  	(tag) =	ssettag $0x1  }
0x1: {  	s5 =	rddreg [dreg:$0x0]  }
0x2: {  	s0 =	srdreg.scid;
	s2 =	rddreg [dreg:$0x1]  }
0x3: {  	s1 =	rddreg [dreg:$0x2];
	s3 =	simm.s32 $0x0;
	s14 =	simm.s32 $0x4E80  }
0x4: {  	s15 =	simm.s32 $0x9D00;
	s16 =	simm.s32 $0x3;
	s6 =	sand.u32 $0x1, s0  }
0x5: {  	s17 =	simm.s32 $0x1;
	s0 =	stileid.u32;
	s7 =	smul.u32 $0x4E800, s6  }
0x6: {  	s18 =	simm.s32 $0x80;
	s19 =	simm.s32 $0x2;
	s8 =	smul.u32 $0x4E80, s0  }
0x7: {  	s22 =	simm.s32 $0x0;
	[smem:$0x7FF] =	sst s3;
	s9 =	smul.u32 $0xA000, s0  }
0x8: {  	s4 =	sadd.s32 $0x34E00, s5;
	s10 =	smul.u32 $0xA0000, s6;
	_ =	strace $0x8000004A  }
0x9: {  	s29 =	smul.u32 $0x28000, s0;
	s6 =	ssub.s32 $0x2, s6;
	s20 =	sshll.u32 s0, $0x6  }
0xa: {  	s30 =	sshrl.u32 s6, $0x1;
	s20 =	sor.u32 $0x1C03, s20;
	s7 =	sadd.s32 s8, s7  }
0xb: {  	s28 =	sadd.s32 s9, s10;
	s31 =	sshrl.u32 s29, $0x2;
	s13 =	ssub.s32 s6, s30  }
0xc: {  	s7 =	sshrl.u32 s7, $0x3;
	s8 =	sshrl.u32 s28, $0x3;
	s11 =	sadd.s32 s31, s2  }
0xd: {  	s13 =	smax.u32 s13, $0x1;
	s7 =	sadd.s32 s7, s5;
	s12 =	sadd.s32 s8, s5  }
0xe: {  	s8 =	sadd.s32 $0x2000, s11;
	s10 =	sadd.s32 $0x6000, s11;
	s5 =	sadd.s32 $0xDA00, s7  }
0xf: {  	s6 =	sadd.s32 $0x21400, s7;
	s7 =	sadd.s32 s9, s2;
	s9 =	sadd.s32 $0x4000, s11  }
0x10: {  	v0 =	vimm.f32 $0.0e+00;
	s11 =	sadd.s32 $0x8000, s11;
	s12 =	sadd.s32 $0x5C000, s12;
	s21 =	sshrl.u32 s7, $0x3  }
.LBB2_1:
0x11: {  	[tilespmem:s3], [sflag:$0x1] =	stream.linear.gather [hbm4b:s5+s3], $0x4E80, $0x38;
	[tilespmem:$0x15D00] =	vst v63  }
0x12: {  	s24 =	simm.s32 $0x100;
	s23 =	simm.s32 $0x0  }
0x13: {  	[tilespmem:s14], [sflag:$0x1] =	stream.linear.gather [hbm4b:s6+s3], $0x4E80, $0x38;
	[tilespmem:$0x15D00] =	vst v63  }
.LBB2_2:
0x14: {  	p0 =	sne.s32 s24, $0x7F00;
	[tilespmem:s23+$0x9D30] =	vst v0;
	s25 =	smov.u32 s24;
	s24 =	sadd.s32 $0x100, s24  }
.Ltmp0:
0x15: {  	[tilespmem:s23+$0x9D20] =	vst v0;
	(pc) =	sbr.rel @p0 .LBB2_2-.Ltmp0, $3  }
0x16: {  	[tilespmem:s23+$0x9D00] =	vst v0  }
0x17: {  	[tilespmem:s23+$0x9D10] =	vst v0;
	_ =	sdelay $0x1  }
0x18: {  	s23 =	sshra.s32 s25, $0x2  }
0x19: {  	[tilespmem:s23+$0x9D30] =	vst v0  }
0x1a: {  	[tilespmem:s23+$0x9D20] =	vst v0  }
0x1b: {  	[tilespmem:s23+$0x9D00] =	vst v0  }
0x1c: {  	[tilespmem:s23+$0x9D10] =	vst v0  }
0x1d: {  	[spmem:s7] =	stream.linear.scatter [tilespmem:s15], [sflag:$0x3], $0x2000, $0x38;
	[tilespmem:$0x15D00] =	vst v63  }
0x1e: {  	_ =	swait.ge [sflag:s16], $0x2000  }
0x1f: {  	[sflag:s16] =	ssyncset.done $0x0  }
0x20: {  	[sflag:s16] =	ssyncadd.s32 $0xFFFFE000  }
0x21: {  	[spmem:s8] =	stream.linear.scatter [tilespmem:s15], [sflag:$0x3], $0x2000, $0x38;
	[tilespmem:$0x15D00] =	vst v63  }
0x22: {  	_ =	swait.ge [sflag:s16], $0x2000  }
0x23: {  	[sflag:s16] =	ssyncset.done $0x0  }
0x24: {  	[sflag:s16] =	ssyncadd.s32 $0xFFFFE000  }
0x25: {  	[spmem:s9] =	stream.linear.scatter [tilespmem:s15], [sflag:$0x3], $0x2000, $0x38;
	[tilespmem:$0x15D00] =	vst v63  }
0x26: {  	_ =	swait.ge [sflag:s16], $0x2000  }
0x27: {  	[sflag:s16] =	ssyncset.done $0x0  }
0x28: {  	[sflag:s16] =	ssyncadd.s32 $0xFFFFE000  }
0x29: {  	[spmem:s10] =	stream.linear.scatter [tilespmem:s15], [sflag:$0x3], $0x2000, $0x38;
	[tilespmem:$0x15D00] =	vst v63  }
0x2a: {  	_ =	swait.ge [sflag:s16], $0x2000  }
0x2b: {  	[sflag:s16] =	ssyncset.done $0x0  }
0x2c: {  	[sflag:s16] =	ssyncadd.s32 $0xFFFFE000  }
0x2d: {  	[spmem:s11] =	stream.linear.scatter [tilespmem:s15], [sflag:$0x3], $0x2000, $0x38;
	[tilespmem:$0x15D00] =	vst v63  }
0x2e: {  	_ =	swait.ge [sflag:s16], $0x2000  }
0x2f: {  	[sflag:s16] =	ssyncset.done $0x0  }
0x30: {  	[sflag:s16] =	ssyncadd.s32 $0xFFFFE000  }
0x31: {  	_ =	swait.ge [sflag:s17], $0x4E80  }
0x32: {  	[sflag:s17] =	ssyncset.done $0x0  }
0x33: {  	[sflag:s17] =	ssyncadd.s32 $0xFFFFB180  }
0x34: {  	_ =	swait.ge [sflag:s17], $0x4E80  }
0x35: {  	[sflag:s17] =	ssyncset.done $0x0  }
0x36: {  	[sflag:s17] =	ssyncadd.s32 $0xFFFFB180  }
0x37: {  	s30 =	simm.s32 $0x0;
	[bflag:$0x0] =	sbarrier.arrive $0xFFFF  }
0x38: {  	[tilespmem:s15], [sflag:$0x2] =	stream.indirect.gather [hbm4b:s4+s18], $0x40, s30, s18, $0xb8;
	[tilespmem:$0x15D00] =	vst v63  }
0x39: {  	_ =	swait.ge [sflag:s19], $0x2000  }
0x3a: {  	[sflag:s19] =	ssyncset.done $0x0  }
0x3b: {  	s31 =	simm.s32 $0x4E80;
	[sflag:s19] =	ssyncadd.s32 $0xFFFFE000  }
0x3c: {  	[spmem:s2] =	stream.indirect.scatter.add.f32 [tilespmem:s15], [sflag:$0x3], $0x40, s31, s18, $0xb8;
	[tilespmem:$0x15D00] =	vst v63  }
0x3d: {  	_ =	swait.ge [sflag:s16], $0x2000  }
0x3e: {  	s23 =	simm.s32 $0x200;
	s24 =	simm.s32 $0x400;
	[sflag:s16] =	ssyncset.done $0x0  }
.LBB2_4:
0x3f: {  	s25 =	sshra.s32 s23, $0x2  }
0x40: {  	[sflag:s16] =	ssyncadd.s32 $0xFFFFE000;
	s23 =	smov.u32 s24;
	s26 =	sadd.s32 $0x200, s24  }
0x41: {  	[tilespmem:s15], [sflag:$0x2] =	stream.indirect.gather [hbm4b:s4+s18], $0x40, s25, s18, $0xb8;
	[tilespmem:$0x15D00] =	vst v63  }
0x42: {  	p0 =	sne.s32 s24, $0x13800;
	_ =	swait.ge [sflag:s19], $0x2000  }
.Ltmp1:
0x43: {  	[sflag:s19] =	ssyncset.done $0x0;
	(pc) =	sbr.rel @p0 .LBB2_4-.Ltmp1, $4  }
0x44: {  	s24 =	sadd.s32 $0x4E80, s25;
	[sflag:s19] =	ssyncadd.s32 $0xFFFFE000  }
0x45: {  	[spmem:s2] =	stream.indirect.scatter.add.f32 [tilespmem:s15], [sflag:$0x3], $0x40, s24, s18, $0xb8;
	[tilespmem:$0x15D00] =	vst v63  }
0x46: {  	_ =	swait.ge [sflag:s16], $0x2000  }
0x47: {  	s24 =	smov.u32 s26;
	[sflag:s16] =	ssyncset.done $0x0  }
0x48: {  	s23 =	sshra.s32 s23, $0x2;
	[sflag:s16] =	ssyncadd.s32 $0xFFFFE000  }
0x49: {  	[tilespmem:s15], [sflag:$0x2] =	stream.indirect.gather [hbm4b:s4+s18], $0x40, s23, s18, $0xb8;
	[tilespmem:$0x15D00] =	vst v63  }
0x4a: {  	_ =	swait.ge [sflag:s19], $0x2000  }
0x4b: {  	[sflag:s19] =	ssyncset.done $0x0  }
0x4c: {  	s23 =	sadd.s32 $0x4E80, s23;
	[sflag:s19] =	ssyncadd.s32 $0xFFFFE000  }
0x4d: {  	[spmem:s2] =	stream.indirect.scatter.add.f32 [tilespmem:s15], [sflag:$0x3], $0x40, s23, s18, $0xb8;
	[tilespmem:$0x15D00] =	vst v63  }
0x4e: {  	_ =	swait.ge [sflag:s16], $0x2000  }
0x4f: {  	s22 =	sadd.s32 $0x1, s22;
	[sflag:s16] =	ssyncset.done $0x0  }
0x50: {  	p0 =	sne.s32 s22, s13;
	[sflag:s16] =	ssyncadd.s32 $0xFFFFE000  }
.Ltmp2:
0x51: {  	[bflag:$0x0] =	sbarrier.arrive $0xFFFF;
	(pc) =	sbr.rel @p0 .LBB2_1-.Ltmp2, $4  }
0x52: {  	[hbm:s12], [sflag:s20] =	dma.local [spmem:s21], $0x1400  }
0x53: {  	_ =	swait.ge [sflag:s16], $0x1400  }
0x54: {  	[sflag:s16] =	ssyncset.done $0x0  }
0x55: {  	[sflag:s16] =	ssyncadd.s32 $0xFFFFEC00  }
0x56: {  	_ =	sfence.sel $0x180000  }
0x57: {  	[bflag:$0x0] =	sbarrier.arrive $0xFFFF  }
0x58: {  	p0 =	sne.s32 s0, $0x0;
	_ =	strace $0x9000004A  }
0x59: {  	s0 =	sadd.s32 @!p0 $0x100000, s1;
	[bflag:$0x2] =	sbarrier.arrive $0xFFFF  }
0x5a: {  	[sflag:s0] =	ssyncadd.tile.s32 @!p0 $0x1;
	_ =	shalt  }
.Lfunc_end2:
_tile_overlayer_lowered:
.L_overlay_start_2:
0x5b: {  	(tag) =	ssettag $0x2  }
0x5c: {  	s0 =	rddreg [dreg:$0x0];
	s2 =	stileid.u32  }
0x5d: {  	s1 =	rddreg [dreg:$0x1];
	p0 =	sne.s32 s2, $0x0  }
0x5e: {  	s3 =	rddreg [dreg:$0x2];
	[bflag:$0x3] =	sbarrier.arrive $0xFFFF;
	s2 =	simm.s32 @!p0 $0x1C03  }
0x5f: {  	[timem:s3], [sflag:s2] =	dma.local @!p0 [hbm:s0], s1  }
0x60: {  	s0 =	simm.s32 @!p0 $0x3  }
0x61: {  	_ =	swait.ge @!p0 [sflag:s0], s1  }
0x62: {  	s1 =	ssub.s32 @!p0 $0x0, s1;
	[sflag:s0] =	ssyncset.done @!p0 $0x0  }
0x63: {  	[sflag:s0] =	ssyncadd.s32 @!p0 s1  }
0x64: {  	[bflag:$0x3] =	sbarrier.arrive $0xFFFF  }
0x65: {  	_ =	shalt  }

// kernel: kernel.24.cloned.1.call-start
scs
__scs_entry_jumppad:
0x0: {  	(pc) =	sbr.rel $0x88, $3  }
0x1: {  	(tag) =	ssettag $0x0;
	lr =	simm.s32 $0x1  }
0x2: {  	[smem:$0x3F53] =	sst lr;
	_ =	strace $0xD0000000  }
0x3: {  	_ = 	snop  }
0x4: {  	_ = 	snop  }
0x5: {  	_ = 	snop  }
0x6: {  	_ = 	snop  }
0x7: {  	_ = 	snop  }
__scs_overlays_trampoline_lowered:
0x8: {  	[smem:$0x3F62] =	sst s0  }
0x9: {  	[smem:$0x3F63] =	sst s1  }
0xa: {  	[smem:$0x3F64] =	sst s2  }
0xb: {  	[smem:$0x3F65] =	sst s3  }
0xc: {  	[smem:$0x3F66] =	sst s4  }
0xd: {  	[smem:$0x3F67] =	sst s5  }
0xe: {  	[smem:$0x3F68] =	sst s6  }
0xf: {  	[smem:$0x3F69] =	sst s7  }
0x10: {  	[smem:$0x3F6A] =	sst s8  }
0x11: {  	[smem:$0x3F6B] =	sst s9;
	s0 =	simm.s32 @!p0 $0x0  }
0x12: {  	s1 =	sld [smem:$0x3F51];
	s0 =	simm.s32 @p0 $0x1  }
0x13: {  	[smem:$0x3F6C] =	sst s0;
	s0 =	simm.s32 @!p1 $0x0  }
0x14: {  	s2 =	sld [smem:$0x3F50];
	s0 =	simm.s32 @p1 $0x1  }
0x15: {  	[smem:$0x3F6D] =	sst s0;
	s0 =	simm.s32 @!p2 $0x0  }
0x16: {  	s3 =	sld [smem:$0x3FDB];
	s0 =	simm.s32 @p2 $0x1  }
0x17: {  	s4 =	simm.s32 $0x1BF5;
	[smem:$0x3F6F] =	sst s0  }
0x18: {  	s0 =	sld [smem:$0x3F52];
	_ =	swait.ge [sflag:s4], $0x0  }
0x19: {  	s7 =	sld [smem:$0x3F53]  }
0x1a: {  	s8 =	sadd.s32 $0xFFFFE003, lr  }
0x1b: {  	s9 =	sadd.s32 $0xFFFFFEF7, lr;
	s5 =	simm.s32 $0xFFFFFFFF;
	p2 =	slt.u32 s8, $0xFFFFF086  }
0x1c: {  	p1 =	slt.u32 s9, $0xF7A;
	s5 =	simm.s32 @!p2 $0x0  }
0x1d: {  	s5 =	simm.s32 @p1 $0x1;
	p0 =	seq.s32 s7, s2  }
0x1e: {  	s7 =	smul.u32 @!p0 $0xF7A, s2;
	p2 =	seq.s32 @!p0 s5, $0x0  }
0x1f: {  	s9 =	smul.u32 $0xF7A, s1;
	s8 =	simm.s32 @!p0 $0x1BF5;
	p2 =	por !p2, p0  }
0x20: {  	[sflag:s8] =	ssyncset.s32 @!p0 $0xFFFFF086;
	s6 =	sadd.s32 @!p0 s3, s7;
	s7 =	simm.s32 @!p0 $0x108  }
0x21: {  	s3 =	sadd.s32 s3, s9;
	s6 =	sadd.s32 @!p0 $0x88, s6;
	s7 =	simm.s32 @p2 $0x1082  }
0x22: {  	[simem:s7], [sflag:s8] =	dma.local @!p0 [hbm:s6], $0xF7A  }
0x23: {  	s9 =	sor.u32 $0xD0000000, s2;
	s6 =	simm.s32 $0x108;
	_ =	swait.ge @!p0 [sflag:s8], $0x0  }
0x24: {  	s3 =	sadd.s32 $0x88, s3;
	s6 =	simm.s32 @!p1 $0x1082;
	[sflag:s4] =	ssyncset.s32 $0xFFFFF086  }
0x25: {  	[simem:s6], [sflag:s4] =	dma.local [hbm:s3], $0xF7A  }
0x26: {  	[smem:$0x3F53] =	sst s1;
	(tag) =	ssettag s2;
	_ =	strace s9  }
0x27: {  	s1 =	sld [smem:$0x3F63]  }
0x28: {  	s2 =	sld [smem:$0x3F64]  }
0x29: {  	s4 =	sld [smem:$0x3F66]  }
0x2a: {  	p0 =	seq.s32 s5, $0x0;
	s5 =	sld [smem:$0x3F67]  }
0x2b: {  	s6 =	sld [smem:$0x3F68]  }
0x2c: {  	s7 =	sld [smem:$0x3F69]  }
0x2d: {  	s3 =	simm.s32 $0x108;
	s8 =	sld [smem:$0x3F6A]  }
0x2e: {  	s3 =	simm.s32 @!p0 $0x1082;
	s9 =	sld [smem:$0x3F6B]  }
0x2f: {  	lr =	sadd.s32 s0, s3;
	s0 =	sld [smem:$0x3F62]  }
0x30: {  	s3 =	sld [smem:$0x3F65]  }
0x31: {  	[smem:$0x3F6E] =	sst s10  }
0x32: {  	s10 =	sld [smem:$0x3F6C];
	_ =	sdelay $0x3  }
0x33: {  	p0 =	seq.s32 s10, $0x1;
	s10 =	sld [smem:$0x3F6E];
	_ =	sdelay $0x3  }
0x34: {  	[smem:$0x3F6E] =	sst s10  }
0x35: {  	s10 =	sld [smem:$0x3F6D];
	_ =	sdelay $0x3  }
0x36: {  	p1 =	seq.s32 s10, $0x1;
	s10 =	sld [smem:$0x3F6E];
	_ =	sdelay $0x3  }
0x37: {  	[smem:$0x3F6E] =	sst s10  }
0x38: {  	s10 =	sld [smem:$0x3F6F]  }
0x39: {  	_ = 	snop;
	(pc) =	sbr.ind lr, $3  }
0x3a: {  	_ = 	snop  }
0x3b: {  	_ = 	snop  }
0x3c: {  	p2 =	seq.s32 s10, $0x1;
	s10 =	sld [smem:$0x3F6E]  }
0x3d: {  	_ =	shalt  }
0x3e: {  	_ =	shalt  }
0x3f: {  	_ =	shalt  }
0x40: {  	_ =	shalt  }
0x41: {  	_ =	shalt  }
0x42: {  	_ =	shalt  }
0x43: {  	_ =	shalt  }
0x44: {  	_ =	shalt  }
0x45: {  	_ =	shalt  }
0x46: {  	_ =	shalt  }
0x47: {  	_ =	shalt  }
0x48: {  	_ =	shalt  }
0x49: {  	_ =	shalt  }
0x4a: {  	_ =	shalt  }
0x4b: {  	_ =	shalt  }
0x4c: {  	_ =	shalt  }
0x4d: {  	_ =	shalt  }
0x4e: {  	_ =	shalt  }
0x4f: {  	_ =	shalt  }
0x50: {  	_ =	shalt  }
0x51: {  	_ =	shalt  }
0x52: {  	_ =	shalt  }
0x53: {  	_ =	shalt  }
0x54: {  	_ =	shalt  }
0x55: {  	_ =	shalt  }
0x56: {  	_ =	shalt  }
0x57: {  	_ =	shalt  }
0x58: {  	_ =	shalt  }
0x59: {  	_ =	shalt  }
0x5a: {  	_ =	shalt  }
0x5b: {  	_ =	shalt  }
0x5c: {  	_ =	shalt  }
0x5d: {  	_ =	shalt  }
0x5e: {  	_ =	shalt  }
0x5f: {  	_ =	shalt  }
0x60: {  	_ =	shalt  }
0x61: {  	_ =	shalt  }
0x62: {  	_ =	shalt  }
0x63: {  	_ =	shalt  }
0x64: {  	_ =	shalt  }
0x65: {  	_ =	shalt  }
0x66: {  	_ =	shalt  }
0x67: {  	_ =	shalt  }
0x68: {  	_ =	shalt  }
0x69: {  	_ =	shalt  }
0x6a: {  	_ =	shalt  }
0x6b: {  	_ =	shalt  }
0x6c: {  	_ =	shalt  }
0x6d: {  	_ =	shalt  }
0x6e: {  	_ =	shalt  }
0x6f: {  	_ =	shalt  }
0x70: {  	_ =	shalt  }
0x71: {  	_ =	shalt  }
0x72: {  	_ =	shalt  }
0x73: {  	_ =	shalt  }
0x74: {  	_ =	shalt  }
0x75: {  	_ =	shalt  }
0x76: {  	_ =	shalt  }
0x77: {  	_ =	shalt  }
0x78: {  	_ =	shalt  }
0x79: {  	_ =	shalt  }
0x7a: {  	_ =	shalt  }
0x7b: {  	_ =	shalt  }
0x7c: {  	_ =	shalt  }
0x7d: {  	_ =	shalt  }
0x7e: {  	_ =	shalt  }
0x7f: {  	_ =	shalt  }
0x80: {  	_ =	shalt  }
0x81: {  	_ =	shalt  }
0x82: {  	_ =	shalt  }
0x83: {  	_ =	shalt  }
0x84: {  	_ =	shalt  }
0x85: {  	_ =	shalt  }
0x86: {  	_ =	shalt  }
0x87: {  	_ =	shalt  }
.Lfunc_end0:
.L_simem_size_0:
called_computation.2_lowered:
.L_overlay_start_0:
0x88: {  	s2 =	sld [smem:$0x3FD9]  }
0x89: {  	s3 =	sld [smem:$0x3FFE];
	_ =	sdelay $0x1  }
0x8a: {  	s1 =	srdreg.scid  }
0x8b: {  	s0 =	sand.u32 $0x1, s1  }
0x8c: {  	s16 =	sshll.u32 s0, $0xA;
	s2 =	sadd.s32 s3, s2  }
0x8d: {  	s2 =	sadd.s32 s2, s16  }
0x8e: {  	[smem:$0x3F7A] =	sst s2  }
0x8f: {  	_ = 	snop  }
0x90: {  	(tm) =	ssettm $0x1  }
0x91: {  	s17 =	sld [smem:$0x3FFB];
	_ =	sdelay $0x3  }
0x92: {  	_ =	strace s17  }
0x93: {  	s2 =	sld [smem:$0x3FFC];
	_ =	sdelay $0x3  }
0x94: {  	_ =	strace s2  }
0x95: {  	s2 =	sld [smem:$0x3FFD];
	_ =	sdelay $0x3  }
0x96: {  	_ =	strace s2  }
0x97: {  	_ =	strace $0x8FFFFFFF  }
0x98: {  	s18 =	sld [smem:$0x3FDB];
	_ =	sdelay $0x1  }
0x99: {  	s19 =	simm.s32 $_scs_section_size  }
0x9a: {  	s4 =	simm.s32 $_size__tile_overlayer_lowered;
	s5 =	simm.s32 $_tile_overlayer_lowered  }
0x9b: {  	s22 =	simm.s32 $0x1BFF;
	s21 =	sshll.u32 s5, $0x1;
	s2 =	sadd.s32 s19, s18  }
0x9c: {  	s6 =	simm.s32 $0x0;
	s20 =	sshll.u32 s4, $0x1;
	s4 =	sadd.s32 s21, s2  }
0x9d: {  	[timem:s6], [sflag:s22] =	dma.local [hbm:s4], s20  }
0x9e: {  	_ =	swait.ge [sflag:s22], s20  }
0x9f: {  	s3 =	ssub.s32 $0x0, s20;
	[sflag:s22] =	ssyncset.done $0x0  }
0xa0: {  	[sflag:s22] =	ssyncadd.s32 s3;
	_ =	sdelay $0x1  }
0xa1: {  	s23 =	simm.s32 $0x1B8B  }
0xa2: {  	_ =	swait.ge [sflag:s23], $0x1  }
0xa3: {  	[sflag:s23] =	ssyncset.done $0x0  }
0xa4: {  	s25 =	simm.s32 $0x1B8E;
	s24 =	sld [smem:$0x3FFE];
	[sflag:s23] =	ssyncadd.s32 $0xFFFFFFFF  }
0xa5: {  	s26 =	simm.s32 $execute0_lowered;
	[smem:$0x3FD2] =	sst s25  }
0xa6: {  	s4 =	sshll.u32 s26, $0x1;
	_ =	strace $0x8000004C;
	[dreg:$0x1] =	wrdreg $0xFFFFFFFF  }
0xa7: {  	s28 =	simm.s32 $_size_execute0_lowered;
	s2 =	sadd.s32 s2, s4;
	[dreg:$0x0] =	wrdreg $0x0  }
0xa8: {  	s4 =	sshll.u32 s28, $0x1;
	[dreg:$0x2] =	wrdreg s2  }
0xa9: {  	[dreg:$0x3] =	wrdreg s4  }
0xaa: {  	[dreg:$0x4] =	wrdreg $0xC0  }
0xab: {  	_ =	task [dreg:s6], $0x5FFFF  }
0xac: {  	[dreg:$0x1] =	wrdreg $0xFFFFFFFF  }
0xad: {  	[dreg:$0x0] =	wrdreg $0x60  }
0xae: {  	[dreg:$0x2] =	wrdreg s24  }
0xaf: {  	[dreg:$0x3] =	wrdreg $0xBD000  }
0xb0: {  	[dreg:$0x4] =	wrdreg $0x9  }
0xb1: {  	_ =	task.clear_ibuf [dreg:s6], $0x5FFFF;
	_ =	strace $0x9000004C  }
0xb2: {  	s29 =	simm.s32 $0x9;
	_ =	strace $0x8000004E  }
0xb3: {  	_ =	swait.ge [sflag:s29], $0x1  }
0xb4: {  	[sflag:s29] =	ssyncadd.s32 $0xFFFFFFFF  }
0xb5: {  	_ =	strace $0x9000004E  }
0xb6: {  	_ =	sfence  }
0xb7: {  	s30 =	sld [smem:$0x0];
	_ =	sdelay $0x2  }
0xb8: {  	s31 =	sshll.u32 s1, $0xD;
	s1 =	sshrl.u32 s1, $0x2  }
0xb9: {  	s3 =	sand.u32 $0x4000, s31;
	s1 =	sadd.s32 s1, s30  }
0xba: {  	s0 =	sor.u32 s3, s0;
	s1 =	sshll.u32 s1, $0x11  }
0xbb: {  	s0 =	sor.u32 s1, s0  }
0xbc: {  	s0 =	sadd.s32 $0x8F2B, s0  }
0xbd: {  	[sflag:s0] =	ssyncadd.remote.s32 $0x1  }
0xbe: {  	_ =	sfence.sel $0xFFFF  }
0xbf: {  	[dreg:$0x0] =	wrdreg $0xFFFFFFFF;
	(pc) =	sbr.abs _section_cstart, $3  }
0xc0: {  	[dreg:$0x1] =	wrdreg $0xFFFFFFFF  }
0xc1: {  	_ =	task.clear_ibuf [dreg:s6], $0x2FFFF;
	_ =	strace $0x9FFFFFFF  }
0xc2: {  	(tm) =	ssettm $0x7FFFFFFF  }
0xc3: {  	_ =	shalt  }
tec
execute0_lowered:
.L_overlay_start_1:
0x0: {  	(tag) =	ssettag $0x1  }
0x1: {  	s5 =	rddreg [dreg:$0x0]  }
0x2: {  	s0 =	srdreg.scid;
	s2 =	rddreg [dreg:$0x1]  }
0x3: {  	s1 =	rddreg [dreg:$0x2];
	s3 =	simm.s32 $0x0;
	s14 =	simm.s32 $0x4E80  }
0x4: {  	s15 =	simm.s32 $0x9D00;
	s16 =	simm.s32 $0x3;
	s6 =	sand.u32 $0x1, s0  }
0x5: {  	s17 =	simm.s32 $0x1;
	s0 =	stileid.u32;
	s7 =	smul.u32 $0x4E800, s6  }
0x6: {  	s18 =	simm.s32 $0x80;
	s19 =	simm.s32 $0x2;
	s8 =	smul.u32 $0x4E80, s0  }
0x7: {  	s22 =	simm.s32 $0x0;
	[smem:$0x7FF] =	sst s3;
	s9 =	smul.u32 $0xA000, s0  }
0x8: {  	s4 =	sadd.s32 $0x34E00, s5;
	s10 =	smul.u32 $0xA0000, s6;
	_ =	strace $0x8000004D  }
0x9: {  	s29 =	smul.u32 $0x28000, s0;
	s6 =	ssub.s32 $0x2, s6;
	s20 =	sshll.u32 s0, $0x6  }
0xa: {  	s30 =	sshrl.u32 s6, $0x1;
	s20 =	sor.u32 $0x1C03, s20;
	s7 =	sadd.s32 s8, s7  }
0xb: {  	s28 =	sadd.s32 s9, s10;
	s31 =	sshrl.u32 s29, $0x2;
	s13 =	ssub.s32 s6, s30  }
0xc: {  	s7 =	sshrl.u32 s7, $0x3;
	s8 =	sshrl.u32 s28, $0x3;
	s11 =	sadd.s32 s31, s2  }
0xd: {  	s13 =	smax.u32 s13, $0x1;
	s7 =	sadd.s32 s7, s5;
	s12 =	sadd.s32 s8, s5  }
0xe: {  	s8 =	sadd.s32 $0x2000, s11;
	s10 =	sadd.s32 $0x6000, s11;
	s5 =	sadd.s32 $0xDA00, s7  }
0xf: {  	s6 =	sadd.s32 $0x21400, s7;
	s7 =	sadd.s32 s9, s2;
	s9 =	sadd.s32 $0x4000, s11  }
0x10: {  	v0 =	vimm.f32 $0.0e+00;
	s11 =	sadd.s32 $0x8000, s11;
	s12 =	sadd.s32 $0x5C000, s12;
	s21 =	sshrl.u32 s7, $0x3  }
.LBB2_1:
0x11: {  	[tilespmem:s3], [sflag:$0x1] =	stream.linear.gather [hbm4b:s5+s3], $0x4E80, $0x38;
	[tilespmem:$0x15D00] =	vst v63  }
0x12: {  	s24 =	simm.s32 $0x100;
	s23 =	simm.s32 $0x0  }
0x13: {  	[tilespmem:s14], [sflag:$0x1] =	stream.linear.gather [hbm4b:s6+s3], $0x4E80, $0x38;
	[tilespmem:$0x15D00] =	vst v63  }
.LBB2_2:
0x14: {  	p0 =	sne.s32 s24, $0x7F00;
	[tilespmem:s23+$0x9D30] =	vst v0;
	s25 =	smov.u32 s24;
	s24 =	sadd.s32 $0x100, s24  }
.Ltmp0:
0x15: {  	[tilespmem:s23+$0x9D20] =	vst v0;
	(pc) =	sbr.rel @p0 .LBB2_2-.Ltmp0, $3  }
0x16: {  	[tilespmem:s23+$0x9D00] =	vst v0  }
0x17: {  	[tilespmem:s23+$0x9D10] =	vst v0;
	_ =	sdelay $0x1  }
0x18: {  	s23 =	sshra.s32 s25, $0x2  }
0x19: {  	[tilespmem:s23+$0x9D30] =	vst v0  }
0x1a: {  	[tilespmem:s23+$0x9D20] =	vst v0  }
0x1b: {  	[tilespmem:s23+$0x9D00] =	vst v0  }
0x1c: {  	[tilespmem:s23+$0x9D10] =	vst v0  }
0x1d: {  	[spmem:s7] =	stream.linear.scatter [tilespmem:s15], [sflag:$0x3], $0x2000, $0x38;
	[tilespmem:$0x15D00] =	vst v63  }
0x1e: {  	_ =	swait.ge [sflag:s16], $0x2000  }
0x1f: {  	[sflag:s16] =	ssyncset.done $0x0  }
0x20: {  	[sflag:s16] =	ssyncadd.s32 $0xFFFFE000  }
0x21: {  	[spmem:s8] =	stream.linear.scatter [tilespmem:s15], [sflag:$0x3], $0x2000, $0x38;
	[tilespmem:$0x15D00] =	vst v63  }
0x22: {  	_ =	swait.ge [sflag:s16], $0x2000  }
0x23: {  	[sflag:s16] =	ssyncset.done $0x0  }
0x24: {  	[sflag:s16] =	ssyncadd.s32 $0xFFFFE000  }
0x25: {  	[spmem:s9] =	stream.linear.scatter [tilespmem:s15], [sflag:$0x3], $0x2000, $0x38;
	[tilespmem:$0x15D00] =	vst v63  }
0x26: {  	_ =	swait.ge [sflag:s16], $0x2000  }
0x27: {  	[sflag:s16] =	ssyncset.done $0x0  }
0x28: {  	[sflag:s16] =	ssyncadd.s32 $0xFFFFE000  }
0x29: {  	[spmem:s10] =	stream.linear.scatter [tilespmem:s15], [sflag:$0x3], $0x2000, $0x38;
	[tilespmem:$0x15D00] =	vst v63  }
0x2a: {  	_ =	swait.ge [sflag:s16], $0x2000  }
0x2b: {  	[sflag:s16] =	ssyncset.done $0x0  }
0x2c: {  	[sflag:s16] =	ssyncadd.s32 $0xFFFFE000  }
0x2d: {  	[spmem:s11] =	stream.linear.scatter [tilespmem:s15], [sflag:$0x3], $0x2000, $0x38;
	[tilespmem:$0x15D00] =	vst v63  }
0x2e: {  	_ =	swait.ge [sflag:s16], $0x2000  }
0x2f: {  	[sflag:s16] =	ssyncset.done $0x0  }
0x30: {  	[sflag:s16] =	ssyncadd.s32 $0xFFFFE000  }
0x31: {  	_ =	swait.ge [sflag:s17], $0x4E80  }
0x32: {  	[sflag:s17] =	ssyncset.done $0x0  }
0x33: {  	[sflag:s17] =	ssyncadd.s32 $0xFFFFB180  }
0x34: {  	_ =	swait.ge [sflag:s17], $0x4E80  }
0x35: {  	[sflag:s17] =	ssyncset.done $0x0  }
0x36: {  	[sflag:s17] =	ssyncadd.s32 $0xFFFFB180  }
0x37: {  	s30 =	simm.s32 $0x0;
	[bflag:$0x0] =	sbarrier.arrive $0xFFFF  }
0x38: {  	[tilespmem:s15], [sflag:$0x2] =	stream.indirect.gather [hbm4b:s4+s18], $0x40, s30, s18, $0xb8;
	[tilespmem:$0x15D00] =	vst v63  }
0x39: {  	_ =	swait.ge [sflag:s19], $0x2000  }
0x3a: {  	[sflag:s19] =	ssyncset.done $0x0  }
0x3b: {  	s31 =	simm.s32 $0x4E80;
	[sflag:s19] =	ssyncadd.s32 $0xFFFFE000  }
0x3c: {  	[spmem:s2] =	stream.indirect.scatter.add.f32 [tilespmem:s15], [sflag:$0x3], $0x40, s31, s18, $0xb8;
	[tilespmem:$0x15D00] =	vst v63  }
0x3d: {  	_ =	swait.ge [sflag:s16], $0x2000  }
0x3e: {  	s23 =	simm.s32 $0x200;
	s24 =	simm.s32 $0x400;
	[sflag:s16] =	ssyncset.done $0x0  }
.LBB2_4:
0x3f: {  	s25 =	sshra.s32 s23, $0x2  }
0x40: {  	[sflag:s16] =	ssyncadd.s32 $0xFFFFE000;
	s23 =	smov.u32 s24;
	s26 =	sadd.s32 $0x200, s24  }
0x41: {  	[tilespmem:s15], [sflag:$0x2] =	stream.indirect.gather [hbm4b:s4+s18], $0x40, s25, s18, $0xb8;
	[tilespmem:$0x15D00] =	vst v63  }
0x42: {  	p0 =	sne.s32 s24, $0x13800;
	_ =	swait.ge [sflag:s19], $0x2000  }
.Ltmp1:
0x43: {  	[sflag:s19] =	ssyncset.done $0x0;
	(pc) =	sbr.rel @p0 .LBB2_4-.Ltmp1, $4  }
0x44: {  	s24 =	sadd.s32 $0x4E80, s25;
	[sflag:s19] =	ssyncadd.s32 $0xFFFFE000  }
0x45: {  	[spmem:s2] =	stream.indirect.scatter.add.f32 [tilespmem:s15], [sflag:$0x3], $0x40, s24, s18, $0xb8;
	[tilespmem:$0x15D00] =	vst v63  }
0x46: {  	_ =	swait.ge [sflag:s16], $0x2000  }
0x47: {  	s24 =	smov.u32 s26;
	[sflag:s16] =	ssyncset.done $0x0  }
0x48: {  	s23 =	sshra.s32 s23, $0x2;
	[sflag:s16] =	ssyncadd.s32 $0xFFFFE000  }
0x49: {  	[tilespmem:s15], [sflag:$0x2] =	stream.indirect.gather [hbm4b:s4+s18], $0x40, s23, s18, $0xb8;
	[tilespmem:$0x15D00] =	vst v63  }
0x4a: {  	_ =	swait.ge [sflag:s19], $0x2000  }
0x4b: {  	[sflag:s19] =	ssyncset.done $0x0  }
0x4c: {  	s23 =	sadd.s32 $0x4E80, s23;
	[sflag:s19] =	ssyncadd.s32 $0xFFFFE000  }
0x4d: {  	[spmem:s2] =	stream.indirect.scatter.add.f32 [tilespmem:s15], [sflag:$0x3], $0x40, s23, s18, $0xb8;
	[tilespmem:$0x15D00] =	vst v63  }
0x4e: {  	_ =	swait.ge [sflag:s16], $0x2000  }
0x4f: {  	s22 =	sadd.s32 $0x1, s22;
	[sflag:s16] =	ssyncset.done $0x0  }
0x50: {  	p0 =	sne.s32 s22, s13;
	[sflag:s16] =	ssyncadd.s32 $0xFFFFE000  }
.Ltmp2:
0x51: {  	[bflag:$0x0] =	sbarrier.arrive $0xFFFF;
	(pc) =	sbr.rel @p0 .LBB2_1-.Ltmp2, $4  }
0x52: {  	[hbm:s12], [sflag:s20] =	dma.local [spmem:s21], $0x1400  }
0x53: {  	_ =	swait.ge [sflag:s16], $0x1400  }
0x54: {  	[sflag:s16] =	ssyncset.done $0x0  }
0x55: {  	[sflag:s16] =	ssyncadd.s32 $0xFFFFEC00  }
0x56: {  	_ =	sfence.sel $0x180000  }
0x57: {  	[bflag:$0x0] =	sbarrier.arrive $0xFFFF  }
0x58: {  	p0 =	sne.s32 s0, $0x0;
	_ =	strace $0x9000004D  }
0x59: {  	s0 =	sadd.s32 @!p0 $0x100000, s1;
	[bflag:$0x2] =	sbarrier.arrive $0xFFFF  }
0x5a: {  	[sflag:s0] =	ssyncadd.tile.s32 @!p0 $0x1;
	_ =	shalt  }
.Lfunc_end2:
_tile_overlayer_lowered:
.L_overlay_start_2:
0x5b: {  	(tag) =	ssettag $0x2  }
0x5c: {  	s0 =	rddreg [dreg:$0x0];
	s2 =	stileid.u32  }
0x5d: {  	s1 =	rddreg [dreg:$0x1];
	p0 =	sne.s32 s2, $0x0  }
0x5e: {  	s3 =	rddreg [dreg:$0x2];
	[bflag:$0x3] =	sbarrier.arrive $0xFFFF;
	s2 =	simm.s32 @!p0 $0x1C03  }
0x5f: {  	[timem:s3], [sflag:s2] =	dma.local @!p0 [hbm:s0], s1  }
0x60: {  	s0 =	simm.s32 @!p0 $0x3  }
0x61: {  	_ =	swait.ge @!p0 [sflag:s0], s1  }
0x62: {  	s1 =	ssub.s32 @!p0 $0x0, s1;
	[sflag:s0] =	ssyncset.done @!p0 $0x0  }
0x63: {  	[sflag:s0] =	ssyncadd.s32 @!p0 s1  }
0x64: {  	[bflag:$0x3] =	sbarrier.arrive $0xFFFF  }
0x65: {  	_ =	shalt  }

// kernel: kernel.27.cloned.1.call-start
scs
__scs_entry_jumppad:
0x0: {  	(pc) =	sbr.rel $0x88, $3  }
0x1: {  	(tag) =	ssettag $0x0;
	lr =	simm.s32 $0x1  }
0x2: {  	[smem:$0x3F53] =	sst lr;
	_ =	strace $0xD0000000  }
0x3: {  	_ = 	snop  }
0x4: {  	_ = 	snop  }
0x5: {  	_ = 	snop  }
0x6: {  	_ = 	snop  }
0x7: {  	_ = 	snop  }
__scs_overlays_trampoline_lowered:
0x8: {  	[smem:$0x3F62] =	sst s0  }
0x9: {  	[smem:$0x3F63] =	sst s1  }
0xa: {  	[smem:$0x3F64] =	sst s2  }
0xb: {  	[smem:$0x3F65] =	sst s3  }
0xc: {  	[smem:$0x3F66] =	sst s4  }
0xd: {  	[smem:$0x3F67] =	sst s5  }
0xe: {  	[smem:$0x3F68] =	sst s6  }
0xf: {  	[smem:$0x3F69] =	sst s7  }
0x10: {  	[smem:$0x3F6A] =	sst s8  }
0x11: {  	[smem:$0x3F6B] =	sst s9;
	s0 =	simm.s32 @!p0 $0x0  }
0x12: {  	s1 =	sld [smem:$0x3F51];
	s0 =	simm.s32 @p0 $0x1  }
0x13: {  	[smem:$0x3F6C] =	sst s0;
	s0 =	simm.s32 @!p1 $0x0  }
0x14: {  	s2 =	sld [smem:$0x3F50];
	s0 =	simm.s32 @p1 $0x1  }
0x15: {  	[smem:$0x3F6D] =	sst s0;
	s0 =	simm.s32 @!p2 $0x0  }
0x16: {  	s3 =	sld [smem:$0x3FDB];
	s0 =	simm.s32 @p2 $0x1  }
0x17: {  	s4 =	simm.s32 $0x1BF5;
	[smem:$0x3F6F] =	sst s0  }
0x18: {  	s0 =	sld [smem:$0x3F52];
	_ =	swait.ge [sflag:s4], $0x0  }
0x19: {  	s7 =	sld [smem:$0x3F53]  }
0x1a: {  	s8 =	sadd.s32 $0xFFFFE003, lr  }
0x1b: {  	s9 =	sadd.s32 $0xFFFFFEF7, lr;
	s5 =	simm.s32 $0xFFFFFFFF;
	p2 =	slt.u32 s8, $0xFFFFF086  }
0x1c: {  	p1 =	slt.u32 s9, $0xF7A;
	s5 =	simm.s32 @!p2 $0x0  }
0x1d: {  	s5 =	simm.s32 @p1 $0x1;
	p0 =	seq.s32 s7, s2  }
0x1e: {  	s7 =	smul.u32 @!p0 $0xF7A, s2;
	p2 =	seq.s32 @!p0 s5, $0x0  }
0x1f: {  	s9 =	smul.u32 $0xF7A, s1;
	s8 =	simm.s32 @!p0 $0x1BF5;
	p2 =	por !p2, p0  }
0x20: {  	[sflag:s8] =	ssyncset.s32 @!p0 $0xFFFFF086;
	s6 =	sadd.s32 @!p0 s3, s7;
	s7 =	simm.s32 @!p0 $0x108  }
0x21: {  	s3 =	sadd.s32 s3, s9;
	s6 =	sadd.s32 @!p0 $0x88, s6;
	s7 =	simm.s32 @p2 $0x1082  }
0x22: {  	[simem:s7], [sflag:s8] =	dma.local @!p0 [hbm:s6], $0xF7A  }
0x23: {  	s9 =	sor.u32 $0xD0000000, s2;
	s6 =	simm.s32 $0x108;
	_ =	swait.ge @!p0 [sflag:s8], $0x0  }
0x24: {  	s3 =	sadd.s32 $0x88, s3;
	s6 =	simm.s32 @!p1 $0x1082;
	[sflag:s4] =	ssyncset.s32 $0xFFFFF086  }
0x25: {  	[simem:s6], [sflag:s4] =	dma.local [hbm:s3], $0xF7A  }
0x26: {  	[smem:$0x3F53] =	sst s1;
	(tag) =	ssettag s2;
	_ =	strace s9  }
0x27: {  	s1 =	sld [smem:$0x3F63]  }
0x28: {  	s2 =	sld [smem:$0x3F64]  }
0x29: {  	s4 =	sld [smem:$0x3F66]  }
0x2a: {  	p0 =	seq.s32 s5, $0x0;
	s5 =	sld [smem:$0x3F67]  }
0x2b: {  	s6 =	sld [smem:$0x3F68]  }
0x2c: {  	s7 =	sld [smem:$0x3F69]  }
0x2d: {  	s3 =	simm.s32 $0x108;
	s8 =	sld [smem:$0x3F6A]  }
0x2e: {  	s3 =	simm.s32 @!p0 $0x1082;
	s9 =	sld [smem:$0x3F6B]  }
0x2f: {  	lr =	sadd.s32 s0, s3;
	s0 =	sld [smem:$0x3F62]  }
0x30: {  	s3 =	sld [smem:$0x3F65]  }
0x31: {  	[smem:$0x3F6E] =	sst s10  }
0x32: {  	s10 =	sld [smem:$0x3F6C];
	_ =	sdelay $0x3  }
0x33: {  	p0 =	seq.s32 s10, $0x1;
	s10 =	sld [smem:$0x3F6E];
	_ =	sdelay $0x3  }
0x34: {  	[smem:$0x3F6E] =	sst s10  }
0x35: {  	s10 =	sld [smem:$0x3F6D];
	_ =	sdelay $0x3  }
0x36: {  	p1 =	seq.s32 s10, $0x1;
	s10 =	sld [smem:$0x3F6E];
	_ =	sdelay $0x3  }
0x37: {  	[smem:$0x3F6E] =	sst s10  }
0x38: {  	s10 =	sld [smem:$0x3F6F]  }
0x39: {  	_ = 	snop;
	(pc) =	sbr.ind lr, $3  }
0x3a: {  	_ = 	snop  }
0x3b: {  	_ = 	snop  }
0x3c: {  	p2 =	seq.s32 s10, $0x1;
	s10 =	sld [smem:$0x3F6E]  }
0x3d: {  	_ =	shalt  }
0x3e: {  	_ =	shalt  }
0x3f: {  	_ =	shalt  }
0x40: {  	_ =	shalt  }
0x41: {  	_ =	shalt  }
0x42: {  	_ =	shalt  }
0x43: {  	_ =	shalt  }
0x44: {  	_ =	shalt  }
0x45: {  	_ =	shalt  }
0x46: {  	_ =	shalt  }
0x47: {  	_ =	shalt  }
0x48: {  	_ =	shalt  }
0x49: {  	_ =	shalt  }
0x4a: {  	_ =	shalt  }
0x4b: {  	_ =	shalt  }
0x4c: {  	_ =	shalt  }
0x4d: {  	_ =	shalt  }
0x4e: {  	_ =	shalt  }
0x4f: {  	_ =	shalt  }
0x50: {  	_ =	shalt  }
0x51: {  	_ =	shalt  }
0x52: {  	_ =	shalt  }
0x53: {  	_ =	shalt  }
0x54: {  	_ =	shalt  }
0x55: {  	_ =	shalt  }
0x56: {  	_ =	shalt  }
0x57: {  	_ =	shalt  }
0x58: {  	_ =	shalt  }
0x59: {  	_ =	shalt  }
0x5a: {  	_ =	shalt  }
0x5b: {  	_ =	shalt  }
0x5c: {  	_ =	shalt  }
0x5d: {  	_ =	shalt  }
0x5e: {  	_ =	shalt  }
0x5f: {  	_ =	shalt  }
0x60: {  	_ =	shalt  }
0x61: {  	_ =	shalt  }
0x62: {  	_ =	shalt  }
0x63: {  	_ =	shalt  }
0x64: {  	_ =	shalt  }
0x65: {  	_ =	shalt  }
0x66: {  	_ =	shalt  }
0x67: {  	_ =	shalt  }
0x68: {  	_ =	shalt  }
0x69: {  	_ =	shalt  }
0x6a: {  	_ =	shalt  }
0x6b: {  	_ =	shalt  }
0x6c: {  	_ =	shalt  }
0x6d: {  	_ =	shalt  }
0x6e: {  	_ =	shalt  }
0x6f: {  	_ =	shalt  }
0x70: {  	_ =	shalt  }
0x71: {  	_ =	shalt  }
0x72: {  	_ =	shalt  }
0x73: {  	_ =	shalt  }
0x74: {  	_ =	shalt  }
0x75: {  	_ =	shalt  }
0x76: {  	_ =	shalt  }
0x77: {  	_ =	shalt  }
0x78: {  	_ =	shalt  }
0x79: {  	_ =	shalt  }
0x7a: {  	_ =	shalt  }
0x7b: {  	_ =	shalt  }
0x7c: {  	_ =	shalt  }
0x7d: {  	_ =	shalt  }
0x7e: {  	_ =	shalt  }
0x7f: {  	_ =	shalt  }
0x80: {  	_ =	shalt  }
0x81: {  	_ =	shalt  }
0x82: {  	_ =	shalt  }
0x83: {  	_ =	shalt  }
0x84: {  	_ =	shalt  }
0x85: {  	_ =	shalt  }
0x86: {  	_ =	shalt  }
0x87: {  	_ =	shalt  }
.Lfunc_end0:
.L_simem_size_0:
called_computation.3_lowered:
.L_overlay_start_0:
0x88: {  	s2 =	sld [smem:$0x3FD9]  }
0x89: {  	s3 =	sld [smem:$0x3FFE];
	_ =	sdelay $0x1  }
0x8a: {  	s1 =	srdreg.scid  }
0x8b: {  	s0 =	sand.u32 $0x1, s1  }
0x8c: {  	s16 =	sshll.u32 s0, $0xA;
	s2 =	sadd.s32 s3, s2  }
0x8d: {  	s2 =	sadd.s32 s2, s16  }
0x8e: {  	[smem:$0x3F7A] =	sst s2  }
0x8f: {  	_ = 	snop  }
0x90: {  	(tm) =	ssettm $0x1  }
0x91: {  	s17 =	sld [smem:$0x3FFB];
	_ =	sdelay $0x3  }
0x92: {  	_ =	strace s17  }
0x93: {  	s2 =	sld [smem:$0x3FFC];
	_ =	sdelay $0x3  }
0x94: {  	_ =	strace s2  }
0x95: {  	s2 =	sld [smem:$0x3FFD];
	_ =	sdelay $0x3  }
0x96: {  	_ =	strace s2  }
0x97: {  	_ =	strace $0x8FFFFFFF  }
0x98: {  	s18 =	sld [smem:$0x3FDB];
	_ =	sdelay $0x1  }
0x99: {  	s19 =	simm.s32 $_scs_section_size  }
0x9a: {  	s4 =	simm.s32 $_size__tile_overlayer_lowered;
	s5 =	simm.s32 $_tile_overlayer_lowered  }
0x9b: {  	s22 =	simm.s32 $0x1BFF;
	s21 =	sshll.u32 s5, $0x1;
	s2 =	sadd.s32 s19, s18  }
0x9c: {  	s6 =	simm.s32 $0x0;
	s20 =	sshll.u32 s4, $0x1;
	s4 =	sadd.s32 s21, s2  }
0x9d: {  	[timem:s6], [sflag:s22] =	dma.local [hbm:s4], s20  }
0x9e: {  	_ =	swait.ge [sflag:s22], s20  }
0x9f: {  	s3 =	ssub.s32 $0x0, s20;
	[sflag:s22] =	ssyncset.done $0x0  }
0xa0: {  	[sflag:s22] =	ssyncadd.s32 s3;
	_ =	sdelay $0x1  }
0xa1: {  	s23 =	simm.s32 $0x1B8B  }
0xa2: {  	_ =	swait.ge [sflag:s23], $0x1  }
0xa3: {  	[sflag:s23] =	ssyncset.done $0x0  }
0xa4: {  	s25 =	simm.s32 $0x1B8E;
	s24 =	sld [smem:$0x3FFE];
	[sflag:s23] =	ssyncadd.s32 $0xFFFFFFFF  }
0xa5: {  	s26 =	simm.s32 $execute0_lowered;
	[smem:$0x3FD2] =	sst s25  }
0xa6: {  	s4 =	sshll.u32 s26, $0x1;
	_ =	strace $0x8000004F;
	[dreg:$0x1] =	wrdreg $0xFFFFFFFF  }
0xa7: {  	s28 =	simm.s32 $_size_execute0_lowered;
	s2 =	sadd.s32 s2, s4;
	[dreg:$0x0] =	wrdreg $0x0  }
0xa8: {  	s4 =	sshll.u32 s28, $0x1;
	[dreg:$0x2] =	wrdreg s2  }
0xa9: {  	[dreg:$0x3] =	wrdreg s4  }
0xaa: {  	[dreg:$0x4] =	wrdreg $0xC0  }
0xab: {  	_ =	task [dreg:s6], $0x5FFFF  }
0xac: {  	[dreg:$0x1] =	wrdreg $0xFFFFFFFF  }
0xad: {  	[dreg:$0x0] =	wrdreg $0x60  }
0xae: {  	[dreg:$0x2] =	wrdreg s24  }
0xaf: {  	[dreg:$0x3] =	wrdreg $0xBD000  }
0xb0: {  	[dreg:$0x4] =	wrdreg $0x9  }
0xb1: {  	_ =	task.clear_ibuf [dreg:s6], $0x5FFFF;
	_ =	strace $0x9000004F  }
0xb2: {  	s29 =	simm.s32 $0x9;
	_ =	strace $0x80000051  }
0xb3: {  	_ =	swait.ge [sflag:s29], $0x1  }
0xb4: {  	[sflag:s29] =	ssyncadd.s32 $0xFFFFFFFF  }
0xb5: {  	_ =	strace $0x90000051  }
0xb6: {  	_ =	sfence  }
0xb7: {  	s30 =	sld [smem:$0x0];
	_ =	sdelay $0x2  }
0xb8: {  	s31 =	sshll.u32 s1, $0xD;
	s1 =	sshrl.u32 s1, $0x2  }
0xb9: {  	s3 =	sand.u32 $0x4000, s31;
	s1 =	sadd.s32 s1, s30  }
0xba: {  	s0 =	sor.u32 s3, s0;
	s1 =	sshll.u32 s1, $0x11  }
0xbb: {  	s0 =	sor.u32 s1, s0  }
0xbc: {  	s0 =	sadd.s32 $0x8F2B, s0  }
0xbd: {  	[sflag:s0] =	ssyncadd.remote.s32 $0x1  }
0xbe: {  	_ =	sfence.sel $0xFFFF  }
0xbf: {  	[dreg:$0x0] =	wrdreg $0xFFFFFFFF;
	(pc) =	sbr.abs _section_cstart, $3  }
0xc0: {  	[dreg:$0x1] =	wrdreg $0xFFFFFFFF  }
0xc1: {  	_ =	task.clear_ibuf [dreg:s6], $0x2FFFF;
	_ =	strace $0x9FFFFFFF  }
0xc2: {  	(tm) =	ssettm $0x7FFFFFFF  }
0xc3: {  	_ =	shalt  }
tec
execute0_lowered:
.L_overlay_start_1:
0x0: {  	(tag) =	ssettag $0x1  }
0x1: {  	s5 =	rddreg [dreg:$0x0]  }
0x2: {  	s0 =	srdreg.scid;
	s2 =	rddreg [dreg:$0x1]  }
0x3: {  	s1 =	rddreg [dreg:$0x2];
	s3 =	simm.s32 $0x0;
	s14 =	simm.s32 $0x4E80  }
0x4: {  	s15 =	simm.s32 $0x9D00;
	s16 =	simm.s32 $0x3;
	s6 =	sand.u32 $0x1, s0  }
0x5: {  	s17 =	simm.s32 $0x1;
	s0 =	stileid.u32;
	s7 =	smul.u32 $0x4E800, s6  }
0x6: {  	s18 =	simm.s32 $0x80;
	s19 =	simm.s32 $0x2;
	s8 =	smul.u32 $0x4E80, s0  }
0x7: {  	s22 =	simm.s32 $0x0;
	[smem:$0x7FF] =	sst s3;
	s9 =	smul.u32 $0xA000, s0  }
0x8: {  	s4 =	sadd.s32 $0x34E00, s5;
	s10 =	smul.u32 $0xA0000, s6;
	_ =	strace $0x80000050  }
0x9: {  	s29 =	smul.u32 $0x28000, s0;
	s6 =	ssub.s32 $0x2, s6;
	s20 =	sshll.u32 s0, $0x6  }
0xa: {  	s30 =	sshrl.u32 s6, $0x1;
	s20 =	sor.u32 $0x1C03, s20;
	s7 =	sadd.s32 s8, s7  }
0xb: {  	s28 =	sadd.s32 s9, s10;
	s31 =	sshrl.u32 s29, $0x2;
	s13 =	ssub.s32 s6, s30  }
0xc: {  	s7 =	sshrl.u32 s7, $0x3;
	s8 =	sshrl.u32 s28, $0x3;
	s11 =	sadd.s32 s31, s2  }
0xd: {  	s13 =	smax.u32 s13, $0x1;
	s7 =	sadd.s32 s7, s5;
	s12 =	sadd.s32 s8, s5  }
0xe: {  	s8 =	sadd.s32 $0x2000, s11;
	s10 =	sadd.s32 $0x6000, s11;
	s5 =	sadd.s32 $0xDA00, s7  }
0xf: {  	s6 =	sadd.s32 $0x21400, s7;
	s7 =	sadd.s32 s9, s2;
	s9 =	sadd.s32 $0x4000, s11  }
0x10: {  	v0 =	vimm.f32 $0.0e+00;
	s11 =	sadd.s32 $0x8000, s11;
	s12 =	sadd.s32 $0x5C000, s12;
	s21 =	sshrl.u32 s7, $0x3  }
.LBB2_1:
0x11: {  	[tilespmem:s3], [sflag:$0x1] =	stream.linear.gather [hbm4b:s5+s3], $0x4E80, $0x38;
	[tilespmem:$0x15D00] =	vst v63  }
0x12: {  	s24 =	simm.s32 $0x100;
	s23 =	simm.s32 $0x0  }
0x13: {  	[tilespmem:s14], [sflag:$0x1] =	stream.linear.gather [hbm4b:s6+s3], $0x4E80, $0x38;
	[tilespmem:$0x15D00] =	vst v63  }
.LBB2_2:
0x14: {  	p0 =	sne.s32 s24, $0x7F00;
	[tilespmem:s23+$0x9D30] =	vst v0;
	s25 =	smov.u32 s24;
	s24 =	sadd.s32 $0x100, s24  }
.Ltmp0:
0x15: {  	[tilespmem:s23+$0x9D20] =	vst v0;
	(pc) =	sbr.rel @p0 .LBB2_2-.Ltmp0, $3  }
0x16: {  	[tilespmem:s23+$0x9D00] =	vst v0  }
0x17: {  	[tilespmem:s23+$0x9D10] =	vst v0;
	_ =	sdelay $0x1  }
0x18: {  	s23 =	sshra.s32 s25, $0x2  }
0x19: {  	[tilespmem:s23+$0x9D30] =	vst v0  }
0x1a: {  	[tilespmem:s23+$0x9D20] =	vst v0  }
0x1b: {  	[tilespmem:s23+$0x9D00] =	vst v0  }
0x1c: {  	[tilespmem:s23+$0x9D10] =	vst v0  }
0x1d: {  	[spmem:s7] =	stream.linear.scatter [tilespmem:s15], [sflag:$0x3], $0x2000, $0x38;
	[tilespmem:$0x15D00] =	vst v63  }
0x1e: {  	_ =	swait.ge [sflag:s16], $0x2000  }
0x1f: {  	[sflag:s16] =	ssyncset.done $0x0  }
0x20: {  	[sflag:s16] =	ssyncadd.s32 $0xFFFFE000  }
0x21: {  	[spmem:s8] =	stream.linear.scatter [tilespmem:s15], [sflag:$0x3], $0x2000, $0x38;
	[tilespmem:$0x15D00] =	vst v63  }
0x22: {  	_ =	swait.ge [sflag:s16], $0x2000  }
0x23: {  	[sflag:s16] =	ssyncset.done $0x0  }
0x24: {  	[sflag:s16] =	ssyncadd.s32 $0xFFFFE000  }
0x25: {  	[spmem:s9] =	stream.linear.scatter [tilespmem:s15], [sflag:$0x3], $0x2000, $0x38;
	[tilespmem:$0x15D00] =	vst v63  }
0x26: {  	_ =	swait.ge [sflag:s16], $0x2000  }
0x27: {  	[sflag:s16] =	ssyncset.done $0x0  }
0x28: {  	[sflag:s16] =	ssyncadd.s32 $0xFFFFE000  }
0x29: {  	[spmem:s10] =	stream.linear.scatter [tilespmem:s15], [sflag:$0x3], $0x2000, $0x38;
	[tilespmem:$0x15D00] =	vst v63  }
0x2a: {  	_ =	swait.ge [sflag:s16], $0x2000  }
0x2b: {  	[sflag:s16] =	ssyncset.done $0x0  }
0x2c: {  	[sflag:s16] =	ssyncadd.s32 $0xFFFFE000  }
0x2d: {  	[spmem:s11] =	stream.linear.scatter [tilespmem:s15], [sflag:$0x3], $0x2000, $0x38;
	[tilespmem:$0x15D00] =	vst v63  }
0x2e: {  	_ =	swait.ge [sflag:s16], $0x2000  }
0x2f: {  	[sflag:s16] =	ssyncset.done $0x0  }
0x30: {  	[sflag:s16] =	ssyncadd.s32 $0xFFFFE000  }
0x31: {  	_ =	swait.ge [sflag:s17], $0x4E80  }
0x32: {  	[sflag:s17] =	ssyncset.done $0x0  }
0x33: {  	[sflag:s17] =	ssyncadd.s32 $0xFFFFB180  }
0x34: {  	_ =	swait.ge [sflag:s17], $0x4E80  }
0x35: {  	[sflag:s17] =	ssyncset.done $0x0  }
0x36: {  	[sflag:s17] =	ssyncadd.s32 $0xFFFFB180  }
0x37: {  	s30 =	simm.s32 $0x0;
	[bflag:$0x0] =	sbarrier.arrive $0xFFFF  }
0x38: {  	[tilespmem:s15], [sflag:$0x2] =	stream.indirect.gather [hbm4b:s4+s18], $0x40, s30, s18, $0xb8;
	[tilespmem:$0x15D00] =	vst v63  }
0x39: {  	_ =	swait.ge [sflag:s19], $0x2000  }
0x3a: {  	[sflag:s19] =	ssyncset.done $0x0  }
0x3b: {  	s31 =	simm.s32 $0x4E80;
	[sflag:s19] =	ssyncadd.s32 $0xFFFFE000  }
0x3c: {  	[spmem:s2] =	stream.indirect.scatter.add.f32 [tilespmem:s15], [sflag:$0x3], $0x40, s31, s18, $0xb8;
	[tilespmem:$0x15D00] =	vst v63  }
0x3d: {  	_ =	swait.ge [sflag:s16], $0x2000  }
0x3e: {  	s23 =	simm.s32 $0x200;
	s24 =	simm.s32 $0x400;
	[sflag:s16] =	ssyncset.done $0x0  }
.LBB2_4:
0x3f: {  	s25 =	sshra.s32 s23, $0x2  }
0x40: {  	[sflag:s16] =	ssyncadd.s32 $0xFFFFE000;
	s23 =	smov.u32 s24;
	s26 =	sadd.s32 $0x200, s24  }
0x41: {  	[tilespmem:s15], [sflag:$0x2] =	stream.indirect.gather [hbm4b:s4+s18], $0x40, s25, s18, $0xb8;
	[tilespmem:$0x15D00] =	vst v63  }
0x42: {  	p0 =	sne.s32 s24, $0x13800;
	_ =	swait.ge [sflag:s19], $0x2000  }
.Ltmp1:
0x43: {  	[sflag:s19] =	ssyncset.done $0x0;
	(pc) =	sbr.rel @p0 .LBB2_4-.Ltmp1, $4  }
0x44: {  	s24 =	sadd.s32 $0x4E80, s25;
	[sflag:s19] =	ssyncadd.s32 $0xFFFFE000  }
0x45: {  	[spmem:s2] =	stream.indirect.scatter.add.f32 [tilespmem:s15], [sflag:$0x3], $0x40, s24, s18, $0xb8;
	[tilespmem:$0x15D00] =	vst v63  }
0x46: {  	_ =	swait.ge [sflag:s16], $0x2000  }
0x47: {  	s24 =	smov.u32 s26;
	[sflag:s16] =	ssyncset.done $0x0  }
0x48: {  	s23 =	sshra.s32 s23, $0x2;
	[sflag:s16] =	ssyncadd.s32 $0xFFFFE000  }
0x49: {  	[tilespmem:s15], [sflag:$0x2] =	stream.indirect.gather [hbm4b:s4+s18], $0x40, s23, s18, $0xb8;
	[tilespmem:$0x15D00] =	vst v63  }
0x4a: {  	_ =	swait.ge [sflag:s19], $0x2000  }
0x4b: {  	[sflag:s19] =	ssyncset.done $0x0  }
0x4c: {  	s23 =	sadd.s32 $0x4E80, s23;
	[sflag:s19] =	ssyncadd.s32 $0xFFFFE000  }
0x4d: {  	[spmem:s2] =	stream.indirect.scatter.add.f32 [tilespmem:s15], [sflag:$0x3], $0x40, s23, s18, $0xb8;
	[tilespmem:$0x15D00] =	vst v63  }
0x4e: {  	_ =	swait.ge [sflag:s16], $0x2000  }
0x4f: {  	s22 =	sadd.s32 $0x1, s22;
	[sflag:s16] =	ssyncset.done $0x0  }
0x50: {  	p0 =	sne.s32 s22, s13;
	[sflag:s16] =	ssyncadd.s32 $0xFFFFE000  }
.Ltmp2:
0x51: {  	[bflag:$0x0] =	sbarrier.arrive $0xFFFF;
	(pc) =	sbr.rel @p0 .LBB2_1-.Ltmp2, $4  }
0x52: {  	[hbm:s12], [sflag:s20] =	dma.local [spmem:s21], $0x1400  }
0x53: {  	_ =	swait.ge [sflag:s16], $0x1400  }
0x54: {  	[sflag:s16] =	ssyncset.done $0x0  }
0x55: {  	[sflag:s16] =	ssyncadd.s32 $0xFFFFEC00  }
0x56: {  	_ =	sfence.sel $0x180000  }
0x57: {  	[bflag:$0x0] =	sbarrier.arrive $0xFFFF  }
0x58: {  	p0 =	sne.s32 s0, $0x0;
	_ =	strace $0x90000050  }
0x59: {  	s0 =	sadd.s32 @!p0 $0x100000, s1;
	[bflag:$0x2] =	sbarrier.arrive $0xFFFF  }
0x5a: {  	[sflag:s0] =	ssyncadd.tile.s32 @!p0 $0x1;
	_ =	shalt  }
.Lfunc_end2:
_tile_overlayer_lowered:
.L_overlay_start_2:
0x5b: {  	(tag) =	ssettag $0x2  }
0x5c: {  	s0 =	rddreg [dreg:$0x0];
	s2 =	stileid.u32  }
0x5d: {  	s1 =	rddreg [dreg:$0x1];
	p0 =	sne.s32 s2, $0x0  }
0x5e: {  	s3 =	rddreg [dreg:$0x2];
	[bflag:$0x3] =	sbarrier.arrive $0xFFFF;
	s2 =	simm.s32 @!p0 $0x1C03  }
0x5f: {  	[timem:s3], [sflag:s2] =	dma.local @!p0 [hbm:s0], s1  }
0x60: {  	s0 =	simm.s32 @!p0 $0x3  }
0x61: {  	_ =	swait.ge @!p0 [sflag:s0], s1  }
0x62: {  	s1 =	ssub.s32 @!p0 $0x0, s1;
	[sflag:s0] =	ssyncset.done @!p0 $0x0  }
0x63: {  	[sflag:s0] =	ssyncadd.s32 @!p0 s1  }
0x64: {  	[bflag:$0x3] =	sbarrier.arrive $0xFFFF  }
0x65: {  	_ =	shalt  }

</sc_bundles>
